<compile_context>
chip_gen: v7x
topology: tpu7x:2x2x1
jax: 0.10.2.dev20260603
libtpu: 0.0.44.dev20260713+nightly
codegen_flags: <defaults>
</compile_context>

<pallas_src>
import functools

import jax
import jax.numpy as jnp
from jax import lax
from jax.experimental import pallas as pl
from jax.experimental.pallas import tpu as pltpu
from jax.experimental.pallas import tpu_sc as plsc

_SHIFT = 8192
_LANE = 128

_NC = 2
_NS = 16
_NW = _NC * _NS

_NBUF = 3
_AHEAD = 2
_CHUNKS_PER_PAIR = 8


def _chunk_layout(out_len):
    total = out_len // _LANE
    n = _CHUNKS_PER_PAIR
    base, rem = divmod(total, n)
    lens = [base + (1 if i < rem else 0) for i in range(n)]
    offs, acc = [], 0
    for ln in lens:
        offs.append(acc)
        acc += ln
    return list(zip(offs, lens))


def _make_sc_copy(s, b, c, in_len, out_len, dtype):
    pairs = s * b
    pairs_per_w = pairs // _NW
    chunks = _chunk_layout(out_len)
    max_tiles = max(ln for _, ln in chunks)
    tasks = [(p, off, ln) for p in range(pairs_per_w) for off, ln in chunks]
    ntask = len(tasks)

    mesh = plsc.VectorSubcoreMesh(core_axis_name="c", subcore_axis_name="s")

    @functools.partial(
        pl.kernel,
        out_type=jax.ShapeDtypeStruct((s, b, c, out_len), dtype),
        mesh=mesh,
        scratch_types=[pltpu.VMEM((c, max_tiles * _LANE), dtype)] * _NBUF + [
            pltpu.SemaphoreType.DMA((_NBUF,)),
            pltpu.SemaphoreType.DMA((_NBUF,)),
        ],
        compiler_params=pltpu.CompilerParams(skip_device_barrier=True),
    )
    def sc_copy(in_hbm, out_hbm, *rest):
        bufs, (rsem, wsem) = rest[:_NBUF], rest[_NBUF:]
        wid = lax.axis_index("s") * _NC + lax.axis_index("c")
        base_pair = wid * pairs_per_w

        def read_copy(t):
            p, off, ln = tasks[t]
            pair = base_pair + p
            si = pair // b
            bi = lax.rem(pair, b)
            slot = t % _NBUF
            return pltpu.make_async_copy(
                in_hbm.at[si, bi, :, pl.ds(off * _LANE, ln * _LANE)],
                bufs[slot].at[:, pl.ds(0, ln * _LANE)],
                rsem.at[slot],
            )

        def write_copy(t):
            p, off, ln = tasks[t]
            pair = base_pair + p
            si = pair // b
            bi = lax.rem(pair, b)
            slot = t % _NBUF
            return pltpu.make_async_copy(
                bufs[slot].at[:, pl.ds(0, ln * _LANE)],
                out_hbm.at[si, bi, :, pl.ds(off * _LANE, ln * _LANE)],
                wsem.at[slot],
            )

        for t in range(min(_AHEAD, ntask)):
            read_copy(t).start()
        for t in range(ntask):
            nt = t + _AHEAD
            if nt < ntask:
                if nt >= _NBUF:
                    write_copy(nt - _NBUF).wait()
                read_copy(nt).start()
            read_copy(t).wait()
            write_copy(t).start()
        for t in range(max(0, ntask - _NBUF), ntask):
            write_copy(t).wait()

    return sc_copy


def kernel(wav):
    s, b, c, length = wav.shape
    out_len = length - _SHIFT
    return _make_sc_copy(s, b, c, length, out_len, wav.dtype)(wav)

# --- scband reference (transcript-rebuilt; emitter-appended) ---
"""Pipeline reference for scband-shift-38036230374047 (READ-ONLY COPY).

The authoritative reference and input builder live on the scoring server;
editing this copy changes nothing except your own understanding.
"""

import jax, jax.numpy as jnp
import numpy as np

SHIFT = 8192

def setup_inputs(seed: int = 0) -> dict:
    key = jax.random.key(seed)
    wav = jax.random.normal(key, (2, 32, 2, 160000), dtype=jnp.float32)
    return {"wav": wav}

def reference(wav):
    # Shift module in eval mode (deterministic path): trims the last `shift`
    # samples so all augmented crops share a common valid length.
    # wav: [sources, batch, channels, length]
    length = wav.shape[-1] - SHIFT
    if SHIFT > 0:
        wav = wav[..., :length]
    return wav

if __name__ == "__main__":
    import jax
    _d = setup_inputs()
    print(jax.jit(kernel)(*tuple(_d.values())))

</pallas_src>

<mosaic_0001>
#map = affine_map<(d0, d1) -> (0, 0, 0, 0)>
module attributes {stable_mosaic.version = 14 : i64} {
  func.func @sc_copy(%arg0: i32, %arg1: i32, %arg2: memref<2x32x2x160000xf32, #tpu.memory_space<hbm>>, %arg3: memref<2x32x2x151808xf32, #tpu.memory_space<hbm>>, %arg4: memref<2x19072xf32, #tpu.memory_space<vmem>>, %arg5: memref<2x19072xf32, #tpu.memory_space<vmem>>, %arg6: memref<2x19072xf32, #tpu.memory_space<vmem>>, %arg7: memref<3x!tpu.dma_semaphore, #tpu.memory_space<semaphore_mem>>, %arg8: memref<3x!tpu.dma_semaphore, #tpu.memory_space<semaphore_mem>>) attributes {dimension_semantics = [#tpu.dimension_semantics<core_parallel>, #tpu.dimension_semantics<subcore_parallel>], iteration_bounds = array<i64: 2, 16>, scalar_prefetch = 0 : i64, scratch_operands = 5 : i64, tpu.core_type = #tpu.core_type<sc_vector_subcore>, window_params = [{transform_indices = #map}, {transform_indices = #map}]} {
    %mul3A = arith.constant 2 : i32
    %mul3A_0 = arith.muli %arg1, %mul3A : i32
    %add3A = arith.addi %mul3A_0, %arg0 : i32
    %mul3A_1 = arith.constant 2 : i32
    %mul3A_2 = arith.muli %add3A, %mul3A_1 : i32
    %add3A_3 = arith.constant 0 : i32
    %add3A_4 = arith.addi %mul3A_2, %add3A_3 : i32
    %jit3A = arith.constant 32 : i32
    %div3A = arith.divsi %add3A_4, %jit3A : i32
    %sign3A = arith.constant 0 : i32
    %sign3A_5 = arith.cmpi sgt, %add3A_4, %sign3A : i32
    %sign3A_6 = arith.extui %sign3A_5 : i1 to i32
    %sign3A_7 = arith.constant 0 : i32
    %sign3A_8 = arith.cmpi slt, %add3A_4, %sign3A_7 : i32
    %sign3A_9 = arith.extui %sign3A_8 : i1 to i32
    %sign3A_10 = arith.subi %sign3A_6, %sign3A_9 : i32
    %sign3A_11 = arith.constant 0 : i32
    %sign3A_12 = arith.cmpi sgt, %jit3A, %sign3A_11 : i32
    %sign3A_13 = arith.extui %sign3A_12 : i1 to i32
    %sign3A_14 = arith.constant 0 : i32
    %sign3A_15 = arith.cmpi slt, %jit3A, %sign3A_14 : i32
    %sign3A_16 = arith.extui %sign3A_15 : i1 to i32
    %sign3A_17 = arith.subi %sign3A_13, %sign3A_16 : i32
    %ne3A = arith.cmpi ne, %sign3A_10, %sign3A_17 : i32
    %rem3A = arith.remsi %add3A_4, %jit3A : i32
    %ne3A_18 = arith.constant 0 : i32
    %ne3A_19 = arith.cmpi ne, %rem3A, %ne3A_18 : i32
    %and3A = arith.andi %ne3A, %ne3A_19 : i1
    %sub3A = arith.constant 1 : i32
    %sub3A_20 = arith.subi %div3A, %sub3A : i32
    %select_n3A = arith.select %and3A, %sub3A_20, %div3A : i32
    %rem3A_21 = arith.constant 32 : i32
    %rem3A_22 = arith.remsi %add3A_4, %rem3A_21 : i32
    %dma_start3A = arith.constant 0 : i32
    %dma_start3A_23 = arith.constant 0 : i32
    %dma_start3A_24 = arith.constant 0 : i32
    %dma_start3A_25 = tpu.memref_slice %arg4[%dma_start3A_23, %dma_start3A_24] : memref<2x19072xf32, #tpu.memory_space<vmem>> -> memref<2x19072xf32, #tpu.memory_space<vmem>>
    %dma_start3A_26 = arith.constant 0 : i32
    %dma_start3A_27 = arith.constant 0 : i32
    %dma_start3A_28 = tpu.memref_slice %arg2[%select_n3A, %rem3A_22, %dma_start3A_26, %dma_start3A_27] : memref<2x32x2x160000xf32, #tpu.memory_space<hbm>> -> memref<1x1x2x19072xf32, #tpu.memory_space<hbm>>
    %dma_start3A_29 = tpu.memref_squeeze %dma_start3A_28 : memref<1x1x2x19072xf32, #tpu.memory_space<hbm>> -> memref<2x19072xf32, #tpu.memory_space<hbm>>
    %dma_start3A_30 = tpu.memref_slice %arg7[%dma_start3A] : memref<3x!tpu.dma_semaphore, #tpu.memory_space<semaphore_mem>> -> memref<1x!tpu.dma_semaphore, #tpu.memory_space<semaphore_mem>>
    %dma_start3A_31 = tpu.memref_squeeze %dma_start3A_30 : memref<1x!tpu.dma_semaphore, #tpu.memory_space<semaphore_mem>> -> memref<!tpu.dma_semaphore, #tpu.memory_space<semaphore_mem>>
    %dma_start3A_32 = arith.constant 0 : i32
    %dma_start3A_33 = arith.constant 0 : i32
    %dma_start3A_34 = tpu.memref_slice %arg4[%dma_start3A_32, %dma_start3A_33] : memref<2x19072xf32, #tpu.memory_space<vmem>> -> memref<2x19072xf32, #tpu.memory_space<vmem>>
    %dma_start3A_35 = arith.constant 0 : i32
    %dma_start3A_36 = arith.constant 0 : i32
    %dma_start3A_37 = tpu.memref_slice %arg2[%select_n3A, %rem3A_22, %dma_start3A_35, %dma_start3A_36] : memref<2x32x2x160000xf32, #tpu.memory_space<hbm>> -> memref<1x1x2x19072xf32, #tpu.memory_space<hbm>>
    %dma_start3A_38 = tpu.memref_squeeze %dma_start3A_37 : memref<1x1x2x19072xf32, #tpu.memory_space<hbm>> -> memref<2x19072xf32, #tpu.memory_space<hbm>>
    tpu.enqueue_dma source(%dma_start3A_38 : memref<2x19072xf32, #tpu.memory_space<hbm>>) target(%dma_start3A_34 : memref<2x19072xf32, #tpu.memory_space<vmem>>) target_semaphore(%dma_start3A_31 : memref<!tpu.dma_semaphore, #tpu.memory_space<semaphore_mem>>)
    %add3A_39 = arith.constant 0 : i32
    %add3A_40 = arith.addi %mul3A_2, %add3A_39 : i32
    %jit3A_41 = arith.constant 32 : i32
    %div3A_42 = arith.divsi %add3A_40, %jit3A_41 : i32
    %sign3A_43 = arith.constant 0 : i32
    %sign3A_44 = arith.cmpi sgt, %add3A_40, %sign3A_43 : i32
    %sign3A_45 = arith.extui %sign3A_44 : i1 to i32
    %sign3A_46 = arith.constant 0 : i32
    %sign3A_47 = arith.cmpi slt, %add3A_40, %sign3A_46 : i32
    %sign3A_48 = arith.extui %sign3A_47 : i1 to i32
    %sign3A_49 = arith.subi %sign3A_45, %sign3A_48 : i32
    %sign3A_50 = arith.constant 0 : i32
    %sign3A_51 = arith.cmpi sgt, %jit3A_41, %sign3A_50 : i32
    %sign3A_52 = arith.extui %sign3A_51 : i1 to i32
    %sign3A_53 = arith.constant 0 : i32
    %sign3A_54 = arith.cmpi slt, %jit3A_41, %sign3A_53 : i32
    %sign3A_55 = arith.extui %sign3A_54 : i1 to i32
    %sign3A_56 = arith.subi %sign3A_52, %sign3A_55 : i32
    %ne3A_57 = arith.cmpi ne, %sign3A_49, %sign3A_56 : i32
    %rem3A_58 = arith.remsi %add3A_40, %jit3A_41 : i32
    %ne3A_59 = arith.constant 0 : i32
    %ne3A_60 = arith.cmpi ne, %rem3A_58, %ne3A_59 : i32
    %and3A_61 = arith.andi %ne3A_57, %ne3A_60 : i1
    %sub3A_62 = arith.constant 1 : i32
    %sub3A_63 = arith.subi %div3A_42, %sub3A_62 : i32
    %select_n3A_64 = arith.select %and3A_61, %sub3A_63, %div3A_42 : i32
    %rem3A_65 = arith.constant 32 : i32
    %rem3A_66 = arith.remsi %add3A_40, %rem3A_65 : i32
    %dma_start3A_67 = arith.constant 1 : i32
    %dma_start3A_68 = arith.constant 0 : i32
    %dma_start3A_69 = arith.constant 0 : i32
    %dma_start3A_70 = tpu.memref_slice %arg5[%dma_start3A_68, %dma_start3A_69] : memref<2x19072xf32, #tpu.memory_space<vmem>> -> memref<2x19072xf32, #tpu.memory_space<vmem>>
    %dma_start3A_71 = arith.constant 0 : i32
    %dma_start3A_72 = arith.constant 19072 : i32
    %dma_start3A_73 = tpu.memref_slice %arg2[%select_n3A_64, %rem3A_66, %dma_start3A_71, %dma_start3A_72] : memref<2x32x2x160000xf32, #tpu.memory_space<hbm>> -> memref<1x1x2x19072xf32, #tpu.memory_space<hbm>>
    %dma_start3A_74 = tpu.memref_squeeze %dma_start3A_73 : memref<1x1x2x19072xf32, #tpu.memory_space<hbm>> -> memref<2x19072xf32, #tpu.memory_space<hbm>>
    %dma_start3A_75 = tpu.memref_slice %arg7[%dma_start3A_67] : memref<3x!tpu.dma_semaphore, #tpu.memory_space<semaphore_mem>> -> memref<1x!tpu.dma_semaphore, #tpu.memory_space<semaphore_mem>>
    %dma_start3A_76 = tpu.memref_squeeze %dma_start3A_75 : memref<1x!tpu.dma_semaphore, #tpu.memory_space<semaphore_mem>> -> memref<!tpu.dma_semaphore, #tpu.memory_space<semaphore_mem>>
    %dma_start3A_77 = arith.constant 0 : i32
    %dma_start3A_78 = arith.constant 0 : i32
    %dma_start3A_79 = tpu.memref_slice %arg5[%dma_start3A_77, %dma_start3A_78] : memref<2x19072xf32, #tpu.memory_space<vmem>> -> memref<2x19072xf32, #tpu.memory_space<vmem>>
    %dma_start3A_80 = arith.constant 0 : i32
    %dma_start3A_81 = arith.constant 19072 : i32
    %dma_start3A_82 = tpu.memref_slice %arg2[%select_n3A_64, %rem3A_66, %dma_start3A_80, %dma_start3A_81] : memref<2x32x2x160000xf32, #tpu.memory_space<hbm>> -> memref<1x1x2x19072xf32, #tpu.memory_space<hbm>>
    %dma_start3A_83 = tpu.memref_squeeze %dma_start3A_82 : memref<1x1x2x19072xf32, #tpu.memory_space<hbm>> -> memref<2x19072xf32, #tpu.memory_space<hbm>>
    tpu.enqueue_dma source(%dma_start3A_83 : memref<2x19072xf32, #tpu.memory_space<hbm>>) target(%dma_start3A_79 : memref<2x19072xf32, #tpu.memory_space<vmem>>) target_semaphore(%dma_start3A_76 : memref<!tpu.dma_semaphore, #tpu.memory_space<semaphore_mem>>)
    %add3A_84 = arith.constant 0 : i32
    %add3A_85 = arith.addi %mul3A_2, %add3A_84 : i32
    %jit3A_86 = arith.constant 32 : i32
    %div3A_87 = arith.divsi %add3A_85, %jit3A_86 : i32
    %sign3A_88 = arith.constant 0 : i32
    %sign3A_89 = arith.cmpi sgt, %add3A_85, %sign3A_88 : i32
    %sign3A_90 = arith.extui %sign3A_89 : i1 to i32
    %sign3A_91 = arith.constant 0 : i32
    %sign3A_92 = arith.cmpi slt, %add3A_85, %sign3A_91 : i32
    %sign3A_93 = arith.extui %sign3A_92 : i1 to i32
    %sign3A_94 = arith.subi %sign3A_90, %sign3A_93 : i32
    %sign3A_95 = arith.constant 0 : i32
    %sign3A_96 = arith.cmpi sgt, %jit3A_86, %sign3A_95 : i32
    %sign3A_97 = arith.extui %sign3A_96 : i1 to i32
    %sign3A_98 = arith.constant 0 : i32
    %sign3A_99 = arith.cmpi slt, %jit3A_86, %sign3A_98 : i32
    %sign3A_100 = arith.extui %sign3A_99 : i1 to i32
    %sign3A_101 = arith.subi %sign3A_97, %sign3A_100 : i32
    %ne3A_102 = arith.cmpi ne, %sign3A_94, %sign3A_101 : i32
    %rem3A_103 = arith.remsi %add3A_85, %jit3A_86 : i32
    %ne3A_104 = arith.constant 0 : i32
    %ne3A_105 = arith.cmpi ne, %rem3A_103, %ne3A_104 : i32
    %and3A_106 = arith.andi %ne3A_102, %ne3A_105 : i1
    %sub3A_107 = arith.constant 1 : i32
    %sub3A_108 = arith.subi %div3A_87, %sub3A_107 : i32
    %select_n3A_109 = arith.select %and3A_106, %sub3A_108, %div3A_87 : i32
    %rem3A_110 = arith.constant 32 : i32
    %rem3A_111 = arith.remsi %add3A_85, %rem3A_110 : i32
    %dma_start3A_112 = arith.constant 2 : i32
    %dma_start3A_113 = arith.constant 0 : i32
    %dma_start3A_114 = arith.constant 0 : i32
    %dma_start3A_115 = tpu.memref_slice %arg6[%dma_start3A_113, %dma_start3A_114] : memref<2x19072xf32, #tpu.memory_space<vmem>> -> memref<2x18944xf32, #tpu.memory_space<vmem>>
    %dma_start3A_116 = arith.constant 0 : i32
    %dma_start3A_117 = arith.constant 38144 : i32
    %dma_start3A_118 = tpu.memref_slice %arg2[%select_n3A_109, %rem3A_111, %dma_start3A_116, %dma_start3A_117] : memref<2x32x2x160000xf32, #tpu.memory_space<hbm>> -> memref<1x1x2x18944xf32, #tpu.memory_space<hbm>>
    %dma_start3A_119 = tpu.memref_squeeze %dma_start3A_118 : memref<1x1x2x18944xf32, #tpu.memory_space<hbm>> -> memref<2x18944xf32, #tpu.memory_space<hbm>>
    %dma_start3A_120 = tpu.memref_slice %arg7[%dma_start3A_112] : memref<3x!tpu.dma_semaphore, #tpu.memory_space<semaphore_mem>> -> memref<1x!tpu.dma_semaphore, #tpu.memory_space<semaphore_mem>>
    %dma_start3A_121 = tpu.memref_squeeze %dma_start3A_120 : memref<1x!tpu.dma_semaphore, #tpu.memory_space<semaphore_mem>> -> memref<!tpu.dma_semaphore, #tpu.memory_space<semaphore_mem>>
    %dma_start3A_122 = arith.constant 0 : i32
    %dma_start3A_123 = arith.constant 0 : i32
    %dma_start3A_124 = tpu.memref_slice %arg6[%dma_start3A_122, %dma_start3A_123] : memref<2x19072xf32, #tpu.memory_space<vmem>> -> memref<2x18944xf32, #tpu.memory_space<vmem>>
    %dma_start3A_125 = arith.constant 0 : i32
    %dma_start3A_126 = arith.constant 38144 : i32
    %dma_start3A_127 = tpu.memref_slice %arg2[%select_n3A_109, %rem3A_111, %dma_start3A_125, %dma_start3A_126] : memref<2x32x2x160000xf32, #tpu.memory_space<hbm>> -> memref<1x1x2x18944xf32, #tpu.memory_space<hbm>>
    %dma_start3A_128 = tpu.memref_squeeze %dma_start3A_127 : memref<1x1x2x18944xf32, #tpu.memory_space<hbm>> -> memref<2x18944xf32, #tpu.memory_space<hbm>>
    tpu.enqueue_dma source(%dma_start3A_128 : memref<2x18944xf32, #tpu.memory_space<hbm>>) target(%dma_start3A_124 : memref<2x18944xf32, #tpu.memory_space<vmem>>) target_semaphore(%dma_start3A_121 : memref<!tpu.dma_semaphore, #tpu.memory_space<semaphore_mem>>)
    %add3A_129 = arith.constant 0 : i32
    %add3A_130 = arith.addi %mul3A_2, %add3A_129 : i32
    %jit3A_131 = arith.constant 32 : i32
    %div3A_132 = arith.divsi %add3A_130, %jit3A_131 : i32
    %sign3A_133 = arith.constant 0 : i32
    %sign3A_134 = arith.cmpi sgt, %add3A_130, %sign3A_133 : i32
    %sign3A_135 = arith.extui %sign3A_134 : i1 to i32
    %sign3A_136 = arith.constant 0 : i32
    %sign3A_137 = arith.cmpi slt, %add3A_130, %sign3A_136 : i32
    %sign3A_138 = arith.extui %sign3A_137 : i1 to i32
    %sign3A_139 = arith.subi %sign3A_135, %sign3A_138 : i32
    %sign3A_140 = arith.constant 0 : i32
    %sign3A_141 = arith.cmpi sgt, %jit3A_131, %sign3A_140 : i32
    %sign3A_142 = arith.extui %sign3A_141 : i1 to i32
    %sign3A_143 = arith.constant 0 : i32
    %sign3A_144 = arith.cmpi slt, %jit3A_131, %sign3A_143 : i32
    %sign3A_145 = arith.extui %sign3A_144 : i1 to i32
    %sign3A_146 = arith.subi %sign3A_142, %sign3A_145 : i32
    %ne3A_147 = arith.cmpi ne, %sign3A_139, %sign3A_146 : i32
    %rem3A_148 = arith.remsi %add3A_130, %jit3A_131 : i32
    %ne3A_149 = arith.constant 0 : i32
    %ne3A_150 = arith.cmpi ne, %rem3A_148, %ne3A_149 : i32
    %and3A_151 = arith.andi %ne3A_147, %ne3A_150 : i1
    %sub3A_152 = arith.constant 1 : i32
    %sub3A_153 = arith.subi %div3A_132, %sub3A_152 : i32
    %select_n3A_154 = arith.select %and3A_151, %sub3A_153, %div3A_132 : i32
    %rem3A_155 = arith.constant 32 : i32
    %rem3A_156 = arith.remsi %add3A_130, %rem3A_155 : i32
    %dma_wait3A = arith.constant 0 : i32
    %dma_wait3A_157 = arith.constant 0 : i32
    %dma_wait3A_158 = arith.constant 0 : i32
    %dma_wait3A_159 = tpu.memref_slice %arg4[%dma_wait3A_157, %dma_wait3A_158] : memref<2x19072xf32, #tpu.memory_space<vmem>> -> memref<2x19072xf32, #tpu.memory_space<vmem>>
    %dma_wait3A_160 = arith.constant 0 : i32
    %dma_wait3A_161 = arith.constant 0 : i32
    %dma_wait3A_162 = tpu.memref_slice %arg2[%select_n3A_154, %rem3A_156, %dma_wait3A_160, %dma_wait3A_161] : memref<2x32x2x160000xf32, #tpu.memory_space<hbm>> -> memref<1x1x2x19072xf32, #tpu.memory_space<hbm>>
    %dma_wait3A_163 = tpu.memref_squeeze %dma_wait3A_162 : memref<1x1x2x19072xf32, #tpu.memory_space<hbm>> -> memref<2x19072xf32, #tpu.memory_space<hbm>>
    %dma_wait3A_164 = tpu.memref_slice %arg7[%dma_wait3A] : memref<3x!tpu.dma_semaphore, #tpu.memory_space<semaphore_mem>> -> memref<1x!tpu.dma_semaphore, #tpu.memory_space<semaphore_mem>>
    %dma_wait3A_165 = tpu.memref_squeeze %dma_wait3A_164 : memref<1x!tpu.dma_semaphore, #tpu.memory_space<semaphore_mem>> -> memref<!tpu.dma_semaphore, #tpu.memory_space<semaphore_mem>>
    %dma_wait3A_166 = arith.constant 0 : i32
    %dma_wait3A_167 = arith.constant 0 : i32
    %dma_wait3A_168 = tpu.memref_slice %arg4[%dma_wait3A_166, %dma_wait3A_167] : memref<2x19072xf32, #tpu.memory_space<vmem>> -> memref<2x19072xf32, #tpu.memory_space<vmem>>
    %dma_wait3A_169 = arith.constant 0 : i32
    %dma_wait3A_170 = arith.constant 0 : i32
    %dma_wait3A_171 = tpu.memref_slice %arg2[%select_n3A_154, %rem3A_156, %dma_wait3A_169, %dma_wait3A_170] : memref<2x32x2x160000xf32, #tpu.memory_space<hbm>> -> memref<1x1x2x19072xf32, #tpu.memory_space<hbm>>
    %dma_wait3A_172 = tpu.memref_squeeze %dma_wait3A_171 : memref<1x1x2x19072xf32, #tpu.memory_space<hbm>> -> memref<2x19072xf32, #tpu.memory_space<hbm>>
    tpu.wait_dma2 semaphore(%dma_wait3A_165 : memref<!tpu.dma_semaphore, #tpu.memory_space<semaphore_mem>>) src(%dma_wait3A_172 : memref<2x19072xf32, #tpu.memory_space<hbm>>) dst(%dma_wait3A_168 : memref<2x19072xf32, #tpu.memory_space<vmem>>)
    %add3A_173 = arith.constant 0 : i32
    %add3A_174 = arith.addi %mul3A_2, %add3A_173 : i32
    %jit3A_175 = arith.constant 32 : i32
    %div3A_176 = arith.divsi %add3A_174, %jit3A_175 : i32
    %sign3A_177 = arith.constant 0 : i32
    %sign3A_178 = arith.cmpi sgt, %add3A_174, %sign3A_177 : i32
    %sign3A_179 = arith.extui %sign3A_178 : i1 to i32
    %sign3A_180 = arith.constant 0 : i32
    %sign3A_181 = arith.cmpi slt, %add3A_174, %sign3A_180 : i32
    %sign3A_182 = arith.extui %sign3A_181 : i1 to i32
    %sign3A_183 = arith.subi %sign3A_179, %sign3A_182 : i32
    %sign3A_184 = arith.constant 0 : i32
    %sign3A_185 = arith.cmpi sgt, %jit3A_175, %sign3A_184 : i32
    %sign3A_186 = arith.extui %sign3A_185 : i1 to i32
    %sign3A_187 = arith.constant 0 : i32
    %sign3A_188 = arith.cmpi slt, %jit3A_175, %sign3A_187 : i32
    %sign3A_189 = arith.extui %sign3A_188 : i1 to i32
    %sign3A_190 = arith.subi %sign3A_186, %sign3A_189 : i32
    %ne3A_191 = arith.cmpi ne, %sign3A_183, %sign3A_190 : i32
    %rem3A_192 = arith.remsi %add3A_174, %jit3A_175 : i32
    %ne3A_193 = arith.constant 0 : i32
    %ne3A_194 = arith.cmpi ne, %rem3A_192, %ne3A_193 : i32
    %and3A_195 = arith.andi %ne3A_191, %ne3A_194 : i1
    %sub3A_196 = arith.constant 1 : i32
    %sub3A_197 = arith.subi %div3A_176, %sub3A_196 : i32
    %select_n3A_198 = arith.select %and3A_195, %sub3A_197, %div3A_176 : i32
    %rem3A_199 = arith.constant 32 : i32
    %rem3A_200 = arith.remsi %add3A_174, %rem3A_199 : i32
    %dma_start3A_201 = arith.constant 0 : i32
    %dma_start3A_202 = arith.constant 0 : i32
    %dma_start3A_203 = arith.constant 0 : i32
    %dma_start3A_204 = tpu.memref_slice %arg4[%dma_start3A_202, %dma_start3A_203] : memref<2x19072xf32, #tpu.memory_space<vmem>> -> memref<2x19072xf32, #tpu.memory_space<vmem>>
    %dma_start3A_205 = arith.constant 0 : i32
    %dma_start3A_206 = arith.constant 0 : i32
    %dma_start3A_207 = tpu.memref_slice %arg3[%select_n3A_198, %rem3A_200, %dma_start3A_205, %dma_start3A_206] : memref<2x32x2x151808xf32, #tpu.memory_space<hbm>> -> memref<1x1x2x19072xf32, #tpu.memory_space<hbm>>
    %dma_start3A_208 = tpu.memref_squeeze %dma_start3A_207 : memref<1x1x2x19072xf32, #tpu.memory_space<hbm>> -> memref<2x19072xf32, #tpu.memory_space<hbm>>
    %dma_start3A_209 = tpu.memref_slice %arg8[%dma_start3A_201] : memref<3x!tpu.dma_semaphore, #tpu.memory_space<semaphore_mem>> -> memref<1x!tpu.dma_semaphore, #tpu.memory_space<semaphore_mem>>
    %dma_start3A_210 = tpu.memref_squeeze %dma_start3A_209 : memref<1x!tpu.dma_semaphore, #tpu.memory_space<semaphore_mem>> -> memref<!tpu.dma_semaphore, #tpu.memory_space<semaphore_mem>>
    %dma_start3A_211 = arith.constant 0 : i32
    %dma_start3A_212 = arith.constant 0 : i32
    %dma_start3A_213 = tpu.memref_slice %arg3[%select_n3A_198, %rem3A_200, %dma_start3A_211, %dma_start3A_212] : memref<2x32x2x151808xf32, #tpu.memory_space<hbm>> -> memref<1x1x2x19072xf32, #tpu.memory_space<hbm>>
    %dma_start3A_214 = tpu.memref_squeeze %dma_start3A_213 : memref<1x1x2x19072xf32, #tpu.memory_space<hbm>> -> memref<2x19072xf32, #tpu.memory_space<hbm>>
    %dma_start3A_215 = arith.constant 0 : i32
    %dma_start3A_216 = arith.constant 0 : i32
    %dma_start3A_217 = tpu.memref_slice %arg4[%dma_start3A_215, %dma_start3A_216] : memref<2x19072xf32, #tpu.memory_space<vmem>> -> memref<2x19072xf32, #tpu.memory_space<vmem>>
    tpu.enqueue_dma source(%dma_start3A_217 : memref<2x19072xf32, #tpu.memory_space<vmem>>) target(%dma_start3A_214 : memref<2x19072xf32, #tpu.memory_space<hbm>>) target_semaphore(%dma_start3A_210 : memref<!tpu.dma_semaphore, #tpu.memory_space<semaphore_mem>>)
    %add3A_218 = arith.constant 0 : i32
    %add3A_219 = arith.addi %mul3A_2, %add3A_218 : i32
    %jit3A_220 = arith.constant 32 : i32
    %div3A_221 = arith.divsi %add3A_219, %jit3A_220 : i32
    %sign3A_222 = arith.constant 0 : i32
    %sign3A_223 = arith.cmpi sgt, %add3A_219, %sign3A_222 : i32
    %sign3A_224 = arith.extui %sign3A_223 : i1 to i32
    %sign3A_225 = arith.constant 0 : i32
    %sign3A_226 = arith.cmpi slt, %add3A_219, %sign3A_225 : i32
    %sign3A_227 = arith.extui %sign3A_226 : i1 to i32
    %sign3A_228 = arith.subi %sign3A_224, %sign3A_227 : i32
    %sign3A_229 = arith.constant 0 : i32
    %sign3A_230 = arith.cmpi sgt, %jit3A_220, %sign3A_229 : i32
    %sign3A_231 = arith.extui %sign3A_230 : i1 to i32
    %sign3A_232 = arith.constant 0 : i32
    %sign3A_233 = arith.cmpi slt, %jit3A_220, %sign3A_232 : i32
    %sign3A_234 = arith.extui %sign3A_233 : i1 to i32
    %sign3A_235 = arith.subi %sign3A_231, %sign3A_234 : i32
    %ne3A_236 = arith.cmpi ne, %sign3A_228, %sign3A_235 : i32
    %rem3A_237 = arith.remsi %add3A_219, %jit3A_220 : i32
    %ne3A_238 = arith.constant 0 : i32
    %ne3A_239 = arith.cmpi ne, %rem3A_237, %ne3A_238 : i32
    %and3A_240 = arith.andi %ne3A_236, %ne3A_239 : i1
    %sub3A_241 = arith.constant 1 : i32
    %sub3A_242 = arith.subi %div3A_221, %sub3A_241 : i32
    %select_n3A_243 = arith.select %and3A_240, %sub3A_242, %div3A_221 : i32
    %rem3A_244 = arith.constant 32 : i32
    %rem3A_245 = arith.remsi %add3A_219, %rem3A_244 : i32
    %dma_wait3A_246 = arith.constant 0 : i32
    %dma_wait3A_247 = arith.constant 0 : i32
    %dma_wait3A_248 = arith.constant 0 : i32
    %dma_wait3A_249 = tpu.memref_slice %arg4[%dma_wait3A_247, %dma_wait3A_248] : memref<2x19072xf32, #tpu.memory_space<vmem>> -> memref<2x19072xf32, #tpu.memory_space<vmem>>
    %dma_wait3A_250 = arith.constant 0 : i32
    %dma_wait3A_251 = arith.constant 0 : i32
    %dma_wait3A_252 = tpu.memref_slice %arg3[%select_n3A_243, %rem3A_245, %dma_wait3A_250, %dma_wait3A_251] : memref<2x32x2x151808xf32, #tpu.memory_space<hbm>> -> memref<1x1x2x19072xf32, #tpu.memory_space<hbm>>
    %dma_wait3A_253 = tpu.memref_squeeze %dma_wait3A_252 : memref<1x1x2x19072xf32, #tpu.memory_space<hbm>> -> memref<2x19072xf32, #tpu.memory_space<hbm>>
    %dma_wait3A_254 = tpu.memref_slice %arg8[%dma_wait3A_246] : memref<3x!tpu.dma_semaphore, #tpu.memory_space<semaphore_mem>> -> memref<1x!tpu.dma_semaphore, #tpu.memory_space<semaphore_mem>>
    %dma_wait3A_255 = tpu.memref_squeeze %dma_wait3A_254 : memref<1x!tpu.dma_semaphore, #tpu.memory_space<semaphore_mem>> -> memref<!tpu.dma_semaphore, #tpu.memory_space<semaphore_mem>>
    %dma_wait3A_256 = arith.constant 0 : i32
    %dma_wait3A_257 = arith.constant 0 : i32
    %dma_wait3A_258 = tpu.memref_slice %arg3[%select_n3A_243, %rem3A_245, %dma_wait3A_256, %dma_wait3A_257] : memref<2x32x2x151808xf32, #tpu.memory_space<hbm>> -> memref<1x1x2x19072xf32, #tpu.memory_space<hbm>>
    %dma_wait3A_259 = tpu.memref_squeeze %dma_wait3A_258 : memref<1x1x2x19072xf32, #tpu.memory_space<hbm>> -> memref<2x19072xf32, #tpu.memory_space<hbm>>
    %dma_wait3A_260 = arith.constant 0 : i32
    %dma_wait3A_261 = arith.constant 0 : i32
    %dma_wait3A_262 = tpu.memref_slice %arg4[%dma_wait3A_260, %dma_wait3A_261] : memref<2x19072xf32, #tpu.memory_space<vmem>> -> memref<2x19072xf32, #tpu.memory_space<vmem>>
    tpu.wait_dma2 semaphore(%dma_wait3A_255 : memref<!tpu.dma_semaphore, #tpu.memory_space<semaphore_mem>>) src(%dma_wait3A_262 : memref<2x19072xf32, #tpu.memory_space<vmem>>) dst(%dma_wait3A_259 : memref<2x19072xf32, #tpu.memory_space<hbm>>)
    %add3A_263 = arith.constant 0 : i32
    %add3A_264 = arith.addi %mul3A_2, %add3A_263 : i32
    %jit3A_265 = arith.constant 32 : i32
    %div3A_266 = arith.divsi %add3A_264, %jit3A_265 : i32
    %sign3A_267 = arith.constant 0 : i32
    %sign3A_268 = arith.cmpi sgt, %add3A_264, %sign3A_267 : i32
    %sign3A_269 = arith.extui %sign3A_268 : i1 to i32
    %sign3A_270 = arith.constant 0 : i32
    %sign3A_271 = arith.cmpi slt, %add3A_264, %sign3A_270 : i32
    %sign3A_272 = arith.extui %sign3A_271 : i1 to i32
    %sign3A_273 = arith.subi %sign3A_269, %sign3A_272 : i32
    %sign3A_274 = arith.constant 0 : i32
    %sign3A_275 = arith.cmpi sgt, %jit3A_265, %sign3A_274 : i32
    %sign3A_276 = arith.extui %sign3A_275 : i1 to i32
    %sign3A_277 = arith.constant 0 : i32
    %sign3A_278 = arith.cmpi slt, %jit3A_265, %sign3A_277 : i32
    %sign3A_279 = arith.extui %sign3A_278 : i1 to i32
    %sign3A_280 = arith.subi %sign3A_276, %sign3A_279 : i32
    %ne3A_281 = arith.cmpi ne, %sign3A_273, %sign3A_280 : i32
    %rem3A_282 = arith.remsi %add3A_264, %jit3A_265 : i32
    %ne3A_283 = arith.constant 0 : i32
    %ne3A_284 = arith.cmpi ne, %rem3A_282, %ne3A_283 : i32
    %and3A_285 = arith.andi %ne3A_281, %ne3A_284 : i1
    %sub3A_286 = arith.constant 1 : i32
    %sub3A_287 = arith.subi %div3A_266, %sub3A_286 : i32
    %select_n3A_288 = arith.select %and3A_285, %sub3A_287, %div3A_266 : i32
    %rem3A_289 = arith.constant 32 : i32
    %rem3A_290 = arith.remsi %add3A_264, %rem3A_289 : i32
    %dma_start3A_291 = arith.constant 0 : i32
    %dma_start3A_292 = arith.constant 0 : i32
    %dma_start3A_293 = arith.constant 0 : i32
    %dma_start3A_294 = tpu.memref_slice %arg4[%dma_start3A_292, %dma_start3A_293] : memref<2x19072xf32, #tpu.memory_space<vmem>> -> memref<2x18944xf32, #tpu.memory_space<vmem>>
    %dma_start3A_295 = arith.constant 0 : i32
    %dma_start3A_296 = arith.constant 57088 : i32
    %dma_start3A_297 = tpu.memref_slice %arg2[%select_n3A_288, %rem3A_290, %dma_start3A_295, %dma_start3A_296] : memref<2x32x2x160000xf32, #tpu.memory_space<hbm>> -> memref<1x1x2x18944xf32, #tpu.memory_space<hbm>>
    %dma_start3A_298 = tpu.memref_squeeze %dma_start3A_297 : memref<1x1x2x18944xf32, #tpu.memory_space<hbm>> -> memref<2x18944xf32, #tpu.memory_space<hbm>>
    %dma_start3A_299 = tpu.memref_slice %arg7[%dma_start3A_291] : memref<3x!tpu.dma_semaphore, #tpu.memory_space<semaphore_mem>> -> memref<1x!tpu.dma_semaphore, #tpu.memory_space<semaphore_mem>>
    %dma_start3A_300 = tpu.memref_squeeze %dma_start3A_299 : memref<1x!tpu.dma_semaphore, #tpu.memory_space<semaphore_mem>> -> memref<!tpu.dma_semaphore, #tpu.memory_space<semaphore_mem>>
    %dma_start3A_301 = arith.constant 0 : i32
    %dma_start3A_302 = arith.constant 0 : i32
    %dma_start3A_303 = tpu.memref_slice %arg4[%dma_start3A_301, %dma_start3A_302] : memref<2x19072xf32, #tpu.memory_space<vmem>> -> memref<2x18944xf32, #tpu.memory_space<vmem>>
    %dma_start3A_304 = arith.constant 0 : i32
    %dma_start3A_305 = arith.constant 57088 : i32
    %dma_start3A_306 = tpu.memref_slice %arg2[%select_n3A_288, %rem3A_290, %dma_start3A_304, %dma_start3A_305] : memref<2x32x2x160000xf32, #tpu.memory_space<hbm>> -> memref<1x1x2x18944xf32, #tpu.memory_space<hbm>>
    %dma_start3A_307 = tpu.memref_squeeze %dma_start3A_306 : memref<1x1x2x18944xf32, #tpu.memory_space<hbm>> -> memref<2x18944xf32, #tpu.memory_space<hbm>>
    tpu.enqueue_dma source(%dma_start3A_307 : memref<2x18944xf32, #tpu.memory_space<hbm>>) target(%dma_start3A_303 : memref<2x18944xf32, #tpu.memory_space<vmem>>) target_semaphore(%dma_start3A_300 : memref<!tpu.dma_semaphore, #tpu.memory_space<semaphore_mem>>)
    %add3A_308 = arith.constant 0 : i32
    %add3A_309 = arith.addi %mul3A_2, %add3A_308 : i32
    %jit3A_310 = arith.constant 32 : i32
    %div3A_311 = arith.divsi %add3A_309, %jit3A_310 : i32
    %sign3A_312 = arith.constant 0 : i32
    %sign3A_313 = arith.cmpi sgt, %add3A_309, %sign3A_312 : i32
    %sign3A_314 = arith.extui %sign3A_313 : i1 to i32
    %sign3A_315 = arith.constant 0 : i32
    %sign3A_316 = arith.cmpi slt, %add3A_309, %sign3A_315 : i32
    %sign3A_317 = arith.extui %sign3A_316 : i1 to i32
    %sign3A_318 = arith.subi %sign3A_314, %sign3A_317 : i32
    %sign3A_319 = arith.constant 0 : i32
    %sign3A_320 = arith.cmpi sgt, %jit3A_310, %sign3A_319 : i32
    %sign3A_321 = arith.extui %sign3A_320 : i1 to i32
    %sign3A_322 = arith.constant 0 : i32
    %sign3A_323 = arith.cmpi slt, %jit3A_310, %sign3A_322 : i32
    %sign3A_324 = arith.extui %sign3A_323 : i1 to i32
    %sign3A_325 = arith.subi %sign3A_321, %sign3A_324 : i32
    %ne3A_326 = arith.cmpi ne, %sign3A_318, %sign3A_325 : i32
    %rem3A_327 = arith.remsi %add3A_309, %jit3A_310 : i32
    %ne3A_328 = arith.constant 0 : i32
    %ne3A_329 = arith.cmpi ne, %rem3A_327, %ne3A_328 : i32
    %and3A_330 = arith.andi %ne3A_326, %ne3A_329 : i1
    %sub3A_331 = arith.constant 1 : i32
    %sub3A_332 = arith.subi %div3A_311, %sub3A_331 : i32
    %select_n3A_333 = arith.select %and3A_330, %sub3A_332, %div3A_311 : i32
    %rem3A_334 = arith.constant 32 : i32
    %rem3A_335 = arith.remsi %add3A_309, %rem3A_334 : i32
    %dma_wait3A_336 = arith.constant 1 : i32
    %dma_wait3A_337 = arith.constant 0 : i32
    %dma_wait3A_338 = arith.constant 0 : i32
    %dma_wait3A_339 = tpu.memref_slice %arg5[%dma_wait3A_337, %dma_wait3A_338] : memref<2x19072xf32, #tpu.memory_space<vmem>> -> memref<2x19072xf32, #tpu.memory_space<vmem>>
    %dma_wait3A_340 = arith.constant 0 : i32
    %dma_wait3A_341 = arith.constant 19072 : i32
    %dma_wait3A_342 = tpu.memref_slice %arg2[%select_n3A_333, %rem3A_335, %dma_wait3A_340, %dma_wait3A_341] : memref<2x32x2x160000xf32, #tpu.memory_space<hbm>> -> memref<1x1x2x19072xf32, #tpu.memory_space<hbm>>
    %dma_wait3A_343 = tpu.memref_squeeze %dma_wait3A_342 : memref<1x1x2x19072xf32, #tpu.memory_space<hbm>> -> memref<2x19072xf32, #tpu.memory_space<hbm>>
    %dma_wait3A_344 = tpu.memref_slice %arg7[%dma_wait3A_336] : memref<3x!tpu.dma_semaphore, #tpu.memory_space<semaphore_mem>> -> memref<1x!tpu.dma_semaphore, #tpu.memory_space<semaphore_mem>>
    %dma_wait3A_345 = tpu.memref_squeeze %dma_wait3A_344 : memref<1x!tpu.dma_semaphore, #tpu.memory_space<semaphore_mem>> -> memref<!tpu.dma_semaphore, #tpu.memory_space<semaphore_mem>>
    %dma_wait3A_346 = arith.constant 0 : i32
    %dma_wait3A_347 = arith.constant 0 : i32
    %dma_wait3A_348 = tpu.memref_slice %arg5[%dma_wait3A_346, %dma_wait3A_347] : memref<2x19072xf32, #tpu.memory_space<vmem>> -> memref<2x19072xf32, #tpu.memory_space<vmem>>
    %dma_wait3A_349 = arith.constant 0 : i32
    %dma_wait3A_350 = arith.constant 19072 : i32
    %dma_wait3A_351 = tpu.memref_slice %arg2[%select_n3A_333, %rem3A_335, %dma_wait3A_349, %dma_wait3A_350] : memref<2x32x2x160000xf32, #tpu.memory_space<hbm>> -> memref<1x1x2x19072xf32, #tpu.memory_space<hbm>>
    %dma_wait3A_352 = tpu.memref_squeeze %dma_wait3A_351 : memref<1x1x2x19072xf32, #tpu.memory_space<hbm>> -> memref<2x19072xf32, #tpu.memory_space<hbm>>
    tpu.wait_dma2 semaphore(%dma_wait3A_345 : memref<!tpu.dma_semaphore, #tpu.memory_space<semaphore_mem>>) src(%dma_wait3A_352 : memref<2x19072xf32, #tpu.memory_space<hbm>>) dst(%dma_wait3A_348 : memref<2x19072xf32, #tpu.memory_space<vmem>>)
    %add3A_353 = arith.constant 0 : i32
    %add3A_354 = arith.addi %mul3A_2, %add3A_353 : i32
    %jit3A_355 = arith.constant 32 : i32
    %div3A_356 = arith.divsi %add3A_354, %jit3A_355 : i32
    %sign3A_357 = arith.constant 0 : i32
    %sign3A_358 = arith.cmpi sgt, %add3A_354, %sign3A_357 : i32
    %sign3A_359 = arith.extui %sign3A_358 : i1 to i32
    %sign3A_360 = arith.constant 0 : i32
    %sign3A_361 = arith.cmpi slt, %add3A_354, %sign3A_360 : i32
    %sign3A_362 = arith.extui %sign3A_361 : i1 to i32
    %sign3A_363 = arith.subi %sign3A_359, %sign3A_362 : i32
    %sign3A_364 = arith.constant 0 : i32
    %sign3A_365 = arith.cmpi sgt, %jit3A_355, %sign3A_364 : i32
    %sign3A_366 = arith.extui %sign3A_365 : i1 to i32
    %sign3A_367 = arith.constant 0 : i32
    %sign3A_368 = arith.cmpi slt, %jit3A_355, %sign3A_367 : i32
    %sign3A_369 = arith.extui %sign3A_368 : i1 to i32
    %sign3A_370 = arith.subi %sign3A_366, %sign3A_369 : i32
    %ne3A_371 = arith.cmpi ne, %sign3A_363, %sign3A_370 : i32
    %rem3A_372 = arith.remsi %add3A_354, %jit3A_355 : i32
    %ne3A_373 = arith.constant 0 : i32
    %ne3A_374 = arith.cmpi ne, %rem3A_372, %ne3A_373 : i32
    %and3A_375 = arith.andi %ne3A_371, %ne3A_374 : i1
    %sub3A_376 = arith.constant 1 : i32
    %sub3A_377 = arith.subi %div3A_356, %sub3A_376 : i32
    %select_n3A_378 = arith.select %and3A_375, %sub3A_377, %div3A_356 : i32
    %rem3A_379 = arith.constant 32 : i32
    %rem3A_380 = arith.remsi %add3A_354, %rem3A_379 : i32
    %dma_start3A_381 = arith.constant 1 : i32
    %dma_start3A_382 = arith.constant 0 : i32
    %dma_start3A_383 = arith.constant 0 : i32
    %dma_start3A_384 = tpu.memref_slice %arg5[%dma_start3A_382, %dma_start3A_383] : memref<2x19072xf32, #tpu.memory_space<vmem>> -> memref<2x19072xf32, #tpu.memory_space<vmem>>
    %dma_start3A_385 = arith.constant 0 : i32
    %dma_start3A_386 = arith.constant 19072 : i32
    %dma_start3A_387 = tpu.memref_slice %arg3[%select_n3A_378, %rem3A_380, %dma_start3A_385, %dma_start3A_386] : memref<2x32x2x151808xf32, #tpu.memory_space<hbm>> -> memref<1x1x2x19072xf32, #tpu.memory_space<hbm>>
    %dma_start3A_388 = tpu.memref_squeeze %dma_start3A_387 : memref<1x1x2x19072xf32, #tpu.memory_space<hbm>> -> memref<2x19072xf32, #tpu.memory_space<hbm>>
    %dma_start3A_389 = tpu.memref_slice %arg8[%dma_start3A_381] : memref<3x!tpu.dma_semaphore, #tpu.memory_space<semaphore_mem>> -> memref<1x!tpu.dma_semaphore, #tpu.memory_space<semaphore_mem>>
    %dma_start3A_390 = tpu.memref_squeeze %dma_start3A_389 : memref<1x!tpu.dma_semaphore, #tpu.memory_space<semaphore_mem>> -> memref<!tpu.dma_semaphore, #tpu.memory_space<semaphore_mem>>
    %dma_start3A_391 = arith.constant 0 : i32
    %dma_start3A_392 = arith.constant 19072 : i32
    %dma_start3A_393 = tpu.memref_slice %arg3[%select_n3A_378, %rem3A_380, %dma_start3A_391, %dma_start3A_392] : memref<2x32x2x151808xf32, #tpu.memory_space<hbm>> -> memref<1x1x2x19072xf32, #tpu.memory_space<hbm>>
    %dma_start3A_394 = tpu.memref_squeeze %dma_start3A_393 : memref<1x1x2x19072xf32, #tpu.memory_space<hbm>> -> memref<2x19072xf32, #tpu.memory_space<hbm>>
    %dma_start3A_395 = arith.constant 0 : i32
    %dma_start3A_396 = arith.constant 0 : i32
    %dma_start3A_397 = tpu.memref_slice %arg5[%dma_start3A_395, %dma_start3A_396] : memref<2x19072xf32, #tpu.memory_space<vmem>> -> memref<2x19072xf32, #tpu.memory_space<vmem>>
    tpu.enqueue_dma source(%dma_start3A_397 : memref<2x19072xf32, #tpu.memory_space<vmem>>) target(%dma_start3A_394 : memref<2x19072xf32, #tpu.memory_space<hbm>>) target_semaphore(%dma_start3A_390 : memref<!tpu.dma_semaphore, #tpu.memory_space<semaphore_mem>>)
    %add3A_398 = arith.constant 0 : i32
    %add3A_399 = arith.addi %mul3A_2, %add3A_398 : i32
    %jit3A_400 = arith.constant 32 : i32
    %div3A_401 = arith.divsi %add3A_399, %jit3A_400 : i32
    %sign3A_402 = arith.constant 0 : i32
    %sign3A_403 = arith.cmpi sgt, %add3A_399, %sign3A_402 : i32
    %sign3A_404 = arith.extui %sign3A_403 : i1 to i32
    %sign3A_405 = arith.constant 0 : i32
    %sign3A_406 = arith.cmpi slt, %add3A_399, %sign3A_405 : i32
    %sign3A_407 = arith.extui %sign3A_406 : i1 to i32
    %sign3A_408 = arith.subi %sign3A_404, %sign3A_407 : i32
    %sign3A_409 = arith.constant 0 : i32
    %sign3A_410 = arith.cmpi sgt, %jit3A_400, %sign3A_409 : i32
    %sign3A_411 = arith.extui %sign3A_410 : i1 to i32
    %sign3A_412 = arith.constant 0 : i32
    %sign3A_413 = arith.cmpi slt, %jit3A_400, %sign3A_412 : i32
    %sign3A_414 = arith.extui %sign3A_413 : i1 to i32
    %sign3A_415 = arith.subi %sign3A_411, %sign3A_414 : i32
    %ne3A_416 = arith.cmpi ne, %sign3A_408, %sign3A_415 : i32
    %rem3A_417 = arith.remsi %add3A_399, %jit3A_400 : i32
    %ne3A_418 = arith.constant 0 : i32
    %ne3A_419 = arith.cmpi ne, %rem3A_417, %ne3A_418 : i32
    %and3A_420 = arith.andi %ne3A_416, %ne3A_419 : i1
    %sub3A_421 = arith.constant 1 : i32
    %sub3A_422 = arith.subi %div3A_401, %sub3A_421 : i32
    %select_n3A_423 = arith.select %and3A_420, %sub3A_422, %div3A_401 : i32
    %rem3A_424 = arith.constant 32 : i32
    %rem3A_425 = arith.remsi %add3A_399, %rem3A_424 : i32
    %dma_wait3A_426 = arith.constant 1 : i32
    %dma_wait3A_427 = arith.constant 0 : i32
    %dma_wait3A_428 = arith.constant 0 : i32
    %dma_wait3A_429 = tpu.memref_slice %arg5[%dma_wait3A_427, %dma_wait3A_428] : memref<2x19072xf32, #tpu.memory_space<vmem>> -> memref<2x19072xf32, #tpu.memory_space<vmem>>
    %dma_wait3A_430 = arith.constant 0 : i32
    %dma_wait3A_431 = arith.constant 19072 : i32
    %dma_wait3A_432 = tpu.memref_slice %arg3[%select_n3A_423, %rem3A_425, %dma_wait3A_430, %dma_wait3A_431] : memref<2x32x2x151808xf32, #tpu.memory_space<hbm>> -> memref<1x1x2x19072xf32, #tpu.memory_space<hbm>>
    %dma_wait3A_433 = tpu.memref_squeeze %dma_wait3A_432 : memref<1x1x2x19072xf32, #tpu.memory_space<hbm>> -> memref<2x19072xf32, #tpu.memory_space<hbm>>
    %dma_wait3A_434 = tpu.memref_slice %arg8[%dma_wait3A_426] : memref<3x!tpu.dma_semaphore, #tpu.memory_space<semaphore_mem>> -> memref<1x!tpu.dma_semaphore, #tpu.memory_space<semaphore_mem>>
    %dma_wait3A_435 = tpu.memref_squeeze %dma_wait3A_434 : memref<1x!tpu.dma_semaphore, #tpu.memory_space<semaphore_mem>> -> memref<!tpu.dma_semaphore, #tpu.memory_space<semaphore_mem>>
    %dma_wait3A_436 = arith.constant 0 : i32
    %dma_wait3A_437 = arith.constant 19072 : i32
    %dma_wait3A_438 = tpu.memref_slice %arg3[%select_n3A_423, %rem3A_425, %dma_wait3A_436, %dma_wait3A_437] : memref<2x32x2x151808xf32, #tpu.memory_space<hbm>> -> memref<1x1x2x19072xf32, #tpu.memory_space<hbm>>
    %dma_wait3A_439 = tpu.memref_squeeze %dma_wait3A_438 : memref<1x1x2x19072xf32, #tpu.memory_space<hbm>> -> memref<2x19072xf32, #tpu.memory_space<hbm>>
    %dma_wait3A_440 = arith.constant 0 : i32
    %dma_wait3A_441 = arith.constant 0 : i32
    %dma_wait3A_442 = tpu.memref_slice %arg5[%dma_wait3A_440, %dma_wait3A_441] : memref<2x19072xf32, #tpu.memory_space<vmem>> -> memref<2x19072xf32, #tpu.memory_space<vmem>>
    tpu.wait_dma2 semaphore(%dma_wait3A_435 : memref<!tpu.dma_semaphore, #tpu.memory_space<semaphore_mem>>) src(%dma_wait3A_442 : memref<2x19072xf32, #tpu.memory_space<vmem>>) dst(%dma_wait3A_439 : memref<2x19072xf32, #tpu.memory_space<hbm>>)
    %add3A_443 = arith.constant 0 : i32
    %add3A_444 = arith.addi %mul3A_2, %add3A_443 : i32
    %jit3A_445 = arith.constant 32 : i32
    %div3A_446 = arith.divsi %add3A_444, %jit3A_445 : i32
    %sign3A_447 = arith.constant 0 : i32
    %sign3A_448 = arith.cmpi sgt, %add3A_444, %sign3A_447 : i32
    %sign3A_449 = arith.extui %sign3A_448 : i1 to i32
    %sign3A_450 = arith.constant 0 : i32
    %sign3A_451 = arith.cmpi slt, %add3A_444, %sign3A_450 : i32
    %sign3A_452 = arith.extui %sign3A_451 : i1 to i32
    %sign3A_453 = arith.subi %sign3A_449, %sign3A_452 : i32
    %sign3A_454 = arith.constant 0 : i32
    %sign3A_455 = arith.cmpi sgt, %jit3A_445, %sign3A_454 : i32
    %sign3A_456 = arith.extui %sign3A_455 : i1 to i32
    %sign3A_457 = arith.constant 0 : i32
    %sign3A_458 = arith.cmpi slt, %jit3A_445, %sign3A_457 : i32
    %sign3A_459 = arith.extui %sign3A_458 : i1 to i32
    %sign3A_460 = arith.subi %sign3A_456, %sign3A_459 : i32
    %ne3A_461 = arith.cmpi ne, %sign3A_453, %sign3A_460 : i32
    %rem3A_462 = arith.remsi %add3A_444, %jit3A_445 : i32
    %ne3A_463 = arith.constant 0 : i32
    %ne3A_464 = arith.cmpi ne, %rem3A_462, %ne3A_463 : i32
    %and3A_465 = arith.andi %ne3A_461, %ne3A_464 : i1
    %sub3A_466 = arith.constant 1 : i32
    %sub3A_467 = arith.subi %div3A_446, %sub3A_466 : i32
    %select_n3A_468 = arith.select %and3A_465, %sub3A_467, %div3A_446 : i32
    %rem3A_469 = arith.constant 32 : i32
    %rem3A_470 = arith.remsi %add3A_444, %rem3A_469 : i32
    %dma_start3A_471 = arith.constant 1 : i32
    %dma_start3A_472 = arith.constant 0 : i32
    %dma_start3A_473 = arith.constant 0 : i32
    %dma_start3A_474 = tpu.memref_slice %arg5[%dma_start3A_472, %dma_start3A_473] : memref<2x19072xf32, #tpu.memory_space<vmem>> -> memref<2x18944xf32, #tpu.memory_space<vmem>>
    %dma_start3A_475 = arith.constant 0 : i32
    %dma_start3A_476 = arith.constant 76032 : i32
    %dma_start3A_477 = tpu.memref_slice %arg2[%select_n3A_468, %rem3A_470, %dma_start3A_475, %dma_start3A_476] : memref<2x32x2x160000xf32, #tpu.memory_space<hbm>> -> memref<1x1x2x18944xf32, #tpu.memory_space<hbm>>
    %dma_start3A_478 = tpu.memref_squeeze %dma_start3A_477 : memref<1x1x2x18944xf32, #tpu.memory_space<hbm>> -> memref<2x18944xf32, #tpu.memory_space<hbm>>
    %dma_start3A_479 = tpu.memref_slice %arg7[%dma_start3A_471] : memref<3x!tpu.dma_semaphore, #tpu.memory_space<semaphore_mem>> -> memref<1x!tpu.dma_semaphore, #tpu.memory_space<semaphore_mem>>
    %dma_start3A_480 = tpu.memref_squeeze %dma_start3A_479 : memref<1x!tpu.dma_semaphore, #tpu.memory_space<semaphore_mem>> -> memref<!tpu.dma_semaphore, #tpu.memory_space<semaphore_mem>>
    %dma_start3A_481 = arith.constant 0 : i32
    %dma_start3A_482 = arith.constant 0 : i32
    %dma_start3A_483 = tpu.memref_slice %arg5[%dma_start3A_481, %dma_start3A_482] : memref<2x19072xf32, #tpu.memory_space<vmem>> -> memref<2x18944xf32, #tpu.memory_space<vmem>>
    %dma_start3A_484 = arith.constant 0 : i32
    %dma_start3A_485 = arith.constant 76032 : i32
    %dma_start3A_486 = tpu.memref_slice %arg2[%select_n3A_468, %rem3A_470, %dma_start3A_484, %dma_start3A_485] : memref<2x32x2x160000xf32, #tpu.memory_space<hbm>> -> memref<1x1x2x18944xf32, #tpu.memory_space<hbm>>
    %dma_start3A_487 = tpu.memref_squeeze %dma_start3A_486 : memref<1x1x2x18944xf32, #tpu.memory_space<hbm>> -> memref<2x18944xf32, #tpu.memory_space<hbm>>
    tpu.enqueue_dma source(%dma_start3A_487 : memref<2x18944xf32, #tpu.memory_space<hbm>>) target(%dma_start3A_483 : memref<2x18944xf32, #tpu.memory_space<vmem>>) target_semaphore(%dma_start3A_480 : memref<!tpu.dma_semaphore, #tpu.memory_space<semaphore_mem>>)
    %add3A_488 = arith.constant 0 : i32
    %add3A_489 = arith.addi %mul3A_2, %add3A_488 : i32
    %jit3A_490 = arith.constant 32 : i32
    %div3A_491 = arith.divsi %add3A_489, %jit3A_490 : i32
    %sign3A_492 = arith.constant 0 : i32
    %sign3A_493 = arith.cmpi sgt, %add3A_489, %sign3A_492 : i32
    %sign3A_494 = arith.extui %sign3A_493 : i1 to i32
    %sign3A_495 = arith.constant 0 : i32
    %sign3A_496 = arith.cmpi slt, %add3A_489, %sign3A_495 : i32
    %sign3A_497 = arith.extui %sign3A_496 : i1 to i32
    %sign3A_498 = arith.subi %sign3A_494, %sign3A_497 : i32
    %sign3A_499 = arith.constant 0 : i32
    %sign3A_500 = arith.cmpi sgt, %jit3A_490, %sign3A_499 : i32
    %sign3A_501 = arith.extui %sign3A_500 : i1 to i32
    %sign3A_502 = arith.constant 0 : i32
    %sign3A_503 = arith.cmpi slt, %jit3A_490, %sign3A_502 : i32
    %sign3A_504 = arith.extui %sign3A_503 : i1 to i32
    %sign3A_505 = arith.subi %sign3A_501, %sign3A_504 : i32
    %ne3A_506 = arith.cmpi ne, %sign3A_498, %sign3A_505 : i32
    %rem3A_507 = arith.remsi %add3A_489, %jit3A_490 : i32
    %ne3A_508 = arith.constant 0 : i32
    %ne3A_509 = arith.cmpi ne, %rem3A_507, %ne3A_508 : i32
    %and3A_510 = arith.andi %ne3A_506, %ne3A_509 : i1
    %sub3A_511 = arith.constant 1 : i32
    %sub3A_512 = arith.subi %div3A_491, %sub3A_511 : i32
    %select_n3A_513 = arith.select %and3A_510, %sub3A_512, %div3A_491 : i32
    %rem3A_514 = arith.constant 32 : i32
    %rem3A_515 = arith.remsi %add3A_489, %rem3A_514 : i32
    %dma_wait3A_516 = arith.constant 2 : i32
    %dma_wait3A_517 = arith.constant 0 : i32
    %dma_wait3A_518 = arith.constant 0 : i32
    %dma_wait3A_519 = tpu.memref_slice %arg6[%dma_wait3A_517, %dma_wait3A_518] : memref<2x19072xf32, #tpu.memory_space<vmem>> -> memref<2x18944xf32, #tpu.memory_space<vmem>>
    %dma_wait3A_520 = arith.constant 0 : i32
    %dma_wait3A_521 = arith.constant 38144 : i32
    %dma_wait3A_522 = tpu.memref_slice %arg2[%select_n3A_513, %rem3A_515, %dma_wait3A_520, %dma_wait3A_521] : memref<2x32x2x160000xf32, #tpu.memory_space<hbm>> -> memref<1x1x2x18944xf32, #tpu.memory_space<hbm>>
    %dma_wait3A_523 = tpu.memref_squeeze %dma_wait3A_522 : memref<1x1x2x18944xf32, #tpu.memory_space<hbm>> -> memref<2x18944xf32, #tpu.memory_space<hbm>>
    %dma_wait3A_524 = tpu.memref_slice %arg7[%dma_wait3A_516] : memref<3x!tpu.dma_semaphore, #tpu.memory_space<semaphore_mem>> -> memref<1x!tpu.dma_semaphore, #tpu.memory_space<semaphore_mem>>
    %dma_wait3A_525 = tpu.memref_squeeze %dma_wait3A_524 : memref<1x!tpu.dma_semaphore, #tpu.memory_space<semaphore_mem>> -> memref<!tpu.dma_semaphore, #tpu.memory_space<semaphore_mem>>
    %dma_wait3A_526 = arith.constant 0 : i32
    %dma_wait3A_527 = arith.constant 0 : i32
    %dma_wait3A_528 = tpu.memref_slice %arg6[%dma_wait3A_526, %dma_wait3A_527] : memref<2x19072xf32, #tpu.memory_space<vmem>> -> memref<2x18944xf32, #tpu.memory_space<vmem>>
    %dma_wait3A_529 = arith.constant 0 : i32
    %dma_wait3A_530 = arith.constant 38144 : i32
    %dma_wait3A_531 = tpu.memref_slice %arg2[%select_n3A_513, %rem3A_515, %dma_wait3A_529, %dma_wait3A_530] : memref<2x32x2x160000xf32, #tpu.memory_space<hbm>> -> memref<1x1x2x18944xf32, #tpu.memory_space<hbm>>
    %dma_wait3A_532 = tpu.memref_squeeze %dma_wait3A_531 : memref<1x1x2x18944xf32, #tpu.memory_space<hbm>> -> memref<2x18944xf32, #tpu.memory_space<hbm>>
    tpu.wait_dma2 semaphore(%dma_wait3A_525 : memref<!tpu.dma_semaphore, #tpu.memory_space<semaphore_mem>>) src(%dma_wait3A_532 : memref<2x18944xf32, #tpu.memory_space<hbm>>) dst(%dma_wait3A_528 : memref<2x18944xf32, #tpu.memory_space<vmem>>)
    %add3A_533 = arith.constant 0 : i32
    %add3A_534 = arith.addi %mul3A_2, %add3A_533 : i32
    %jit3A_535 = arith.constant 32 : i32
    %div3A_536 = arith.divsi %add3A_534, %jit3A_535 : i32
    %sign3A_537 = arith.constant 0 : i32
    %sign3A_538 = arith.cmpi sgt, %add3A_534, %sign3A_537 : i32
    %sign3A_539 = arith.extui %sign3A_538 : i1 to i32
    %sign3A_540 = arith.constant 0 : i32
    %sign3A_541 = arith.cmpi slt, %add3A_534, %sign3A_540 : i32
    %sign3A_542 = arith.extui %sign3A_541 : i1 to i32
    %sign3A_543 = arith.subi %sign3A_539, %sign3A_542 : i32
    %sign3A_544 = arith.constant 0 : i32
    %sign3A_545 = arith.cmpi sgt, %jit3A_535, %sign3A_544 : i32
    %sign3A_546 = arith.extui %sign3A_545 : i1 to i32
    %sign3A_547 = arith.constant 0 : i32
    %sign3A_548 = arith.cmpi slt, %jit3A_535, %sign3A_547 : i32
    %sign3A_549 = arith.extui %sign3A_548 : i1 to i32
    %sign3A_550 = arith.subi %sign3A_546, %sign3A_549 : i32
    %ne3A_551 = arith.cmpi ne, %sign3A_543, %sign3A_550 : i32
    %rem3A_552 = arith.remsi %add3A_534, %jit3A_535 : i32
    %ne3A_553 = arith.constant 0 : i32
    %ne3A_554 = arith.cmpi ne, %rem3A_552, %ne3A_553 : i32
    %and3A_555 = arith.andi %ne3A_551, %ne3A_554 : i1
    %sub3A_556 = arith.constant 1 : i32
    %sub3A_557 = arith.subi %div3A_536, %sub3A_556 : i32
    %select_n3A_558 = arith.select %and3A_555, %sub3A_557, %div3A_536 : i32
    %rem3A_559 = arith.constant 32 : i32
    %rem3A_560 = arith.remsi %add3A_534, %rem3A_559 : i32
    %dma_start3A_561 = arith.constant 2 : i32
    %dma_start3A_562 = arith.constant 0 : i32
    %dma_start3A_563 = arith.constant 0 : i32
    %dma_start3A_564 = tpu.memref_slice %arg6[%dma_start3A_562, %dma_start3A_563] : memref<2x19072xf32, #tpu.memory_space<vmem>> -> memref<2x18944xf32, #tpu.memory_space<vmem>>
    %dma_start3A_565 = arith.constant 0 : i32
    %dma_start3A_566 = arith.constant 38144 : i32
    %dma_start3A_567 = tpu.memref_slice %arg3[%select_n3A_558, %rem3A_560, %dma_start3A_565, %dma_start3A_566] : memref<2x32x2x151808xf32, #tpu.memory_space<hbm>> -> memref<1x1x2x18944xf32, #tpu.memory_space<hbm>>
    %dma_start3A_568 = tpu.memref_squeeze %dma_start3A_567 : memref<1x1x2x18944xf32, #tpu.memory_space<hbm>> -> memref<2x18944xf32, #tpu.memory_space<hbm>>
    %dma_start3A_569 = tpu.memref_slice %arg8[%dma_start3A_561] : memref<3x!tpu.dma_semaphore, #tpu.memory_space<semaphore_mem>> -> memref<1x!tpu.dma_semaphore, #tpu.memory_space<semaphore_mem>>
    %dma_start3A_570 = tpu.memref_squeeze %dma_start3A_569 : memref<1x!tpu.dma_semaphore, #tpu.memory_space<semaphore_mem>> -> memref<!tpu.dma_semaphore, #tpu.memory_space<semaphore_mem>>
    %dma_start3A_571 = arith.constant 0 : i32
    %dma_start3A_572 = arith.constant 38144 : i32
    %dma_start3A_573 = tpu.memref_slice %arg3[%select_n3A_558, %rem3A_560, %dma_start3A_571, %dma_start3A_572] : memref<2x32x2x151808xf32, #tpu.memory_space<hbm>> -> memref<1x1x2x18944xf32, #tpu.memory_space<hbm>>
    %dma_start3A_574 = tpu.memref_squeeze %dma_start3A_573 : memref<1x1x2x18944xf32, #tpu.memory_space<hbm>> -> memref<2x18944xf32, #tpu.memory_space<hbm>>
    %dma_start3A_575 = arith.constant 0 : i32
    %dma_start3A_576 = arith.constant 0 : i32
    %dma_start3A_577 = tpu.memref_slice %arg6[%dma_start3A_575, %dma_start3A_576] : memref<2x19072xf32, #tpu.memory_space<vmem>> -> memref<2x18944xf32, #tpu.memory_space<vmem>>
    tpu.enqueue_dma source(%dma_start3A_577 : memref<2x18944xf32, #tpu.memory_space<vmem>>) target(%dma_start3A_574 : memref<2x18944xf32, #tpu.memory_space<hbm>>) target_semaphore(%dma_start3A_570 : memref<!tpu.dma_semaphore, #tpu.memory_space<semaphore_mem>>)
    %add3A_578 = arith.constant 0 : i32
    %add3A_579 = arith.addi %mul3A_2, %add3A_578 : i32
    %jit3A_580 = arith.constant 32 : i32
    %div3A_581 = arith.divsi %add3A_579, %jit3A_580 : i32
    %sign3A_582 = arith.constant 0 : i32
    %sign3A_583 = arith.cmpi sgt, %add3A_579, %sign3A_582 : i32
    %sign3A_584 = arith.extui %sign3A_583 : i1 to i32
    %sign3A_585 = arith.constant 0 : i32
    %sign3A_586 = arith.cmpi slt, %add3A_579, %sign3A_585 : i32
    %sign3A_587 = arith.extui %sign3A_586 : i1 to i32
    %sign3A_588 = arith.subi %sign3A_584, %sign3A_587 : i32
    %sign3A_589 = arith.constant 0 : i32
    %sign3A_590 = arith.cmpi sgt, %jit3A_580, %sign3A_589 : i32
    %sign3A_591 = arith.extui %sign3A_590 : i1 to i32
    %sign3A_592 = arith.constant 0 : i32
    %sign3A_593 = arith.cmpi slt, %jit3A_580, %sign3A_592 : i32
    %sign3A_594 = arith.extui %sign3A_593 : i1 to i32
    %sign3A_595 = arith.subi %sign3A_591, %sign3A_594 : i32
    %ne3A_596 = arith.cmpi ne, %sign3A_588, %sign3A_595 : i32
    %rem3A_597 = arith.remsi %add3A_579, %jit3A_580 : i32
    %ne3A_598 = arith.constant 0 : i32
    %ne3A_599 = arith.cmpi ne, %rem3A_597, %ne3A_598 : i32
    %and3A_600 = arith.andi %ne3A_596, %ne3A_599 : i1
    %sub3A_601 = arith.constant 1 : i32
    %sub3A_602 = arith.subi %div3A_581, %sub3A_601 : i32
    %select_n3A_603 = arith.select %and3A_600, %sub3A_602, %div3A_581 : i32
    %rem3A_604 = arith.constant 32 : i32
    %rem3A_605 = arith.remsi %add3A_579, %rem3A_604 : i32
    %dma_wait3A_606 = arith.constant 2 : i32
    %dma_wait3A_607 = arith.constant 0 : i32
    %dma_wait3A_608 = arith.constant 0 : i32
    %dma_wait3A_609 = tpu.memref_slice %arg6[%dma_wait3A_607, %dma_wait3A_608] : memref<2x19072xf32, #tpu.memory_space<vmem>> -> memref<2x18944xf32, #tpu.memory_space<vmem>>
    %dma_wait3A_610 = arith.constant 0 : i32
    %dma_wait3A_611 = arith.constant 38144 : i32
    %dma_wait3A_612 = tpu.memref_slice %arg3[%select_n3A_603, %rem3A_605, %dma_wait3A_610, %dma_wait3A_611] : memref<2x32x2x151808xf32, #tpu.memory_space<hbm>> -> memref<1x1x2x18944xf32, #tpu.memory_space<hbm>>
    %dma_wait3A_613 = tpu.memref_squeeze %dma_wait3A_612 : memref<1x1x2x18944xf32, #tpu.memory_space<hbm>> -> memref<2x18944xf32, #tpu.memory_space<hbm>>
    %dma_wait3A_614 = tpu.memref_slice %arg8[%dma_wait3A_606] : memref<3x!tpu.dma_semaphore, #tpu.memory_space<semaphore_mem>> -> memref<1x!tpu.dma_semaphore, #tpu.memory_space<semaphore_mem>>
    %dma_wait3A_615 = tpu.memref_squeeze %dma_wait3A_614 : memref<1x!tpu.dma_semaphore, #tpu.memory_space<semaphore_mem>> -> memref<!tpu.dma_semaphore, #tpu.memory_space<semaphore_mem>>
    %dma_wait3A_616 = arith.constant 0 : i32
    %dma_wait3A_617 = arith.constant 38144 : i32
    %dma_wait3A_618 = tpu.memref_slice %arg3[%select_n3A_603, %rem3A_605, %dma_wait3A_616, %dma_wait3A_617] : memref<2x32x2x151808xf32, #tpu.memory_space<hbm>> -> memref<1x1x2x18944xf32, #tpu.memory_space<hbm>>
    %dma_wait3A_619 = tpu.memref_squeeze %dma_wait3A_618 : memref<1x1x2x18944xf32, #tpu.memory_space<hbm>> -> memref<2x18944xf32, #tpu.memory_space<hbm>>
    %dma_wait3A_620 = arith.constant 0 : i32
    %dma_wait3A_621 = arith.constant 0 : i32
    %dma_wait3A_622 = tpu.memref_slice %arg6[%dma_wait3A_620, %dma_wait3A_621] : memref<2x19072xf32, #tpu.memory_space<vmem>> -> memref<2x18944xf32, #tpu.memory_space<vmem>>
    tpu.wait_dma2 semaphore(%dma_wait3A_615 : memref<!tpu.dma_semaphore, #tpu.memory_space<semaphore_mem>>) src(%dma_wait3A_622 : memref<2x18944xf32, #tpu.memory_space<vmem>>) dst(%dma_wait3A_619 : memref<2x18944xf32, #tpu.memory_space<hbm>>)
    %add3A_623 = arith.constant 0 : i32
    %add3A_624 = arith.addi %mul3A_2, %add3A_623 : i32
    %jit3A_625 = arith.constant 32 : i32
    %div3A_626 = arith.divsi %add3A_624, %jit3A_625 : i32
    %sign3A_627 = arith.constant 0 : i32
    %sign3A_628 = arith.cmpi sgt, %add3A_624, %sign3A_627 : i32
    %sign3A_629 = arith.extui %sign3A_628 : i1 to i32
    %sign3A_630 = arith.constant 0 : i32
    %sign3A_631 = arith.cmpi slt, %add3A_624, %sign3A_630 : i32
    %sign3A_632 = arith.extui %sign3A_631 : i1 to i32
    %sign3A_633 = arith.subi %sign3A_629, %sign3A_632 : i32
    %sign3A_634 = arith.constant 0 : i32
    %sign3A_635 = arith.cmpi sgt, %jit3A_625, %sign3A_634 : i32
    %sign3A_636 = arith.extui %sign3A_635 : i1 to i32
    %sign3A_637 = arith.constant 0 : i32
    %sign3A_638 = arith.cmpi slt, %jit3A_625, %sign3A_637 : i32
    %sign3A_639 = arith.extui %sign3A_638 : i1 to i32
    %sign3A_640 = arith.subi %sign3A_636, %sign3A_639 : i32
    %ne3A_641 = arith.cmpi ne, %sign3A_633, %sign3A_640 : i32
    %rem3A_642 = arith.remsi %add3A_624, %jit3A_625 : i32
    %ne3A_643 = arith.constant 0 : i32
    %ne3A_644 = arith.cmpi ne, %rem3A_642, %ne3A_643 : i32
    %and3A_645 = arith.andi %ne3A_641, %ne3A_644 : i1
    %sub3A_646 = arith.constant 1 : i32
    %sub3A_647 = arith.subi %div3A_626, %sub3A_646 : i32
    %select_n3A_648 = arith.select %and3A_645, %sub3A_647, %div3A_626 : i32
    %rem3A_649 = arith.constant 32 : i32
    %rem3A_650 = arith.remsi %add3A_624, %rem3A_649 : i32
    %dma_start3A_651 = arith.constant 2 : i32
    %dma_start3A_652 = arith.constant 0 : i32
    %dma_start3A_653 = arith.constant 0 : i32
    %dma_start3A_654 = tpu.memref_slice %arg6[%dma_start3A_652, %dma_start3A_653] : memref<2x19072xf32, #tpu.memory_space<vmem>> -> memref<2x18944xf32, #tpu.memory_space<vmem>>
    %dma_start3A_655 = arith.constant 0 : i32
    %dma_start3A_656 = arith.constant 94976 : i32
    %dma_start3A_657 = tpu.memref_slice %arg2[%select_n3A_648, %rem3A_650, %dma_start3A_655, %dma_start3A_656] : memref<2x32x2x160000xf32, #tpu.memory_space<hbm>> -> memref<1x1x2x18944xf32, #tpu.memory_space<hbm>>
    %dma_start3A_658 = tpu.memref_squeeze %dma_start3A_657 : memref<1x1x2x18944xf32, #tpu.memory_space<hbm>> -> memref<2x18944xf32, #tpu.memory_space<hbm>>
    %dma_start3A_659 = tpu.memref_slice %arg7[%dma_start3A_651] : memref<3x!tpu.dma_semaphore, #tpu.memory_space<semaphore_mem>> -> memref<1x!tpu.dma_semaphore, #tpu.memory_space<semaphore_mem>>
    %dma_start3A_660 = tpu.memref_squeeze %dma_start3A_659 : memref<1x!tpu.dma_semaphore, #tpu.memory_space<semaphore_mem>> -> memref<!tpu.dma_semaphore, #tpu.memory_space<semaphore_mem>>
    %dma_start3A_661 = arith.constant 0 : i32
    %dma_start3A_662 = arith.constant 0 : i32
    %dma_start3A_663 = tpu.memref_slice %arg6[%dma_start3A_661, %dma_start3A_662] : memref<2x19072xf32, #tpu.memory_space<vmem>> -> memref<2x18944xf32, #tpu.memory_space<vmem>>
    %dma_start3A_664 = arith.constant 0 : i32
    %dma_start3A_665 = arith.constant 94976 : i32
    %dma_start3A_666 = tpu.memref_slice %arg2[%select_n3A_648, %rem3A_650, %dma_start3A_664, %dma_start3A_665] : memref<2x32x2x160000xf32, #tpu.memory_space<hbm>> -> memref<1x1x2x18944xf32, #tpu.memory_space<hbm>>
    %dma_start3A_667 = tpu.memref_squeeze %dma_start3A_666 : memref<1x1x2x18944xf32, #tpu.memory_space<hbm>> -> memref<2x18944xf32, #tpu.memory_space<hbm>>
    tpu.enqueue_dma source(%dma_start3A_667 : memref<2x18944xf32, #tpu.memory_space<hbm>>) target(%dma_start3A_663 : memref<2x18944xf32, #tpu.memory_space<vmem>>) target_semaphore(%dma_start3A_660 : memref<!tpu.dma_semaphore, #tpu.memory_space<semaphore_mem>>)
    %add3A_668 = arith.constant 0 : i32
    %add3A_669 = arith.addi %mul3A_2, %add3A_668 : i32
    %jit3A_670 = arith.constant 32 : i32
    %div3A_671 = arith.divsi %add3A_669, %jit3A_670 : i32
    %sign3A_672 = arith.constant 0 : i32
    %sign3A_673 = arith.cmpi sgt, %add3A_669, %sign3A_672 : i32
    %sign3A_674 = arith.extui %sign3A_673 : i1 to i32
    %sign3A_675 = arith.constant 0 : i32
    %sign3A_676 = arith.cmpi slt, %add3A_669, %sign3A_675 : i32
    %sign3A_677 = arith.extui %sign3A_676 : i1 to i32
    %sign3A_678 = arith.subi %sign3A_674, %sign3A_677 : i32
    %sign3A_679 = arith.constant 0 : i32
    %sign3A_680 = arith.cmpi sgt, %jit3A_670, %sign3A_679 : i32
    %sign3A_681 = arith.extui %sign3A_680 : i1 to i32
    %sign3A_682 = arith.constant 0 : i32
    %sign3A_683 = arith.cmpi slt, %jit3A_670, %sign3A_682 : i32
    %sign3A_684 = arith.extui %sign3A_683 : i1 to i32
    %sign3A_685 = arith.subi %sign3A_681, %sign3A_684 : i32
    %ne3A_686 = arith.cmpi ne, %sign3A_678, %sign3A_685 : i32
    %rem3A_687 = arith.remsi %add3A_669, %jit3A_670 : i32
    %ne3A_688 = arith.constant 0 : i32
    %ne3A_689 = arith.cmpi ne, %rem3A_687, %ne3A_688 : i32
    %and3A_690 = arith.andi %ne3A_686, %ne3A_689 : i1
    %sub3A_691 = arith.constant 1 : i32
    %sub3A_692 = arith.subi %div3A_671, %sub3A_691 : i32
    %select_n3A_693 = arith.select %and3A_690, %sub3A_692, %div3A_671 : i32
    %rem3A_694 = arith.constant 32 : i32
    %rem3A_695 = arith.remsi %add3A_669, %rem3A_694 : i32
    %dma_wait3A_696 = arith.constant 0 : i32
    %dma_wait3A_697 = arith.constant 0 : i32
    %dma_wait3A_698 = arith.constant 0 : i32
    %dma_wait3A_699 = tpu.memref_slice %arg4[%dma_wait3A_697, %dma_wait3A_698] : memref<2x19072xf32, #tpu.memory_space<vmem>> -> memref<2x18944xf32, #tpu.memory_space<vmem>>
    %dma_wait3A_700 = arith.constant 0 : i32
    %dma_wait3A_701 = arith.constant 57088 : i32
    %dma_wait3A_702 = tpu.memref_slice %arg2[%select_n3A_693, %rem3A_695, %dma_wait3A_700, %dma_wait3A_701] : memref<2x32x2x160000xf32, #tpu.memory_space<hbm>> -> memref<1x1x2x18944xf32, #tpu.memory_space<hbm>>
    %dma_wait3A_703 = tpu.memref_squeeze %dma_wait3A_702 : memref<1x1x2x18944xf32, #tpu.memory_space<hbm>> -> memref<2x18944xf32, #tpu.memory_space<hbm>>
    %dma_wait3A_704 = tpu.memref_slice %arg7[%dma_wait3A_696] : memref<3x!tpu.dma_semaphore, #tpu.memory_space<semaphore_mem>> -> memref<1x!tpu.dma_semaphore, #tpu.memory_space<semaphore_mem>>
    %dma_wait3A_705 = tpu.memref_squeeze %dma_wait3A_704 : memref<1x!tpu.dma_semaphore, #tpu.memory_space<semaphore_mem>> -> memref<!tpu.dma_semaphore, #tpu.memory_space<semaphore_mem>>
    %dma_wait3A_706 = arith.constant 0 : i32
    %dma_wait3A_707 = arith.constant 0 : i32
    %dma_wait3A_708 = tpu.memref_slice %arg4[%dma_wait3A_706, %dma_wait3A_707] : memref<2x19072xf32, #tpu.memory_space<vmem>> -> memref<2x18944xf32, #tpu.memory_space<vmem>>
    %dma_wait3A_709 = arith.constant 0 : i32
    %dma_wait3A_710 = arith.constant 57088 : i32
    %dma_wait3A_711 = tpu.memref_slice %arg2[%select_n3A_693, %rem3A_695, %dma_wait3A_709, %dma_wait3A_710] : memref<2x32x2x160000xf32, #tpu.memory_space<hbm>> -> memref<1x1x2x18944xf32, #tpu.memory_space<hbm>>
    %dma_wait3A_712 = tpu.memref_squeeze %dma_wait3A_711 : memref<1x1x2x18944xf32, #tpu.memory_space<hbm>> -> memref<2x18944xf32, #tpu.memory_space<hbm>>
    tpu.wait_dma2 semaphore(%dma_wait3A_705 : memref<!tpu.dma_semaphore, #tpu.memory_space<semaphore_mem>>) src(%dma_wait3A_712 : memref<2x18944xf32, #tpu.memory_space<hbm>>) dst(%dma_wait3A_708 : memref<2x18944xf32, #tpu.memory_space<vmem>>)
    %add3A_713 = arith.constant 0 : i32
    %add3A_714 = arith.addi %mul3A_2, %add3A_713 : i32
    %jit3A_715 = arith.constant 32 : i32
    %div3A_716 = arith.divsi %add3A_714, %jit3A_715 : i32
    %sign3A_717 = arith.constant 0 : i32
    %sign3A_718 = arith.cmpi sgt, %add3A_714, %sign3A_717 : i32
    %sign3A_719 = arith.extui %sign3A_718 : i1 to i32
    %sign3A_720 = arith.constant 0 : i32
    %sign3A_721 = arith.cmpi slt, %add3A_714, %sign3A_720 : i32
    %sign3A_722 = arith.extui %sign3A_721 : i1 to i32
    %sign3A_723 = arith.subi %sign3A_719, %sign3A_722 : i32
    %sign3A_724 = arith.constant 0 : i32
    %sign3A_725 = arith.cmpi sgt, %jit3A_715, %sign3A_724 : i32
    %sign3A_726 = arith.extui %sign3A_725 : i1 to i32
    %sign3A_727 = arith.constant 0 : i32
    %sign3A_728 = arith.cmpi slt, %jit3A_715, %sign3A_727 : i32
    %sign3A_729 = arith.extui %sign3A_728 : i1 to i32
    %sign3A_730 = arith.subi %sign3A_726, %sign3A_729 : i32
    %ne3A_731 = arith.cmpi ne, %sign3A_723, %sign3A_730 : i32
    %rem3A_732 = arith.remsi %add3A_714, %jit3A_715 : i32
    %ne3A_733 = arith.constant 0 : i32
    %ne3A_734 = arith.cmpi ne, %rem3A_732, %ne3A_733 : i32
    %and3A_735 = arith.andi %ne3A_731, %ne3A_734 : i1
    %sub3A_736 = arith.constant 1 : i32
    %sub3A_737 = arith.subi %div3A_716, %sub3A_736 : i32
    %select_n3A_738 = arith.select %and3A_735, %sub3A_737, %div3A_716 : i32
    %rem3A_739 = arith.constant 32 : i32
    %rem3A_740 = arith.remsi %add3A_714, %rem3A_739 : i32
    %dma_start3A_741 = arith.constant 0 : i32
    %dma_start3A_742 = arith.constant 0 : i32
    %dma_start3A_743 = arith.constant 0 : i32
    %dma_start3A_744 = tpu.memref_slice %arg4[%dma_start3A_742, %dma_start3A_743] : memref<2x19072xf32, #tpu.memory_space<vmem>> -> memref<2x18944xf32, #tpu.memory_space<vmem>>
    %dma_start3A_745 = arith.constant 0 : i32
    %dma_start3A_746 = arith.constant 57088 : i32
    %dma_start3A_747 = tpu.memref_slice %arg3[%select_n3A_738, %rem3A_740, %dma_start3A_745, %dma_start3A_746] : memref<2x32x2x151808xf32, #tpu.memory_space<hbm>> -> memref<1x1x2x18944xf32, #tpu.memory_space<hbm>>
    %dma_start3A_748 = tpu.memref_squeeze %dma_start3A_747 : memref<1x1x2x18944xf32, #tpu.memory_space<hbm>> -> memref<2x18944xf32, #tpu.memory_space<hbm>>
    %dma_start3A_749 = tpu.memref_slice %arg8[%dma_start3A_741] : memref<3x!tpu.dma_semaphore, #tpu.memory_space<semaphore_mem>> -> memref<1x!tpu.dma_semaphore, #tpu.memory_space<semaphore_mem>>
    %dma_start3A_750 = tpu.memref_squeeze %dma_start3A_749 : memref<1x!tpu.dma_semaphore, #tpu.memory_space<semaphore_mem>> -> memref<!tpu.dma_semaphore, #tpu.memory_space<semaphore_mem>>
    %dma_start3A_751 = arith.constant 0 : i32
    %dma_start3A_752 = arith.constant 57088 : i32
    %dma_start3A_753 = tpu.memref_slice %arg3[%select_n3A_738, %rem3A_740, %dma_start3A_751, %dma_start3A_752] : memref<2x32x2x151808xf32, #tpu.memory_space<hbm>> -> memref<1x1x2x18944xf32, #tpu.memory_space<hbm>>
    %dma_start3A_754 = tpu.memref_squeeze %dma_start3A_753 : memref<1x1x2x18944xf32, #tpu.memory_space<hbm>> -> memref<2x18944xf32, #tpu.memory_space<hbm>>
    %dma_start3A_755 = arith.constant 0 : i32
    %dma_start3A_756 = arith.constant 0 : i32
    %dma_start3A_757 = tpu.memref_slice %arg4[%dma_start3A_755, %dma_start3A_756] : memref<2x19072xf32, #tpu.memory_space<vmem>> -> memref<2x18944xf32, #tpu.memory_space<vmem>>
    tpu.enqueue_dma source(%dma_start3A_757 : memref<2x18944xf32, #tpu.memory_space<vmem>>) target(%dma_start3A_754 : memref<2x18944xf32, #tpu.memory_space<hbm>>) target_semaphore(%dma_start3A_750 : memref<!tpu.dma_semaphore, #tpu.memory_space<semaphore_mem>>)
    %add3A_758 = arith.constant 0 : i32
    %add3A_759 = arith.addi %mul3A_2, %add3A_758 : i32
    %jit3A_760 = arith.constant 32 : i32
    %div3A_761 = arith.divsi %add3A_759, %jit3A_760 : i32
    %sign3A_762 = arith.constant 0 : i32
    %sign3A_763 = arith.cmpi sgt, %add3A_759, %sign3A_762 : i32
    %sign3A_764 = arith.extui %sign3A_763 : i1 to i32
    %sign3A_765 = arith.constant 0 : i32
    %sign3A_766 = arith.cmpi slt, %add3A_759, %sign3A_765 : i32
    %sign3A_767 = arith.extui %sign3A_766 : i1 to i32
    %sign3A_768 = arith.subi %sign3A_764, %sign3A_767 : i32
    %sign3A_769 = arith.constant 0 : i32
    %sign3A_770 = arith.cmpi sgt, %jit3A_760, %sign3A_769 : i32
    %sign3A_771 = arith.extui %sign3A_770 : i1 to i32
    %sign3A_772 = arith.constant 0 : i32
    %sign3A_773 = arith.cmpi slt, %jit3A_760, %sign3A_772 : i32
    %sign3A_774 = arith.extui %sign3A_773 : i1 to i32
    %sign3A_775 = arith.subi %sign3A_771, %sign3A_774 : i32
    %ne3A_776 = arith.cmpi ne, %sign3A_768, %sign3A_775 : i32
    %rem3A_777 = arith.remsi %add3A_759, %jit3A_760 : i32
    %ne3A_778 = arith.constant 0 : i32
    %ne3A_779 = arith.cmpi ne, %rem3A_777, %ne3A_778 : i32
    %and3A_780 = arith.andi %ne3A_776, %ne3A_779 : i1
    %sub3A_781 = arith.constant 1 : i32
    %sub3A_782 = arith.subi %div3A_761, %sub3A_781 : i32
    %select_n3A_783 = arith.select %and3A_780, %sub3A_782, %div3A_761 : i32
    %rem3A_784 = arith.constant 32 : i32
    %rem3A_785 = arith.remsi %add3A_759, %rem3A_784 : i32
    %dma_wait3A_786 = arith.constant 0 : i32
    %dma_wait3A_787 = arith.constant 0 : i32
    %dma_wait3A_788 = arith.constant 0 : i32
    %dma_wait3A_789 = tpu.memref_slice %arg4[%dma_wait3A_787, %dma_wait3A_788] : memref<2x19072xf32, #tpu.memory_space<vmem>> -> memref<2x18944xf32, #tpu.memory_space<vmem>>
    %dma_wait3A_790 = arith.constant 0 : i32
    %dma_wait3A_791 = arith.constant 57088 : i32
    %dma_wait3A_792 = tpu.memref_slice %arg3[%select_n3A_783, %rem3A_785, %dma_wait3A_790, %dma_wait3A_791] : memref<2x32x2x151808xf32, #tpu.memory_space<hbm>> -> memref<1x1x2x18944xf32, #tpu.memory_space<hbm>>
    %dma_wait3A_793 = tpu.memref_squeeze %dma_wait3A_792 : memref<1x1x2x18944xf32, #tpu.memory_space<hbm>> -> memref<2x18944xf32, #tpu.memory_space<hbm>>
    %dma_wait3A_794 = tpu.memref_slice %arg8[%dma_wait3A_786] : memref<3x!tpu.dma_semaphore, #tpu.memory_space<semaphore_mem>> -> memref<1x!tpu.dma_semaphore, #tpu.memory_space<semaphore_mem>>
    %dma_wait3A_795 = tpu.memref_squeeze %dma_wait3A_794 : memref<1x!tpu.dma_semaphore, #tpu.memory_space<semaphore_mem>> -> memref<!tpu.dma_semaphore, #tpu.memory_space<semaphore_mem>>
    %dma_wait3A_796 = arith.constant 0 : i32
    %dma_wait3A_797 = arith.constant 57088 : i32
    %dma_wait3A_798 = tpu.memref_slice %arg3[%select_n3A_783, %rem3A_785, %dma_wait3A_796, %dma_wait3A_797] : memref<2x32x2x151808xf32, #tpu.memory_space<hbm>> -> memref<1x1x2x18944xf32, #tpu.memory_space<hbm>>
    %dma_wait3A_799 = tpu.memref_squeeze %dma_wait3A_798 : memref<1x1x2x18944xf32, #tpu.memory_space<hbm>> -> memref<2x18944xf32, #tpu.memory_space<hbm>>
    %dma_wait3A_800 = arith.constant 0 : i32
    %dma_wait3A_801 = arith.constant 0 : i32
    %dma_wait3A_802 = tpu.memref_slice %arg4[%dma_wait3A_800, %dma_wait3A_801] : memref<2x19072xf32, #tpu.memory_space<vmem>> -> memref<2x18944xf32, #tpu.memory_space<vmem>>
    tpu.wait_dma2 semaphore(%dma_wait3A_795 : memref<!tpu.dma_semaphore, #tpu.memory_space<semaphore_mem>>) src(%dma_wait3A_802 : memref<2x18944xf32, #tpu.memory_space<vmem>>) dst(%dma_wait3A_799 : memref<2x18944xf32, #tpu.memory_space<hbm>>)
    %add3A_803 = arith.constant 0 : i32
    %add3A_804 = arith.addi %mul3A_2, %add3A_803 : i32
    %jit3A_805 = arith.constant 32 : i32
    %div3A_806 = arith.divsi %add3A_804, %jit3A_805 : i32
    %sign3A_807 = arith.constant 0 : i32
    %sign3A_808 = arith.cmpi sgt, %add3A_804, %sign3A_807 : i32
    %sign3A_809 = arith.extui %sign3A_808 : i1 to i32
    %sign3A_810 = arith.constant 0 : i32
    %sign3A_811 = arith.cmpi slt, %add3A_804, %sign3A_810 : i32
    %sign3A_812 = arith.extui %sign3A_811 : i1 to i32
    %sign3A_813 = arith.subi %sign3A_809, %sign3A_812 : i32
    %sign3A_814 = arith.constant 0 : i32
    %sign3A_815 = arith.cmpi sgt, %jit3A_805, %sign3A_814 : i32
    %sign3A_816 = arith.extui %sign3A_815 : i1 to i32
    %sign3A_817 = arith.constant 0 : i32
    %sign3A_818 = arith.cmpi slt, %jit3A_805, %sign3A_817 : i32
    %sign3A_819 = arith.extui %sign3A_818 : i1 to i32
    %sign3A_820 = arith.subi %sign3A_816, %sign3A_819 : i32
    %ne3A_821 = arith.cmpi ne, %sign3A_813, %sign3A_820 : i32
    %rem3A_822 = arith.remsi %add3A_804, %jit3A_805 : i32
    %ne3A_823 = arith.constant 0 : i32
    %ne3A_824 = arith.cmpi ne, %rem3A_822, %ne3A_823 : i32
    %and3A_825 = arith.andi %ne3A_821, %ne3A_824 : i1
    %sub3A_826 = arith.constant 1 : i32
    %sub3A_827 = arith.subi %div3A_806, %sub3A_826 : i32
    %select_n3A_828 = arith.select %and3A_825, %sub3A_827, %div3A_806 : i32
    %rem3A_829 = arith.constant 32 : i32
    %rem3A_830 = arith.remsi %add3A_804, %rem3A_829 : i32
    %dma_start3A_831 = arith.constant 0 : i32
    %dma_start3A_832 = arith.constant 0 : i32
    %dma_start3A_833 = arith.constant 0 : i32
    %dma_start3A_834 = tpu.memref_slice %arg4[%dma_start3A_832, %dma_start3A_833] : memref<2x19072xf32, #tpu.memory_space<vmem>> -> memref<2x18944xf32, #tpu.memory_space<vmem>>
    %dma_start3A_835 = arith.constant 0 : i32
    %dma_start3A_836 = arith.constant 113920 : i32
    %dma_start3A_837 = tpu.memref_slice %arg2[%select_n3A_828, %rem3A_830, %dma_start3A_835, %dma_start3A_836] : memref<2x32x2x160000xf32, #tpu.memory_space<hbm>> -> memref<1x1x2x18944xf32, #tpu.memory_space<hbm>>
    %dma_start3A_838 = tpu.memref_squeeze %dma_start3A_837 : memref<1x1x2x18944xf32, #tpu.memory_space<hbm>> -> memref<2x18944xf32, #tpu.memory_space<hbm>>
    %dma_start3A_839 = tpu.memref_slice %arg7[%dma_start3A_831] : memref<3x!tpu.dma_semaphore, #tpu.memory_space<semaphore_mem>> -> memref<1x!tpu.dma_semaphore, #tpu.memory_space<semaphore_mem>>
    %dma_start3A_840 = tpu.memref_squeeze %dma_start3A_839 : memref<1x!tpu.dma_semaphore, #tpu.memory_space<semaphore_mem>> -> memref<!tpu.dma_semaphore, #tpu.memory_space<semaphore_mem>>
    %dma_start3A_841 = arith.constant 0 : i32
    %dma_start3A_842 = arith.constant 0 : i32
    %dma_start3A_843 = tpu.memref_slice %arg4[%dma_start3A_841, %dma_start3A_842] : memref<2x19072xf32, #tpu.memory_space<vmem>> -> memref<2x18944xf32, #tpu.memory_space<vmem>>
    %dma_start3A_844 = arith.constant 0 : i32
    %dma_start3A_845 = arith.constant 113920 : i32
    %dma_start3A_846 = tpu.memref_slice %arg2[%select_n3A_828, %rem3A_830, %dma_start3A_844, %dma_start3A_845] : memref<2x32x2x160000xf32, #tpu.memory_space<hbm>> -> memref<1x1x2x18944xf32, #tpu.memory_space<hbm>>
    %dma_start3A_847 = tpu.memref_squeeze %dma_start3A_846 : memref<1x1x2x18944xf32, #tpu.memory_space<hbm>> -> memref<2x18944xf32, #tpu.memory_space<hbm>>
    tpu.enqueue_dma source(%dma_start3A_847 : memref<2x18944xf32, #tpu.memory_space<hbm>>) target(%dma_start3A_843 : memref<2x18944xf32, #tpu.memory_space<vmem>>) target_semaphore(%dma_start3A_840 : memref<!tpu.dma_semaphore, #tpu.memory_space<semaphore_mem>>)
    %add3A_848 = arith.constant 0 : i32
    %add3A_849 = arith.addi %mul3A_2, %add3A_848 : i32
    %jit3A_850 = arith.constant 32 : i32
    %div3A_851 = arith.divsi %add3A_849, %jit3A_850 : i32
    %sign3A_852 = arith.constant 0 : i32
    %sign3A_853 = arith.cmpi sgt, %add3A_849, %sign3A_852 : i32
    %sign3A_854 = arith.extui %sign3A_853 : i1 to i32
    %sign3A_855 = arith.constant 0 : i32
    %sign3A_856 = arith.cmpi slt, %add3A_849, %sign3A_855 : i32
    %sign3A_857 = arith.extui %sign3A_856 : i1 to i32
    %sign3A_858 = arith.subi %sign3A_854, %sign3A_857 : i32
    %sign3A_859 = arith.constant 0 : i32
    %sign3A_860 = arith.cmpi sgt, %jit3A_850, %sign3A_859 : i32
    %sign3A_861 = arith.extui %sign3A_860 : i1 to i32
    %sign3A_862 = arith.constant 0 : i32
    %sign3A_863 = arith.cmpi slt, %jit3A_850, %sign3A_862 : i32
    %sign3A_864 = arith.extui %sign3A_863 : i1 to i32
    %sign3A_865 = arith.subi %sign3A_861, %sign3A_864 : i32
    %ne3A_866 = arith.cmpi ne, %sign3A_858, %sign3A_865 : i32
    %rem3A_867 = arith.remsi %add3A_849, %jit3A_850 : i32
    %ne3A_868 = arith.constant 0 : i32
    %ne3A_869 = arith.cmpi ne, %rem3A_867, %ne3A_868 : i32
    %and3A_870 = arith.andi %ne3A_866, %ne3A_869 : i1
    %sub3A_871 = arith.constant 1 : i32
    %sub3A_872 = arith.subi %div3A_851, %sub3A_871 : i32
    %select_n3A_873 = arith.select %and3A_870, %sub3A_872, %div3A_851 : i32
    %rem3A_874 = arith.constant 32 : i32
    %rem3A_875 = arith.remsi %add3A_849, %rem3A_874 : i32
    %dma_wait3A_876 = arith.constant 1 : i32
    %dma_wait3A_877 = arith.constant 0 : i32
    %dma_wait3A_878 = arith.constant 0 : i32
    %dma_wait3A_879 = tpu.memref_slice %arg5[%dma_wait3A_877, %dma_wait3A_878] : memref<2x19072xf32, #tpu.memory_space<vmem>> -> memref<2x18944xf32, #tpu.memory_space<vmem>>
    %dma_wait3A_880 = arith.constant 0 : i32
    %dma_wait3A_881 = arith.constant 76032 : i32
    %dma_wait3A_882 = tpu.memref_slice %arg2[%select_n3A_873, %rem3A_875, %dma_wait3A_880, %dma_wait3A_881] : memref<2x32x2x160000xf32, #tpu.memory_space<hbm>> -> memref<1x1x2x18944xf32, #tpu.memory_space<hbm>>
    %dma_wait3A_883 = tpu.memref_squeeze %dma_wait3A_882 : memref<1x1x2x18944xf32, #tpu.memory_space<hbm>> -> memref<2x18944xf32, #tpu.memory_space<hbm>>
    %dma_wait3A_884 = tpu.memref_slice %arg7[%dma_wait3A_876] : memref<3x!tpu.dma_semaphore, #tpu.memory_space<semaphore_mem>> -> memref<1x!tpu.dma_semaphore, #tpu.memory_space<semaphore_mem>>
    %dma_wait3A_885 = tpu.memref_squeeze %dma_wait3A_884 : memref<1x!tpu.dma_semaphore, #tpu.memory_space<semaphore_mem>> -> memref<!tpu.dma_semaphore, #tpu.memory_space<semaphore_mem>>
    %dma_wait3A_886 = arith.constant 0 : i32
    %dma_wait3A_887 = arith.constant 0 : i32
    %dma_wait3A_888 = tpu.memref_slice %arg5[%dma_wait3A_886, %dma_wait3A_887] : memref<2x19072xf32, #tpu.memory_space<vmem>> -> memref<2x18944xf32, #tpu.memory_space<vmem>>
    %dma_wait3A_889 = arith.constant 0 : i32
    %dma_wait3A_890 = arith.constant 76032 : i32
    %dma_wait3A_891 = tpu.memref_slice %arg2[%select_n3A_873, %rem3A_875, %dma_wait3A_889, %dma_wait3A_890] : memref<2x32x2x160000xf32, #tpu.memory_space<hbm>> -> memref<1x1x2x18944xf32, #tpu.memory_space<hbm>>
    %dma_wait3A_892 = tpu.memref_squeeze %dma_wait3A_891 : memref<1x1x2x18944xf32, #tpu.memory_space<hbm>> -> memref<2x18944xf32, #tpu.memory_space<hbm>>
    tpu.wait_dma2 semaphore(%dma_wait3A_885 : memref<!tpu.dma_semaphore, #tpu.memory_space<semaphore_mem>>) src(%dma_wait3A_892 : memref<2x18944xf32, #tpu.memory_space<hbm>>) dst(%dma_wait3A_888 : memref<2x18944xf32, #tpu.memory_space<vmem>>)
    %add3A_893 = arith.constant 0 : i32
    %add3A_894 = arith.addi %mul3A_2, %add3A_893 : i32
    %jit3A_895 = arith.constant 32 : i32
    %div3A_896 = arith.divsi %add3A_894, %jit3A_895 : i32
    %sign3A_897 = arith.constant 0 : i32
    %sign3A_898 = arith.cmpi sgt, %add3A_894, %sign3A_897 : i32
    %sign3A_899 = arith.extui %sign3A_898 : i1 to i32
    %sign3A_900 = arith.constant 0 : i32
    %sign3A_901 = arith.cmpi slt, %add3A_894, %sign3A_900 : i32
    %sign3A_902 = arith.extui %sign3A_901 : i1 to i32
    %sign3A_903 = arith.subi %sign3A_899, %sign3A_902 : i32
    %sign3A_904 = arith.constant 0 : i32
    %sign3A_905 = arith.cmpi sgt, %jit3A_895, %sign3A_904 : i32
    %sign3A_906 = arith.extui %sign3A_905 : i1 to i32
    %sign3A_907 = arith.constant 0 : i32
    %sign3A_908 = arith.cmpi slt, %jit3A_895, %sign3A_907 : i32
    %sign3A_909 = arith.extui %sign3A_908 : i1 to i32
    %sign3A_910 = arith.subi %sign3A_906, %sign3A_909 : i32
    %ne3A_911 = arith.cmpi ne, %sign3A_903, %sign3A_910 : i32
    %rem3A_912 = arith.remsi %add3A_894, %jit3A_895 : i32
    %ne3A_913 = arith.constant 0 : i32
    %ne3A_914 = arith.cmpi ne, %rem3A_912, %ne3A_913 : i32
    %and3A_915 = arith.andi %ne3A_911, %ne3A_914 : i1
    %sub3A_916 = arith.constant 1 : i32
    %sub3A_917 = arith.subi %div3A_896, %sub3A_916 : i32
    %select_n3A_918 = arith.select %and3A_915, %sub3A_917, %div3A_896 : i32
    %rem3A_919 = arith.constant 32 : i32
    %rem3A_920 = arith.remsi %add3A_894, %rem3A_919 : i32
    %dma_start3A_921 = arith.constant 1 : i32
    %dma_start3A_922 = arith.constant 0 : i32
    %dma_start3A_923 = arith.constant 0 : i32
    %dma_start3A_924 = tpu.memref_slice %arg5[%dma_start3A_922, %dma_start3A_923] : memref<2x19072xf32, #tpu.memory_space<vmem>> -> memref<2x18944xf32, #tpu.memory_space<vmem>>
    %dma_start3A_925 = arith.constant 0 : i32
    %dma_start3A_926 = arith.constant 76032 : i32
    %dma_start3A_927 = tpu.memref_slice %arg3[%select_n3A_918, %rem3A_920, %dma_start3A_925, %dma_start3A_926] : memref<2x32x2x151808xf32, #tpu.memory_space<hbm>> -> memref<1x1x2x18944xf32, #tpu.memory_space<hbm>>
    %dma_start3A_928 = tpu.memref_squeeze %dma_start3A_927 : memref<1x1x2x18944xf32, #tpu.memory_space<hbm>> -> memref<2x18944xf32, #tpu.memory_space<hbm>>
    %dma_start3A_929 = tpu.memref_slice %arg8[%dma_start3A_921] : memref<3x!tpu.dma_semaphore, #tpu.memory_space<semaphore_mem>> -> memref<1x!tpu.dma_semaphore, #tpu.memory_space<semaphore_mem>>
    %dma_start3A_930 = tpu.memref_squeeze %dma_start3A_929 : memref<1x!tpu.dma_semaphore, #tpu.memory_space<semaphore_mem>> -> memref<!tpu.dma_semaphore, #tpu.memory_space<semaphore_mem>>
    %dma_start3A_931 = arith.constant 0 : i32
    %dma_start3A_932 = arith.constant 76032 : i32
    %dma_start3A_933 = tpu.memref_slice %arg3[%select_n3A_918, %rem3A_920, %dma_start3A_931, %dma_start3A_932] : memref<2x32x2x151808xf32, #tpu.memory_space<hbm>> -> memref<1x1x2x18944xf32, #tpu.memory_space<hbm>>
    %dma_start3A_934 = tpu.memref_squeeze %dma_start3A_933 : memref<1x1x2x18944xf32, #tpu.memory_space<hbm>> -> memref<2x18944xf32, #tpu.memory_space<hbm>>
    %dma_start3A_935 = arith.constant 0 : i32
    %dma_start3A_936 = arith.constant 0 : i32
    %dma_start3A_937 = tpu.memref_slice %arg5[%dma_start3A_935, %dma_start3A_936] : memref<2x19072xf32, #tpu.memory_space<vmem>> -> memref<2x18944xf32, #tpu.memory_space<vmem>>
    tpu.enqueue_dma source(%dma_start3A_937 : memref<2x18944xf32, #tpu.memory_space<vmem>>) target(%dma_start3A_934 : memref<2x18944xf32, #tpu.memory_space<hbm>>) target_semaphore(%dma_start3A_930 : memref<!tpu.dma_semaphore, #tpu.memory_space<semaphore_mem>>)
    %add3A_938 = arith.constant 0 : i32
    %add3A_939 = arith.addi %mul3A_2, %add3A_938 : i32
    %jit3A_940 = arith.constant 32 : i32
    %div3A_941 = arith.divsi %add3A_939, %jit3A_940 : i32
    %sign3A_942 = arith.constant 0 : i32
    %sign3A_943 = arith.cmpi sgt, %add3A_939, %sign3A_942 : i32
    %sign3A_944 = arith.extui %sign3A_943 : i1 to i32
    %sign3A_945 = arith.constant 0 : i32
    %sign3A_946 = arith.cmpi slt, %add3A_939, %sign3A_945 : i32
    %sign3A_947 = arith.extui %sign3A_946 : i1 to i32
    %sign3A_948 = arith.subi %sign3A_944, %sign3A_947 : i32
    %sign3A_949 = arith.constant 0 : i32
    %sign3A_950 = arith.cmpi sgt, %jit3A_940, %sign3A_949 : i32
    %sign3A_951 = arith.extui %sign3A_950 : i1 to i32
    %sign3A_952 = arith.constant 0 : i32
    %sign3A_953 = arith.cmpi slt, %jit3A_940, %sign3A_952 : i32
    %sign3A_954 = arith.extui %sign3A_953 : i1 to i32
    %sign3A_955 = arith.subi %sign3A_951, %sign3A_954 : i32
    %ne3A_956 = arith.cmpi ne, %sign3A_948, %sign3A_955 : i32
    %rem3A_957 = arith.remsi %add3A_939, %jit3A_940 : i32
    %ne3A_958 = arith.constant 0 : i32
    %ne3A_959 = arith.cmpi ne, %rem3A_957, %ne3A_958 : i32
    %and3A_960 = arith.andi %ne3A_956, %ne3A_959 : i1
    %sub3A_961 = arith.constant 1 : i32
    %sub3A_962 = arith.subi %div3A_941, %sub3A_961 : i32
    %select_n3A_963 = arith.select %and3A_960, %sub3A_962, %div3A_941 : i32
    %rem3A_964 = arith.constant 32 : i32
    %rem3A_965 = arith.remsi %add3A_939, %rem3A_964 : i32
    %dma_wait3A_966 = arith.constant 1 : i32
    %dma_wait3A_967 = arith.constant 0 : i32
    %dma_wait3A_968 = arith.constant 0 : i32
    %dma_wait3A_969 = tpu.memref_slice %arg5[%dma_wait3A_967, %dma_wait3A_968] : memref<2x19072xf32, #tpu.memory_space<vmem>> -> memref<2x18944xf32, #tpu.memory_space<vmem>>
    %dma_wait3A_970 = arith.constant 0 : i32
    %dma_wait3A_971 = arith.constant 76032 : i32
    %dma_wait3A_972 = tpu.memref_slice %arg3[%select_n3A_963, %rem3A_965, %dma_wait3A_970, %dma_wait3A_971] : memref<2x32x2x151808xf32, #tpu.memory_space<hbm>> -> memref<1x1x2x18944xf32, #tpu.memory_space<hbm>>
    %dma_wait3A_973 = tpu.memref_squeeze %dma_wait3A_972 : memref<1x1x2x18944xf32, #tpu.memory_space<hbm>> -> memref<2x18944xf32, #tpu.memory_space<hbm>>
    %dma_wait3A_974 = tpu.memref_slice %arg8[%dma_wait3A_966] : memref<3x!tpu.dma_semaphore, #tpu.memory_space<semaphore_mem>> -> memref<1x!tpu.dma_semaphore, #tpu.memory_space<semaphore_mem>>
    %dma_wait3A_975 = tpu.memref_squeeze %dma_wait3A_974 : memref<1x!tpu.dma_semaphore, #tpu.memory_space<semaphore_mem>> -> memref<!tpu.dma_semaphore, #tpu.memory_space<semaphore_mem>>
    %dma_wait3A_976 = arith.constant 0 : i32
    %dma_wait3A_977 = arith.constant 76032 : i32
    %dma_wait3A_978 = tpu.memref_slice %arg3[%select_n3A_963, %rem3A_965, %dma_wait3A_976, %dma_wait3A_977] : memref<2x32x2x151808xf32, #tpu.memory_space<hbm>> -> memref<1x1x2x18944xf32, #tpu.memory_space<hbm>>
    %dma_wait3A_979 = tpu.memref_squeeze %dma_wait3A_978 : memref<1x1x2x18944xf32, #tpu.memory_space<hbm>> -> memref<2x18944xf32, #tpu.memory_space<hbm>>
    %dma_wait3A_980 = arith.constant 0 : i32
    %dma_wait3A_981 = arith.constant 0 : i32
    %dma_wait3A_982 = tpu.memref_slice %arg5[%dma_wait3A_980, %dma_wait3A_981] : memref<2x19072xf32, #tpu.memory_space<vmem>> -> memref<2x18944xf32, #tpu.memory_space<vmem>>
    tpu.wait_dma2 semaphore(%dma_wait3A_975 : memref<!tpu.dma_semaphore, #tpu.memory_space<semaphore_mem>>) src(%dma_wait3A_982 : memref<2x18944xf32, #tpu.memory_space<vmem>>) dst(%dma_wait3A_979 : memref<2x18944xf32, #tpu.memory_space<hbm>>)
    %add3A_983 = arith.constant 0 : i32
    %add3A_984 = arith.addi %mul3A_2, %add3A_983 : i32
    %jit3A_985 = arith.constant 32 : i32
    %div3A_986 = arith.divsi %add3A_984, %jit3A_985 : i32
    %sign3A_987 = arith.constant 0 : i32
    %sign3A_988 = arith.cmpi sgt, %add3A_984, %sign3A_987 : i32
    %sign3A_989 = arith.extui %sign3A_988 : i1 to i32
    %sign3A_990 = arith.constant 0 : i32
    %sign3A_991 = arith.cmpi slt, %add3A_984, %sign3A_990 : i32
    %sign3A_992 = arith.extui %sign3A_991 : i1 to i32
    %sign3A_993 = arith.subi %sign3A_989, %sign3A_992 : i32
    %sign3A_994 = arith.constant 0 : i32
    %sign3A_995 = arith.cmpi sgt, %jit3A_985, %sign3A_994 : i32
    %sign3A_996 = arith.extui %sign3A_995 : i1 to i32
    %sign3A_997 = arith.constant 0 : i32
    %sign3A_998 = arith.cmpi slt, %jit3A_985, %sign3A_997 : i32
    %sign3A_999 = arith.extui %sign3A_998 : i1 to i32
    %sign3A_1000 = arith.subi %sign3A_996, %sign3A_999 : i32
    %ne3A_1001 = arith.cmpi ne, %sign3A_993, %sign3A_1000 : i32
    %rem3A_1002 = arith.remsi %add3A_984, %jit3A_985 : i32
    %ne3A_1003 = arith.constant 0 : i32
    %ne3A_1004 = arith.cmpi ne, %rem3A_1002, %ne3A_1003 : i32
    %and3A_1005 = arith.andi %ne3A_1001, %ne3A_1004 : i1
    %sub3A_1006 = arith.constant 1 : i32
    %sub3A_1007 = arith.subi %div3A_986, %sub3A_1006 : i32
    %select_n3A_1008 = arith.select %and3A_1005, %sub3A_1007, %div3A_986 : i32
    %rem3A_1009 = arith.constant 32 : i32
    %rem3A_1010 = arith.remsi %add3A_984, %rem3A_1009 : i32
    %dma_start3A_1011 = arith.constant 1 : i32
    %dma_start3A_1012 = arith.constant 0 : i32
    %dma_start3A_1013 = arith.constant 0 : i32
    %dma_start3A_1014 = tpu.memref_slice %arg5[%dma_start3A_1012, %dma_start3A_1013] : memref<2x19072xf32, #tpu.memory_space<vmem>> -> memref<2x18944xf32, #tpu.memory_space<vmem>>
    %dma_start3A_1015 = arith.constant 0 : i32
    %dma_start3A_1016 = arith.constant 132864 : i32
    %dma_start3A_1017 = tpu.memref_slice %arg2[%select_n3A_1008, %rem3A_1010, %dma_start3A_1015, %dma_start3A_1016] : memref<2x32x2x160000xf32, #tpu.memory_space<hbm>> -> memref<1x1x2x18944xf32, #tpu.memory_space<hbm>>
    %dma_start3A_1018 = tpu.memref_squeeze %dma_start3A_1017 : memref<1x1x2x18944xf32, #tpu.memory_space<hbm>> -> memref<2x18944xf32, #tpu.memory_space<hbm>>
    %dma_start3A_1019 = tpu.memref_slice %arg7[%dma_start3A_1011] : memref<3x!tpu.dma_semaphore, #tpu.memory_space<semaphore_mem>> -> memref<1x!tpu.dma_semaphore, #tpu.memory_space<semaphore_mem>>
    %dma_start3A_1020 = tpu.memref_squeeze %dma_start3A_1019 : memref<1x!tpu.dma_semaphore, #tpu.memory_space<semaphore_mem>> -> memref<!tpu.dma_semaphore, #tpu.memory_space<semaphore_mem>>
    %dma_start3A_1021 = arith.constant 0 : i32
    %dma_start3A_1022 = arith.constant 0 : i32
    %dma_start3A_1023 = tpu.memref_slice %arg5[%dma_start3A_1021, %dma_start3A_1022] : memref<2x19072xf32, #tpu.memory_space<vmem>> -> memref<2x18944xf32, #tpu.memory_space<vmem>>
    %dma_start3A_1024 = arith.constant 0 : i32
    %dma_start3A_1025 = arith.constant 132864 : i32
    %dma_start3A_1026 = tpu.memref_slice %arg2[%select_n3A_1008, %rem3A_1010, %dma_start3A_1024, %dma_start3A_1025] : memref<2x32x2x160000xf32, #tpu.memory_space<hbm>> -> memref<1x1x2x18944xf32, #tpu.memory_space<hbm>>
    %dma_start3A_1027 = tpu.memref_squeeze %dma_start3A_1026 : memref<1x1x2x18944xf32, #tpu.memory_space<hbm>> -> memref<2x18944xf32, #tpu.memory_space<hbm>>
    tpu.enqueue_dma source(%dma_start3A_1027 : memref<2x18944xf32, #tpu.memory_space<hbm>>) target(%dma_start3A_1023 : memref<2x18944xf32, #tpu.memory_space<vmem>>) target_semaphore(%dma_start3A_1020 : memref<!tpu.dma_semaphore, #tpu.memory_space<semaphore_mem>>)
    %add3A_1028 = arith.constant 0 : i32
    %add3A_1029 = arith.addi %mul3A_2, %add3A_1028 : i32
    %jit3A_1030 = arith.constant 32 : i32
    %div3A_1031 = arith.divsi %add3A_1029, %jit3A_1030 : i32
    %sign3A_1032 = arith.constant 0 : i32
    %sign3A_1033 = arith.cmpi sgt, %add3A_1029, %sign3A_1032 : i32
    %sign3A_1034 = arith.extui %sign3A_1033 : i1 to i32
    %sign3A_1035 = arith.constant 0 : i32
    %sign3A_1036 = arith.cmpi slt, %add3A_1029, %sign3A_1035 : i32
    %sign3A_1037 = arith.extui %sign3A_1036 : i1 to i32
    %sign3A_1038 = arith.subi %sign3A_1034, %sign3A_1037 : i32
    %sign3A_1039 = arith.constant 0 : i32
    %sign3A_1040 = arith.cmpi sgt, %jit3A_1030, %sign3A_1039 : i32
    %sign3A_1041 = arith.extui %sign3A_1040 : i1 to i32
    %sign3A_1042 = arith.constant 0 : i32
    %sign3A_1043 = arith.cmpi slt, %jit3A_1030, %sign3A_1042 : i32
    %sign3A_1044 = arith.extui %sign3A_1043 : i1 to i32
    %sign3A_1045 = arith.subi %sign3A_1041, %sign3A_1044 : i32
    %ne3A_1046 = arith.cmpi ne, %sign3A_1038, %sign3A_1045 : i32
    %rem3A_1047 = arith.remsi %add3A_1029, %jit3A_1030 : i32
    %ne3A_1048 = arith.constant 0 : i32
    %ne3A_1049 = arith.cmpi ne, %rem3A_1047, %ne3A_1048 : i32
    %and3A_1050 = arith.andi %ne3A_1046, %ne3A_1049 : i1
    %sub3A_1051 = arith.constant 1 : i32
    %sub3A_1052 = arith.subi %div3A_1031, %sub3A_1051 : i32
    %select_n3A_1053 = arith.select %and3A_1050, %sub3A_1052, %div3A_1031 : i32
    %rem3A_1054 = arith.constant 32 : i32
    %rem3A_1055 = arith.remsi %add3A_1029, %rem3A_1054 : i32
    %dma_wait3A_1056 = arith.constant 2 : i32
    %dma_wait3A_1057 = arith.constant 0 : i32
    %dma_wait3A_1058 = arith.constant 0 : i32
    %dma_wait3A_1059 = tpu.memref_slice %arg6[%dma_wait3A_1057, %dma_wait3A_1058] : memref<2x19072xf32, #tpu.memory_space<vmem>> -> memref<2x18944xf32, #tpu.memory_space<vmem>>
    %dma_wait3A_1060 = arith.constant 0 : i32
    %dma_wait3A_1061 = arith.constant 94976 : i32
    %dma_wait3A_1062 = tpu.memref_slice %arg2[%select_n3A_1053, %rem3A_1055, %dma_wait3A_1060, %dma_wait3A_1061] : memref<2x32x2x160000xf32, #tpu.memory_space<hbm>> -> memref<1x1x2x18944xf32, #tpu.memory_space<hbm>>
    %dma_wait3A_1063 = tpu.memref_squeeze %dma_wait3A_1062 : memref<1x1x2x18944xf32, #tpu.memory_space<hbm>> -> memref<2x18944xf32, #tpu.memory_space<hbm>>
    %dma_wait3A_1064 = tpu.memref_slice %arg7[%dma_wait3A_1056] : memref<3x!tpu.dma_semaphore, #tpu.memory_space<semaphore_mem>> -> memref<1x!tpu.dma_semaphore, #tpu.memory_space<semaphore_mem>>
    %dma_wait3A_1065 = tpu.memref_squeeze %dma_wait3A_1064 : memref<1x!tpu.dma_semaphore, #tpu.memory_space<semaphore_mem>> -> memref<!tpu.dma_semaphore, #tpu.memory_space<semaphore_mem>>
    %dma_wait3A_1066 = arith.constant 0 : i32
    %dma_wait3A_1067 = arith.constant 0 : i32
    %dma_wait3A_1068 = tpu.memref_slice %arg6[%dma_wait3A_1066, %dma_wait3A_1067] : memref<2x19072xf32, #tpu.memory_space<vmem>> -> memref<2x18944xf32, #tpu.memory_space<vmem>>
    %dma_wait3A_1069 = arith.constant 0 : i32
    %dma_wait3A_1070 = arith.constant 94976 : i32
    %dma_wait3A_1071 = tpu.memref_slice %arg2[%select_n3A_1053, %rem3A_1055, %dma_wait3A_1069, %dma_wait3A_1070] : memref<2x32x2x160000xf32, #tpu.memory_space<hbm>> -> memref<1x1x2x18944xf32, #tpu.memory_space<hbm>>
    %dma_wait3A_1072 = tpu.memref_squeeze %dma_wait3A_1071 : memref<1x1x2x18944xf32, #tpu.memory_space<hbm>> -> memref<2x18944xf32, #tpu.memory_space<hbm>>
    tpu.wait_dma2 semaphore(%dma_wait3A_1065 : memref<!tpu.dma_semaphore, #tpu.memory_space<semaphore_mem>>) src(%dma_wait3A_1072 : memref<2x18944xf32, #tpu.memory_space<hbm>>) dst(%dma_wait3A_1068 : memref<2x18944xf32, #tpu.memory_space<vmem>>)
    %add3A_1073 = arith.constant 0 : i32
    %add3A_1074 = arith.addi %mul3A_2, %add3A_1073 : i32
    %jit3A_1075 = arith.constant 32 : i32
    %div3A_1076 = arith.divsi %add3A_1074, %jit3A_1075 : i32
    %sign3A_1077 = arith.constant 0 : i32
    %sign3A_1078 = arith.cmpi sgt, %add3A_1074, %sign3A_1077 : i32
    %sign3A_1079 = arith.extui %sign3A_1078 : i1 to i32
    %sign3A_1080 = arith.constant 0 : i32
    %sign3A_1081 = arith.cmpi slt, %add3A_1074, %sign3A_1080 : i32
    %sign3A_1082 = arith.extui %sign3A_1081 : i1 to i32
    %sign3A_1083 = arith.subi %sign3A_1079, %sign3A_1082 : i32
    %sign3A_1084 = arith.constant 0 : i32
    %sign3A_1085 = arith.cmpi sgt, %jit3A_1075, %sign3A_1084 : i32
    %sign3A_1086 = arith.extui %sign3A_1085 : i1 to i32
    %sign3A_1087 = arith.constant 0 : i32
    %sign3A_1088 = arith.cmpi slt, %jit3A_1075, %sign3A_1087 : i32
    %sign3A_1089 = arith.extui %sign3A_1088 : i1 to i32
    %sign3A_1090 = arith.subi %sign3A_1086, %sign3A_1089 : i32
    %ne3A_1091 = arith.cmpi ne, %sign3A_1083, %sign3A_1090 : i32
    %rem3A_1092 = arith.remsi %add3A_1074, %jit3A_1075 : i32
    %ne3A_1093 = arith.constant 0 : i32
    %ne3A_1094 = arith.cmpi ne, %rem3A_1092, %ne3A_1093 : i32
    %and3A_1095 = arith.andi %ne3A_1091, %ne3A_1094 : i1
    %sub3A_1096 = arith.constant 1 : i32
    %sub3A_1097 = arith.subi %div3A_1076, %sub3A_1096 : i32
    %select_n3A_1098 = arith.select %and3A_1095, %sub3A_1097, %div3A_1076 : i32
    %rem3A_1099 = arith.constant 32 : i32
    %rem3A_1100 = arith.remsi %add3A_1074, %rem3A_1099 : i32
    %dma_start3A_1101 = arith.constant 2 : i32
    %dma_start3A_1102 = arith.constant 0 : i32
    %dma_start3A_1103 = arith.constant 0 : i32
    %dma_start3A_1104 = tpu.memref_slice %arg6[%dma_start3A_1102, %dma_start3A_1103] : memref<2x19072xf32, #tpu.memory_space<vmem>> -> memref<2x18944xf32, #tpu.memory_space<vmem>>
    %dma_start3A_1105 = arith.constant 0 : i32
    %dma_start3A_1106 = arith.constant 94976 : i32
    %dma_start3A_1107 = tpu.memref_slice %arg3[%select_n3A_1098, %rem3A_1100, %dma_start3A_1105, %dma_start3A_1106] : memref<2x32x2x151808xf32, #tpu.memory_space<hbm>> -> memref<1x1x2x18944xf32, #tpu.memory_space<hbm>>
    %dma_start3A_1108 = tpu.memref_squeeze %dma_start3A_1107 : memref<1x1x2x18944xf32, #tpu.memory_space<hbm>> -> memref<2x18944xf32, #tpu.memory_space<hbm>>
    %dma_start3A_1109 = tpu.memref_slice %arg8[%dma_start3A_1101] : memref<3x!tpu.dma_semaphore, #tpu.memory_space<semaphore_mem>> -> memref<1x!tpu.dma_semaphore, #tpu.memory_space<semaphore_mem>>
    %dma_start3A_1110 = tpu.memref_squeeze %dma_start3A_1109 : memref<1x!tpu.dma_semaphore, #tpu.memory_space<semaphore_mem>> -> memref<!tpu.dma_semaphore, #tpu.memory_space<semaphore_mem>>
    %dma_start3A_1111 = arith.constant 0 : i32
    %dma_start3A_1112 = arith.constant 94976 : i32
    %dma_start3A_1113 = tpu.memref_slice %arg3[%select_n3A_1098, %rem3A_1100, %dma_start3A_1111, %dma_start3A_1112] : memref<2x32x2x151808xf32, #tpu.memory_space<hbm>> -> memref<1x1x2x18944xf32, #tpu.memory_space<hbm>>
    %dma_start3A_1114 = tpu.memref_squeeze %dma_start3A_1113 : memref<1x1x2x18944xf32, #tpu.memory_space<hbm>> -> memref<2x18944xf32, #tpu.memory_space<hbm>>
    %dma_start3A_1115 = arith.constant 0 : i32
    %dma_start3A_1116 = arith.constant 0 : i32
    %dma_start3A_1117 = tpu.memref_slice %arg6[%dma_start3A_1115, %dma_start3A_1116] : memref<2x19072xf32, #tpu.memory_space<vmem>> -> memref<2x18944xf32, #tpu.memory_space<vmem>>
    tpu.enqueue_dma source(%dma_start3A_1117 : memref<2x18944xf32, #tpu.memory_space<vmem>>) target(%dma_start3A_1114 : memref<2x18944xf32, #tpu.memory_space<hbm>>) target_semaphore(%dma_start3A_1110 : memref<!tpu.dma_semaphore, #tpu.memory_space<semaphore_mem>>)
    %add3A_1118 = arith.constant 0 : i32
    %add3A_1119 = arith.addi %mul3A_2, %add3A_1118 : i32
    %jit3A_1120 = arith.constant 32 : i32
    %div3A_1121 = arith.divsi %add3A_1119, %jit3A_1120 : i32
    %sign3A_1122 = arith.constant 0 : i32
    %sign3A_1123 = arith.cmpi sgt, %add3A_1119, %sign3A_1122 : i32
    %sign3A_1124 = arith.extui %sign3A_1123 : i1 to i32
    %sign3A_1125 = arith.constant 0 : i32
    %sign3A_1126 = arith.cmpi slt, %add3A_1119, %sign3A_1125 : i32
    %sign3A_1127 = arith.extui %sign3A_1126 : i1 to i32
    %sign3A_1128 = arith.subi %sign3A_1124, %sign3A_1127 : i32
    %sign3A_1129 = arith.constant 0 : i32
    %sign3A_1130 = arith.cmpi sgt, %jit3A_1120, %sign3A_1129 : i32
    %sign3A_1131 = arith.extui %sign3A_1130 : i1 to i32
    %sign3A_1132 = arith.constant 0 : i32
    %sign3A_1133 = arith.cmpi slt, %jit3A_1120, %sign3A_1132 : i32
    %sign3A_1134 = arith.extui %sign3A_1133 : i1 to i32
    %sign3A_1135 = arith.subi %sign3A_1131, %sign3A_1134 : i32
    %ne3A_1136 = arith.cmpi ne, %sign3A_1128, %sign3A_1135 : i32
    %rem3A_1137 = arith.remsi %add3A_1119, %jit3A_1120 : i32
    %ne3A_1138 = arith.constant 0 : i32
    %ne3A_1139 = arith.cmpi ne, %rem3A_1137, %ne3A_1138 : i32
    %and3A_1140 = arith.andi %ne3A_1136, %ne3A_1139 : i1
    %sub3A_1141 = arith.constant 1 : i32
    %sub3A_1142 = arith.subi %div3A_1121, %sub3A_1141 : i32
    %select_n3A_1143 = arith.select %and3A_1140, %sub3A_1142, %div3A_1121 : i32
    %rem3A_1144 = arith.constant 32 : i32
    %rem3A_1145 = arith.remsi %add3A_1119, %rem3A_1144 : i32
    %dma_wait3A_1146 = arith.constant 2 : i32
    %dma_wait3A_1147 = arith.constant 0 : i32
    %dma_wait3A_1148 = arith.constant 0 : i32
    %dma_wait3A_1149 = tpu.memref_slice %arg6[%dma_wait3A_1147, %dma_wait3A_1148] : memref<2x19072xf32, #tpu.memory_space<vmem>> -> memref<2x18944xf32, #tpu.memory_space<vmem>>
    %dma_wait3A_1150 = arith.constant 0 : i32
    %dma_wait3A_1151 = arith.constant 94976 : i32
    %dma_wait3A_1152 = tpu.memref_slice %arg3[%select_n3A_1143, %rem3A_1145, %dma_wait3A_1150, %dma_wait3A_1151] : memref<2x32x2x151808xf32, #tpu.memory_space<hbm>> -> memref<1x1x2x18944xf32, #tpu.memory_space<hbm>>
    %dma_wait3A_1153 = tpu.memref_squeeze %dma_wait3A_1152 : memref<1x1x2x18944xf32, #tpu.memory_space<hbm>> -> memref<2x18944xf32, #tpu.memory_space<hbm>>
    %dma_wait3A_1154 = tpu.memref_slice %arg8[%dma_wait3A_1146] : memref<3x!tpu.dma_semaphore, #tpu.memory_space<semaphore_mem>> -> memref<1x!tpu.dma_semaphore, #tpu.memory_space<semaphore_mem>>
    %dma_wait3A_1155 = tpu.memref_squeeze %dma_wait3A_1154 : memref<1x!tpu.dma_semaphore, #tpu.memory_space<semaphore_mem>> -> memref<!tpu.dma_semaphore, #tpu.memory_space<semaphore_mem>>
    %dma_wait3A_1156 = arith.constant 0 : i32
    %dma_wait3A_1157 = arith.constant 94976 : i32
    %dma_wait3A_1158 = tpu.memref_slice %arg3[%select_n3A_1143, %rem3A_1145, %dma_wait3A_1156, %dma_wait3A_1157] : memref<2x32x2x151808xf32, #tpu.memory_space<hbm>> -> memref<1x1x2x18944xf32, #tpu.memory_space<hbm>>
    %dma_wait3A_1159 = tpu.memref_squeeze %dma_wait3A_1158 : memref<1x1x2x18944xf32, #tpu.memory_space<hbm>> -> memref<2x18944xf32, #tpu.memory_space<hbm>>
    %dma_wait3A_1160 = arith.constant 0 : i32
    %dma_wait3A_1161 = arith.constant 0 : i32
    %dma_wait3A_1162 = tpu.memref_slice %arg6[%dma_wait3A_1160, %dma_wait3A_1161] : memref<2x19072xf32, #tpu.memory_space<vmem>> -> memref<2x18944xf32, #tpu.memory_space<vmem>>
    tpu.wait_dma2 semaphore(%dma_wait3A_1155 : memref<!tpu.dma_semaphore, #tpu.memory_space<semaphore_mem>>) src(%dma_wait3A_1162 : memref<2x18944xf32, #tpu.memory_space<vmem>>) dst(%dma_wait3A_1159 : memref<2x18944xf32, #tpu.memory_space<hbm>>)
    %add3A_1163 = arith.constant 1 : i32
    %add3A_1164 = arith.addi %mul3A_2, %add3A_1163 : i32
    %jit3A_1165 = arith.constant 32 : i32
    %div3A_1166 = arith.divsi %add3A_1164, %jit3A_1165 : i32
    %sign3A_1167 = arith.constant 0 : i32
    %sign3A_1168 = arith.cmpi sgt, %add3A_1164, %sign3A_1167 : i32
    %sign3A_1169 = arith.extui %sign3A_1168 : i1 to i32
    %sign3A_1170 = arith.constant 0 : i32
    %sign3A_1171 = arith.cmpi slt, %add3A_1164, %sign3A_1170 : i32
    %sign3A_1172 = arith.extui %sign3A_1171 : i1 to i32
    %sign3A_1173 = arith.subi %sign3A_1169, %sign3A_1172 : i32
    %sign3A_1174 = arith.constant 0 : i32
    %sign3A_1175 = arith.cmpi sgt, %jit3A_1165, %sign3A_1174 : i32
    %sign3A_1176 = arith.extui %sign3A_1175 : i1 to i32
    %sign3A_1177 = arith.constant 0 : i32
    %sign3A_1178 = arith.cmpi slt, %jit3A_1165, %sign3A_1177 : i32
    %sign3A_1179 = arith.extui %sign3A_1178 : i1 to i32
    %sign3A_1180 = arith.subi %sign3A_1176, %sign3A_1179 : i32
    %ne3A_1181 = arith.cmpi ne, %sign3A_1173, %sign3A_1180 : i32
    %rem3A_1182 = arith.remsi %add3A_1164, %jit3A_1165 : i32
    %ne3A_1183 = arith.constant 0 : i32
    %ne3A_1184 = arith.cmpi ne, %rem3A_1182, %ne3A_1183 : i32
    %and3A_1185 = arith.andi %ne3A_1181, %ne3A_1184 : i1
    %sub3A_1186 = arith.constant 1 : i32
    %sub3A_1187 = arith.subi %div3A_1166, %sub3A_1186 : i32
    %select_n3A_1188 = arith.select %and3A_1185, %sub3A_1187, %div3A_1166 : i32
    %rem3A_1189 = arith.constant 32 : i32
    %rem3A_1190 = arith.remsi %add3A_1164, %rem3A_1189 : i32
    %dma_start3A_1191 = arith.constant 2 : i32
    %dma_start3A_1192 = arith.constant 0 : i32
    %dma_start3A_1193 = arith.constant 0 : i32
    %dma_start3A_1194 = tpu.memref_slice %arg6[%dma_start3A_1192, %dma_start3A_1193] : memref<2x19072xf32, #tpu.memory_space<vmem>> -> memref<2x19072xf32, #tpu.memory_space<vmem>>
    %dma_start3A_1195 = arith.constant 0 : i32
    %dma_start3A_1196 = arith.constant 0 : i32
    %dma_start3A_1197 = tpu.memref_slice %arg2[%select_n3A_1188, %rem3A_1190, %dma_start3A_1195, %dma_start3A_1196] : memref<2x32x2x160000xf32, #tpu.memory_space<hbm>> -> memref<1x1x2x19072xf32, #tpu.memory_space<hbm>>
    %dma_start3A_1198 = tpu.memref_squeeze %dma_start3A_1197 : memref<1x1x2x19072xf32, #tpu.memory_space<hbm>> -> memref<2x19072xf32, #tpu.memory_space<hbm>>
    %dma_start3A_1199 = tpu.memref_slice %arg7[%dma_start3A_1191] : memref<3x!tpu.dma_semaphore, #tpu.memory_space<semaphore_mem>> -> memref<1x!tpu.dma_semaphore, #tpu.memory_space<semaphore_mem>>
    %dma_start3A_1200 = tpu.memref_squeeze %dma_start3A_1199 : memref<1x!tpu.dma_semaphore, #tpu.memory_space<semaphore_mem>> -> memref<!tpu.dma_semaphore, #tpu.memory_space<semaphore_mem>>
    %dma_start3A_1201 = arith.constant 0 : i32
    %dma_start3A_1202 = arith.constant 0 : i32
    %dma_start3A_1203 = tpu.memref_slice %arg6[%dma_start3A_1201, %dma_start3A_1202] : memref<2x19072xf32, #tpu.memory_space<vmem>> -> memref<2x19072xf32, #tpu.memory_space<vmem>>
    %dma_start3A_1204 = arith.constant 0 : i32
    %dma_start3A_1205 = arith.constant 0 : i32
    %dma_start3A_1206 = tpu.memref_slice %arg2[%select_n3A_1188, %rem3A_1190, %dma_start3A_1204, %dma_start3A_1205] : memref<2x32x2x160000xf32, #tpu.memory_space<hbm>> -> memref<1x1x2x19072xf32, #tpu.memory_space<hbm>>
    %dma_start3A_1207 = tpu.memref_squeeze %dma_start3A_1206 : memref<1x1x2x19072xf32, #tpu.memory_space<hbm>> -> memref<2x19072xf32, #tpu.memory_space<hbm>>
    tpu.enqueue_dma source(%dma_start3A_1207 : memref<2x19072xf32, #tpu.memory_space<hbm>>) target(%dma_start3A_1203 : memref<2x19072xf32, #tpu.memory_space<vmem>>) target_semaphore(%dma_start3A_1200 : memref<!tpu.dma_semaphore, #tpu.memory_space<semaphore_mem>>)
    %add3A_1208 = arith.constant 0 : i32
    %add3A_1209 = arith.addi %mul3A_2, %add3A_1208 : i32
    %jit3A_1210 = arith.constant 32 : i32
    %div3A_1211 = arith.divsi %add3A_1209, %jit3A_1210 : i32
    %sign3A_1212 = arith.constant 0 : i32
    %sign3A_1213 = arith.cmpi sgt, %add3A_1209, %sign3A_1212 : i32
    %sign3A_1214 = arith.extui %sign3A_1213 : i1 to i32
    %sign3A_1215 = arith.constant 0 : i32
    %sign3A_1216 = arith.cmpi slt, %add3A_1209, %sign3A_1215 : i32
    %sign3A_1217 = arith.extui %sign3A_1216 : i1 to i32
    %sign3A_1218 = arith.subi %sign3A_1214, %sign3A_1217 : i32
    %sign3A_1219 = arith.constant 0 : i32
    %sign3A_1220 = arith.cmpi sgt, %jit3A_1210, %sign3A_1219 : i32
    %sign3A_1221 = arith.extui %sign3A_1220 : i1 to i32
    %sign3A_1222 = arith.constant 0 : i32
    %sign3A_1223 = arith.cmpi slt, %jit3A_1210, %sign3A_1222 : i32
    %sign3A_1224 = arith.extui %sign3A_1223 : i1 to i32
    %sign3A_1225 = arith.subi %sign3A_1221, %sign3A_1224 : i32
    %ne3A_1226 = arith.cmpi ne, %sign3A_1218, %sign3A_1225 : i32
    %rem3A_1227 = arith.remsi %add3A_1209, %jit3A_1210 : i32
    %ne3A_1228 = arith.constant 0 : i32
    %ne3A_1229 = arith.cmpi ne, %rem3A_1227, %ne3A_1228 : i32
    %and3A_1230 = arith.andi %ne3A_1226, %ne3A_1229 : i1
    %sub3A_1231 = arith.constant 1 : i32
    %sub3A_1232 = arith.subi %div3A_1211, %sub3A_1231 : i32
    %select_n3A_1233 = arith.select %and3A_1230, %sub3A_1232, %div3A_1211 : i32
    %rem3A_1234 = arith.constant 32 : i32
    %rem3A_1235 = arith.remsi %add3A_1209, %rem3A_1234 : i32
    %dma_wait3A_1236 = arith.constant 0 : i32
    %dma_wait3A_1237 = arith.constant 0 : i32
    %dma_wait3A_1238 = arith.constant 0 : i32
    %dma_wait3A_1239 = tpu.memref_slice %arg4[%dma_wait3A_1237, %dma_wait3A_1238] : memref<2x19072xf32, #tpu.memory_space<vmem>> -> memref<2x18944xf32, #tpu.memory_space<vmem>>
    %dma_wait3A_1240 = arith.constant 0 : i32
    %dma_wait3A_1241 = arith.constant 113920 : i32
    %dma_wait3A_1242 = tpu.memref_slice %arg2[%select_n3A_1233, %rem3A_1235, %dma_wait3A_1240, %dma_wait3A_1241] : memref<2x32x2x160000xf32, #tpu.memory_space<hbm>> -> memref<1x1x2x18944xf32, #tpu.memory_space<hbm>>
    %dma_wait3A_1243 = tpu.memref_squeeze %dma_wait3A_1242 : memref<1x1x2x18944xf32, #tpu.memory_space<hbm>> -> memref<2x18944xf32, #tpu.memory_space<hbm>>
    %dma_wait3A_1244 = tpu.memref_slice %arg7[%dma_wait3A_1236] : memref<3x!tpu.dma_semaphore, #tpu.memory_space<semaphore_mem>> -> memref<1x!tpu.dma_semaphore, #tpu.memory_space<semaphore_mem>>
    %dma_wait3A_1245 = tpu.memref_squeeze %dma_wait3A_1244 : memref<1x!tpu.dma_semaphore, #tpu.memory_space<semaphore_mem>> -> memref<!tpu.dma_semaphore, #tpu.memory_space<semaphore_mem>>
    %dma_wait3A_1246 = arith.constant 0 : i32
    %dma_wait3A_1247 = arith.constant 0 : i32
    %dma_wait3A_1248 = tpu.memref_slice %arg4[%dma_wait3A_1246, %dma_wait3A_1247] : memref<2x19072xf32, #tpu.memory_space<vmem>> -> memref<2x18944xf32, #tpu.memory_space<vmem>>
    %dma_wait3A_1249 = arith.constant 0 : i32
    %dma_wait3A_1250 = arith.constant 113920 : i32
    %dma_wait3A_1251 = tpu.memref_slice %arg2[%select_n3A_1233, %rem3A_1235, %dma_wait3A_1249, %dma_wait3A_1250] : memref<2x32x2x160000xf32, #tpu.memory_space<hbm>> -> memref<1x1x2x18944xf32, #tpu.memory_space<hbm>>
    %dma_wait3A_1252 = tpu.memref_squeeze %dma_wait3A_1251 : memref<1x1x2x18944xf32, #tpu.memory_space<hbm>> -> memref<2x18944xf32, #tpu.memory_space<hbm>>
    tpu.wait_dma2 semaphore(%dma_wait3A_1245 : memref<!tpu.dma_semaphore, #tpu.memory_space<semaphore_mem>>) src(%dma_wait3A_1252 : memref<2x18944xf32, #tpu.memory_space<hbm>>) dst(%dma_wait3A_1248 : memref<2x18944xf32, #tpu.memory_space<vmem>>)
    %add3A_1253 = arith.constant 0 : i32
    %add3A_1254 = arith.addi %mul3A_2, %add3A_1253 : i32
    %jit3A_1255 = arith.constant 32 : i32
    %div3A_1256 = arith.divsi %add3A_1254, %jit3A_1255 : i32
    %sign3A_1257 = arith.constant 0 : i32
    %sign3A_1258 = arith.cmpi sgt, %add3A_1254, %sign3A_1257 : i32
    %sign3A_1259 = arith.extui %sign3A_1258 : i1 to i32
    %sign3A_1260 = arith.constant 0 : i32
    %sign3A_1261 = arith.cmpi slt, %add3A_1254, %sign3A_1260 : i32
    %sign3A_1262 = arith.extui %sign3A_1261 : i1 to i32
    %sign3A_1263 = arith.subi %sign3A_1259, %sign3A_1262 : i32
    %sign3A_1264 = arith.constant 0 : i32
    %sign3A_1265 = arith.cmpi sgt, %jit3A_1255, %sign3A_1264 : i32
    %sign3A_1266 = arith.extui %sign3A_1265 : i1 to i32
    %sign3A_1267 = arith.constant 0 : i32
    %sign3A_1268 = arith.cmpi slt, %jit3A_1255, %sign3A_1267 : i32
    %sign3A_1269 = arith.extui %sign3A_1268 : i1 to i32
    %sign3A_1270 = arith.subi %sign3A_1266, %sign3A_1269 : i32
    %ne3A_1271 = arith.cmpi ne, %sign3A_1263, %sign3A_1270 : i32
    %rem3A_1272 = arith.remsi %add3A_1254, %jit3A_1255 : i32
    %ne3A_1273 = arith.constant 0 : i32
    %ne3A_1274 = arith.cmpi ne, %rem3A_1272, %ne3A_1273 : i32
    %and3A_1275 = arith.andi %ne3A_1271, %ne3A_1274 : i1
    %sub3A_1276 = arith.constant 1 : i32
    %sub3A_1277 = arith.subi %div3A_1256, %sub3A_1276 : i32
    %select_n3A_1278 = arith.select %and3A_1275, %sub3A_1277, %div3A_1256 : i32
    %rem3A_1279 = arith.constant 32 : i32
    %rem3A_1280 = arith.remsi %add3A_1254, %rem3A_1279 : i32
    %dma_start3A_1281 = arith.constant 0 : i32
    %dma_start3A_1282 = arith.constant 0 : i32
    %dma_start3A_1283 = arith.constant 0 : i32
    %dma_start3A_1284 = tpu.memref_slice %arg4[%dma_start3A_1282, %dma_start3A_1283] : memref<2x19072xf32, #tpu.memory_space<vmem>> -> memref<2x18944xf32, #tpu.memory_space<vmem>>
    %dma_start3A_1285 = arith.constant 0 : i32
    %dma_start3A_1286 = arith.constant 113920 : i32
    %dma_start3A_1287 = tpu.memref_slice %arg3[%select_n3A_1278, %rem3A_1280, %dma_start3A_1285, %dma_start3A_1286] : memref<2x32x2x151808xf32, #tpu.memory_space<hbm>> -> memref<1x1x2x18944xf32, #tpu.memory_space<hbm>>
    %dma_start3A_1288 = tpu.memref_squeeze %dma_start3A_1287 : memref<1x1x2x18944xf32, #tpu.memory_space<hbm>> -> memref<2x18944xf32, #tpu.memory_space<hbm>>
    %dma_start3A_1289 = tpu.memref_slice %arg8[%dma_start3A_1281] : memref<3x!tpu.dma_semaphore, #tpu.memory_space<semaphore_mem>> -> memref<1x!tpu.dma_semaphore, #tpu.memory_space<semaphore_mem>>
    %dma_start3A_1290 = tpu.memref_squeeze %dma_start3A_1289 : memref<1x!tpu.dma_semaphore, #tpu.memory_space<semaphore_mem>> -> memref<!tpu.dma_semaphore, #tpu.memory_space<semaphore_mem>>
    %dma_start3A_1291 = arith.constant 0 : i32
    %dma_start3A_1292 = arith.constant 113920 : i32
    %dma_start3A_1293 = tpu.memref_slice %arg3[%select_n3A_1278, %rem3A_1280, %dma_start3A_1291, %dma_start3A_1292] : memref<2x32x2x151808xf32, #tpu.memory_space<hbm>> -> memref<1x1x2x18944xf32, #tpu.memory_space<hbm>>
    %dma_start3A_1294 = tpu.memref_squeeze %dma_start3A_1293 : memref<1x1x2x18944xf32, #tpu.memory_space<hbm>> -> memref<2x18944xf32, #tpu.memory_space<hbm>>
    %dma_start3A_1295 = arith.constant 0 : i32
    %dma_start3A_1296 = arith.constant 0 : i32
    %dma_start3A_1297 = tpu.memref_slice %arg4[%dma_start3A_1295, %dma_start3A_1296] : memref<2x19072xf32, #tpu.memory_space<vmem>> -> memref<2x18944xf32, #tpu.memory_space<vmem>>
    tpu.enqueue_dma source(%dma_start3A_1297 : memref<2x18944xf32, #tpu.memory_space<vmem>>) target(%dma_start3A_1294 : memref<2x18944xf32, #tpu.memory_space<hbm>>) target_semaphore(%dma_start3A_1290 : memref<!tpu.dma_semaphore, #tpu.memory_space<semaphore_mem>>)
    %add3A_1298 = arith.constant 0 : i32
    %add3A_1299 = arith.addi %mul3A_2, %add3A_1298 : i32
    %jit3A_1300 = arith.constant 32 : i32
    %div3A_1301 = arith.divsi %add3A_1299, %jit3A_1300 : i32
    %sign3A_1302 = arith.constant 0 : i32
    %sign3A_1303 = arith.cmpi sgt, %add3A_1299, %sign3A_1302 : i32
    %sign3A_1304 = arith.extui %sign3A_1303 : i1 to i32
    %sign3A_1305 = arith.constant 0 : i32
    %sign3A_1306 = arith.cmpi slt, %add3A_1299, %sign3A_1305 : i32
    %sign3A_1307 = arith.extui %sign3A_1306 : i1 to i32
    %sign3A_1308 = arith.subi %sign3A_1304, %sign3A_1307 : i32
    %sign3A_1309 = arith.constant 0 : i32
    %sign3A_1310 = arith.cmpi sgt, %jit3A_1300, %sign3A_1309 : i32
    %sign3A_1311 = arith.extui %sign3A_1310 : i1 to i32
    %sign3A_1312 = arith.constant 0 : i32
    %sign3A_1313 = arith.cmpi slt, %jit3A_1300, %sign3A_1312 : i32
    %sign3A_1314 = arith.extui %sign3A_1313 : i1 to i32
    %sign3A_1315 = arith.subi %sign3A_1311, %sign3A_1314 : i32
    %ne3A_1316 = arith.cmpi ne, %sign3A_1308, %sign3A_1315 : i32
    %rem3A_1317 = arith.remsi %add3A_1299, %jit3A_1300 : i32
    %ne3A_1318 = arith.constant 0 : i32
    %ne3A_1319 = arith.cmpi ne, %rem3A_1317, %ne3A_1318 : i32
    %and3A_1320 = arith.andi %ne3A_1316, %ne3A_1319 : i1
    %sub3A_1321 = arith.constant 1 : i32
    %sub3A_1322 = arith.subi %div3A_1301, %sub3A_1321 : i32
    %select_n3A_1323 = arith.select %and3A_1320, %sub3A_1322, %div3A_1301 : i32
    %rem3A_1324 = arith.constant 32 : i32
    %rem3A_1325 = arith.remsi %add3A_1299, %rem3A_1324 : i32
    %dma_wait3A_1326 = arith.constant 0 : i32
    %dma_wait3A_1327 = arith.constant 0 : i32
    %dma_wait3A_1328 = arith.constant 0 : i32
    %dma_wait3A_1329 = tpu.memref_slice %arg4[%dma_wait3A_1327, %dma_wait3A_1328] : memref<2x19072xf32, #tpu.memory_space<vmem>> -> memref<2x18944xf32, #tpu.memory_space<vmem>>
    %dma_wait3A_1330 = arith.constant 0 : i32
    %dma_wait3A_1331 = arith.constant 113920 : i32
    %dma_wait3A_1332 = tpu.memref_slice %arg3[%select_n3A_1323, %rem3A_1325, %dma_wait3A_1330, %dma_wait3A_1331] : memref<2x32x2x151808xf32, #tpu.memory_space<hbm>> -> memref<1x1x2x18944xf32, #tpu.memory_space<hbm>>
    %dma_wait3A_1333 = tpu.memref_squeeze %dma_wait3A_1332 : memref<1x1x2x18944xf32, #tpu.memory_space<hbm>> -> memref<2x18944xf32, #tpu.memory_space<hbm>>
    %dma_wait3A_1334 = tpu.memref_slice %arg8[%dma_wait3A_1326] : memref<3x!tpu.dma_semaphore, #tpu.memory_space<semaphore_mem>> -> memref<1x!tpu.dma_semaphore, #tpu.memory_space<semaphore_mem>>
    %dma_wait3A_1335 = tpu.memref_squeeze %dma_wait3A_1334 : memref<1x!tpu.dma_semaphore, #tpu.memory_space<semaphore_mem>> -> memref<!tpu.dma_semaphore, #tpu.memory_space<semaphore_mem>>
    %dma_wait3A_1336 = arith.constant 0 : i32
    %dma_wait3A_1337 = arith.constant 113920 : i32
    %dma_wait3A_1338 = tpu.memref_slice %arg3[%select_n3A_1323, %rem3A_1325, %dma_wait3A_1336, %dma_wait3A_1337] : memref<2x32x2x151808xf32, #tpu.memory_space<hbm>> -> memref<1x1x2x18944xf32, #tpu.memory_space<hbm>>
    %dma_wait3A_1339 = tpu.memref_squeeze %dma_wait3A_1338 : memref<1x1x2x18944xf32, #tpu.memory_space<hbm>> -> memref<2x18944xf32, #tpu.memory_space<hbm>>
    %dma_wait3A_1340 = arith.constant 0 : i32
    %dma_wait3A_1341 = arith.constant 0 : i32
    %dma_wait3A_1342 = tpu.memref_slice %arg4[%dma_wait3A_1340, %dma_wait3A_1341] : memref<2x19072xf32, #tpu.memory_space<vmem>> -> memref<2x18944xf32, #tpu.memory_space<vmem>>
    tpu.wait_dma2 semaphore(%dma_wait3A_1335 : memref<!tpu.dma_semaphore, #tpu.memory_space<semaphore_mem>>) src(%dma_wait3A_1342 : memref<2x18944xf32, #tpu.memory_space<vmem>>) dst(%dma_wait3A_1339 : memref<2x18944xf32, #tpu.memory_space<hbm>>)
    %add3A_1343 = arith.constant 1 : i32
    %add3A_1344 = arith.addi %mul3A_2, %add3A_1343 : i32
    %jit3A_1345 = arith.constant 32 : i32
    %div3A_1346 = arith.divsi %add3A_1344, %jit3A_1345 : i32
    %sign3A_1347 = arith.constant 0 : i32
    %sign3A_1348 = arith.cmpi sgt, %add3A_1344, %sign3A_1347 : i32
    %sign3A_1349 = arith.extui %sign3A_1348 : i1 to i32
    %sign3A_1350 = arith.constant 0 : i32
    %sign3A_1351 = arith.cmpi slt, %add3A_1344, %sign3A_1350 : i32
    %sign3A_1352 = arith.extui %sign3A_1351 : i1 to i32
    %sign3A_1353 = arith.subi %sign3A_1349, %sign3A_1352 : i32
    %sign3A_1354 = arith.constant 0 : i32
    %sign3A_1355 = arith.cmpi sgt, %jit3A_1345, %sign3A_1354 : i32
    %sign3A_1356 = arith.extui %sign3A_1355 : i1 to i32
    %sign3A_1357 = arith.constant 0 : i32
    %sign3A_1358 = arith.cmpi slt, %jit3A_1345, %sign3A_1357 : i32
    %sign3A_1359 = arith.extui %sign3A_1358 : i1 to i32
    %sign3A_1360 = arith.subi %sign3A_1356, %sign3A_1359 : i32
    %ne3A_1361 = arith.cmpi ne, %sign3A_1353, %sign3A_1360 : i32
    %rem3A_1362 = arith.remsi %add3A_1344, %jit3A_1345 : i32
    %ne3A_1363 = arith.constant 0 : i32
    %ne3A_1364 = arith.cmpi ne, %rem3A_1362, %ne3A_1363 : i32
    %and3A_1365 = arith.andi %ne3A_1361, %ne3A_1364 : i1
    %sub3A_1366 = arith.constant 1 : i32
    %sub3A_1367 = arith.subi %div3A_1346, %sub3A_1366 : i32
    %select_n3A_1368 = arith.select %and3A_1365, %sub3A_1367, %div3A_1346 : i32
    %rem3A_1369 = arith.constant 32 : i32
    %rem3A_1370 = arith.remsi %add3A_1344, %rem3A_1369 : i32
    %dma_start3A_1371 = arith.constant 0 : i32
    %dma_start3A_1372 = arith.constant 0 : i32
    %dma_start3A_1373 = arith.constant 0 : i32
    %dma_start3A_1374 = tpu.memref_slice %arg4[%dma_start3A_1372, %dma_start3A_1373] : memref<2x19072xf32, #tpu.memory_space<vmem>> -> memref<2x19072xf32, #tpu.memory_space<vmem>>
    %dma_start3A_1375 = arith.constant 0 : i32
    %dma_start3A_1376 = arith.constant 19072 : i32
    %dma_start3A_1377 = tpu.memref_slice %arg2[%select_n3A_1368, %rem3A_1370, %dma_start3A_1375, %dma_start3A_1376] : memref<2x32x2x160000xf32, #tpu.memory_space<hbm>> -> memref<1x1x2x19072xf32, #tpu.memory_space<hbm>>
    %dma_start3A_1378 = tpu.memref_squeeze %dma_start3A_1377 : memref<1x1x2x19072xf32, #tpu.memory_space<hbm>> -> memref<2x19072xf32, #tpu.memory_space<hbm>>
    %dma_start3A_1379 = tpu.memref_slice %arg7[%dma_start3A_1371] : memref<3x!tpu.dma_semaphore, #tpu.memory_space<semaphore_mem>> -> memref<1x!tpu.dma_semaphore, #tpu.memory_space<semaphore_mem>>
    %dma_start3A_1380 = tpu.memref_squeeze %dma_start3A_1379 : memref<1x!tpu.dma_semaphore, #tpu.memory_space<semaphore_mem>> -> memref<!tpu.dma_semaphore, #tpu.memory_space<semaphore_mem>>
    %dma_start3A_1381 = arith.constant 0 : i32
    %dma_start3A_1382 = arith.constant 0 : i32
    %dma_start3A_1383 = tpu.memref_slice %arg4[%dma_start3A_1381, %dma_start3A_1382] : memref<2x19072xf32, #tpu.memory_space<vmem>> -> memref<2x19072xf32, #tpu.memory_space<vmem>>
    %dma_start3A_1384 = arith.constant 0 : i32
    %dma_start3A_1385 = arith.constant 19072 : i32
    %dma_start3A_1386 = tpu.memref_slice %arg2[%select_n3A_1368, %rem3A_1370, %dma_start3A_1384, %dma_start3A_1385] : memref<2x32x2x160000xf32, #tpu.memory_space<hbm>> -> memref<1x1x2x19072xf32, #tpu.memory_space<hbm>>
    %dma_start3A_1387 = tpu.memref_squeeze %dma_start3A_1386 : memref<1x1x2x19072xf32, #tpu.memory_space<hbm>> -> memref<2x19072xf32, #tpu.memory_space<hbm>>
    tpu.enqueue_dma source(%dma_start3A_1387 : memref<2x19072xf32, #tpu.memory_space<hbm>>) target(%dma_start3A_1383 : memref<2x19072xf32, #tpu.memory_space<vmem>>) target_semaphore(%dma_start3A_1380 : memref<!tpu.dma_semaphore, #tpu.memory_space<semaphore_mem>>)
    %add3A_1388 = arith.constant 0 : i32
    %add3A_1389 = arith.addi %mul3A_2, %add3A_1388 : i32
    %jit3A_1390 = arith.constant 32 : i32
    %div3A_1391 = arith.divsi %add3A_1389, %jit3A_1390 : i32
    %sign3A_1392 = arith.constant 0 : i32
    %sign3A_1393 = arith.cmpi sgt, %add3A_1389, %sign3A_1392 : i32
    %sign3A_1394 = arith.extui %sign3A_1393 : i1 to i32
    %sign3A_1395 = arith.constant 0 : i32
    %sign3A_1396 = arith.cmpi slt, %add3A_1389, %sign3A_1395 : i32
    %sign3A_1397 = arith.extui %sign3A_1396 : i1 to i32
    %sign3A_1398 = arith.subi %sign3A_1394, %sign3A_1397 : i32
    %sign3A_1399 = arith.constant 0 : i32
    %sign3A_1400 = arith.cmpi sgt, %jit3A_1390, %sign3A_1399 : i32
    %sign3A_1401 = arith.extui %sign3A_1400 : i1 to i32
    %sign3A_1402 = arith.constant 0 : i32
    %sign3A_1403 = arith.cmpi slt, %jit3A_1390, %sign3A_1402 : i32
    %sign3A_1404 = arith.extui %sign3A_1403 : i1 to i32
    %sign3A_1405 = arith.subi %sign3A_1401, %sign3A_1404 : i32
    %ne3A_1406 = arith.cmpi ne, %sign3A_1398, %sign3A_1405 : i32
    %rem3A_1407 = arith.remsi %add3A_1389, %jit3A_1390 : i32
    %ne3A_1408 = arith.constant 0 : i32
    %ne3A_1409 = arith.cmpi ne, %rem3A_1407, %ne3A_1408 : i32
    %and3A_1410 = arith.andi %ne3A_1406, %ne3A_1409 : i1
    %sub3A_1411 = arith.constant 1 : i32
    %sub3A_1412 = arith.subi %div3A_1391, %sub3A_1411 : i32
    %select_n3A_1413 = arith.select %and3A_1410, %sub3A_1412, %div3A_1391 : i32
    %rem3A_1414 = arith.constant 32 : i32
    %rem3A_1415 = arith.remsi %add3A_1389, %rem3A_1414 : i32
    %dma_wait3A_1416 = arith.constant 1 : i32
    %dma_wait3A_1417 = arith.constant 0 : i32
    %dma_wait3A_1418 = arith.constant 0 : i32
    %dma_wait3A_1419 = tpu.memref_slice %arg5[%dma_wait3A_1417, %dma_wait3A_1418] : memref<2x19072xf32, #tpu.memory_space<vmem>> -> memref<2x18944xf32, #tpu.memory_space<vmem>>
    %dma_wait3A_1420 = arith.constant 0 : i32
    %dma_wait3A_1421 = arith.constant 132864 : i32
    %dma_wait3A_1422 = tpu.memref_slice %arg2[%select_n3A_1413, %rem3A_1415, %dma_wait3A_1420, %dma_wait3A_1421] : memref<2x32x2x160000xf32, #tpu.memory_space<hbm>> -> memref<1x1x2x18944xf32, #tpu.memory_space<hbm>>
    %dma_wait3A_1423 = tpu.memref_squeeze %dma_wait3A_1422 : memref<1x1x2x18944xf32, #tpu.memory_space<hbm>> -> memref<2x18944xf32, #tpu.memory_space<hbm>>
    %dma_wait3A_1424 = tpu.memref_slice %arg7[%dma_wait3A_1416] : memref<3x!tpu.dma_semaphore, #tpu.memory_space<semaphore_mem>> -> memref<1x!tpu.dma_semaphore, #tpu.memory_space<semaphore_mem>>
    %dma_wait3A_1425 = tpu.memref_squeeze %dma_wait3A_1424 : memref<1x!tpu.dma_semaphore, #tpu.memory_space<semaphore_mem>> -> memref<!tpu.dma_semaphore, #tpu.memory_space<semaphore_mem>>
    %dma_wait3A_1426 = arith.constant 0 : i32
    %dma_wait3A_1427 = arith.constant 0 : i32
    %dma_wait3A_1428 = tpu.memref_slice %arg5[%dma_wait3A_1426, %dma_wait3A_1427] : memref<2x19072xf32, #tpu.memory_space<vmem>> -> memref<2x18944xf32, #tpu.memory_space<vmem>>
    %dma_wait3A_1429 = arith.constant 0 : i32
    %dma_wait3A_1430 = arith.constant 132864 : i32
    %dma_wait3A_1431 = tpu.memref_slice %arg2[%select_n3A_1413, %rem3A_1415, %dma_wait3A_1429, %dma_wait3A_1430] : memref<2x32x2x160000xf32, #tpu.memory_space<hbm>> -> memref<1x1x2x18944xf32, #tpu.memory_space<hbm>>
    %dma_wait3A_1432 = tpu.memref_squeeze %dma_wait3A_1431 : memref<1x1x2x18944xf32, #tpu.memory_space<hbm>> -> memref<2x18944xf32, #tpu.memory_space<hbm>>
    tpu.wait_dma2 semaphore(%dma_wait3A_1425 : memref<!tpu.dma_semaphore, #tpu.memory_space<semaphore_mem>>) src(%dma_wait3A_1432 : memref<2x18944xf32, #tpu.memory_space<hbm>>) dst(%dma_wait3A_1428 : memref<2x18944xf32, #tpu.memory_space<vmem>>)
    %add3A_1433 = arith.constant 0 : i32
    %add3A_1434 = arith.addi %mul3A_2, %add3A_1433 : i32
    %jit3A_1435 = arith.constant 32 : i32
    %div3A_1436 = arith.divsi %add3A_1434, %jit3A_1435 : i32
    %sign3A_1437 = arith.constant 0 : i32
    %sign3A_1438 = arith.cmpi sgt, %add3A_1434, %sign3A_1437 : i32
    %sign3A_1439 = arith.extui %sign3A_1438 : i1 to i32
    %sign3A_1440 = arith.constant 0 : i32
    %sign3A_1441 = arith.cmpi slt, %add3A_1434, %sign3A_1440 : i32
    %sign3A_1442 = arith.extui %sign3A_1441 : i1 to i32
    %sign3A_1443 = arith.subi %sign3A_1439, %sign3A_1442 : i32
    %sign3A_1444 = arith.constant 0 : i32
    %sign3A_1445 = arith.cmpi sgt, %jit3A_1435, %sign3A_1444 : i32
    %sign3A_1446 = arith.extui %sign3A_1445 : i1 to i32
    %sign3A_1447 = arith.constant 0 : i32
    %sign3A_1448 = arith.cmpi slt, %jit3A_1435, %sign3A_1447 : i32
    %sign3A_1449 = arith.extui %sign3A_1448 : i1 to i32
    %sign3A_1450 = arith.subi %sign3A_1446, %sign3A_1449 : i32
    %ne3A_1451 = arith.cmpi ne, %sign3A_1443, %sign3A_1450 : i32
    %rem3A_1452 = arith.remsi %add3A_1434, %jit3A_1435 : i32
    %ne3A_1453 = arith.constant 0 : i32
    %ne3A_1454 = arith.cmpi ne, %rem3A_1452, %ne3A_1453 : i32
    %and3A_1455 = arith.andi %ne3A_1451, %ne3A_1454 : i1
    %sub3A_1456 = arith.constant 1 : i32
    %sub3A_1457 = arith.subi %div3A_1436, %sub3A_1456 : i32
    %select_n3A_1458 = arith.select %and3A_1455, %sub3A_1457, %div3A_1436 : i32
    %rem3A_1459 = arith.constant 32 : i32
    %rem3A_1460 = arith.remsi %add3A_1434, %rem3A_1459 : i32
    %dma_start3A_1461 = arith.constant 1 : i32
    %dma_start3A_1462 = arith.constant 0 : i32
    %dma_start3A_1463 = arith.constant 0 : i32
    %dma_start3A_1464 = tpu.memref_slice %arg5[%dma_start3A_1462, %dma_start3A_1463] : memref<2x19072xf32, #tpu.memory_space<vmem>> -> memref<2x18944xf32, #tpu.memory_space<vmem>>
    %dma_start3A_1465 = arith.constant 0 : i32
    %dma_start3A_1466 = arith.constant 132864 : i32
    %dma_start3A_1467 = tpu.memref_slice %arg3[%select_n3A_1458, %rem3A_1460, %dma_start3A_1465, %dma_start3A_1466] : memref<2x32x2x151808xf32, #tpu.memory_space<hbm>> -> memref<1x1x2x18944xf32, #tpu.memory_space<hbm>>
    %dma_start3A_1468 = tpu.memref_squeeze %dma_start3A_1467 : memref<1x1x2x18944xf32, #tpu.memory_space<hbm>> -> memref<2x18944xf32, #tpu.memory_space<hbm>>
    %dma_start3A_1469 = tpu.memref_slice %arg8[%dma_start3A_1461] : memref<3x!tpu.dma_semaphore, #tpu.memory_space<semaphore_mem>> -> memref<1x!tpu.dma_semaphore, #tpu.memory_space<semaphore_mem>>
    %dma_start3A_1470 = tpu.memref_squeeze %dma_start3A_1469 : memref<1x!tpu.dma_semaphore, #tpu.memory_space<semaphore_mem>> -> memref<!tpu.dma_semaphore, #tpu.memory_space<semaphore_mem>>
    %dma_start3A_1471 = arith.constant 0 : i32
    %dma_start3A_1472 = arith.constant 132864 : i32
    %dma_start3A_1473 = tpu.memref_slice %arg3[%select_n3A_1458, %rem3A_1460, %dma_start3A_1471, %dma_start3A_1472] : memref<2x32x2x151808xf32, #tpu.memory_space<hbm>> -> memref<1x1x2x18944xf32, #tpu.memory_space<hbm>>
    %dma_start3A_1474 = tpu.memref_squeeze %dma_start3A_1473 : memref<1x1x2x18944xf32, #tpu.memory_space<hbm>> -> memref<2x18944xf32, #tpu.memory_space<hbm>>
    %dma_start3A_1475 = arith.constant 0 : i32
    %dma_start3A_1476 = arith.constant 0 : i32
    %dma_start3A_1477 = tpu.memref_slice %arg5[%dma_start3A_1475, %dma_start3A_1476] : memref<2x19072xf32, #tpu.memory_space<vmem>> -> memref<2x18944xf32, #tpu.memory_space<vmem>>
    tpu.enqueue_dma source(%dma_start3A_1477 : memref<2x18944xf32, #tpu.memory_space<vmem>>) target(%dma_start3A_1474 : memref<2x18944xf32, #tpu.memory_space<hbm>>) target_semaphore(%dma_start3A_1470 : memref<!tpu.dma_semaphore, #tpu.memory_space<semaphore_mem>>)
    %add3A_1478 = arith.constant 0 : i32
    %add3A_1479 = arith.addi %mul3A_2, %add3A_1478 : i32
    %jit3A_1480 = arith.constant 32 : i32
    %div3A_1481 = arith.divsi %add3A_1479, %jit3A_1480 : i32
    %sign3A_1482 = arith.constant 0 : i32
    %sign3A_1483 = arith.cmpi sgt, %add3A_1479, %sign3A_1482 : i32
    %sign3A_1484 = arith.extui %sign3A_1483 : i1 to i32
    %sign3A_1485 = arith.constant 0 : i32
    %sign3A_1486 = arith.cmpi slt, %add3A_1479, %sign3A_1485 : i32
    %sign3A_1487 = arith.extui %sign3A_1486 : i1 to i32
    %sign3A_1488 = arith.subi %sign3A_1484, %sign3A_1487 : i32
    %sign3A_1489 = arith.constant 0 : i32
    %sign3A_1490 = arith.cmpi sgt, %jit3A_1480, %sign3A_1489 : i32
    %sign3A_1491 = arith.extui %sign3A_1490 : i1 to i32
    %sign3A_1492 = arith.constant 0 : i32
    %sign3A_1493 = arith.cmpi slt, %jit3A_1480, %sign3A_1492 : i32
    %sign3A_1494 = arith.extui %sign3A_1493 : i1 to i32
    %sign3A_1495 = arith.subi %sign3A_1491, %sign3A_1494 : i32
    %ne3A_1496 = arith.cmpi ne, %sign3A_1488, %sign3A_1495 : i32
    %rem3A_1497 = arith.remsi %add3A_1479, %jit3A_1480 : i32
    %ne3A_1498 = arith.constant 0 : i32
    %ne3A_1499 = arith.cmpi ne, %rem3A_1497, %ne3A_1498 : i32
    %and3A_1500 = arith.andi %ne3A_1496, %ne3A_1499 : i1
    %sub3A_1501 = arith.constant 1 : i32
    %sub3A_1502 = arith.subi %div3A_1481, %sub3A_1501 : i32
    %select_n3A_1503 = arith.select %and3A_1500, %sub3A_1502, %div3A_1481 : i32
    %rem3A_1504 = arith.constant 32 : i32
    %rem3A_1505 = arith.remsi %add3A_1479, %rem3A_1504 : i32
    %dma_wait3A_1506 = arith.constant 1 : i32
    %dma_wait3A_1507 = arith.constant 0 : i32
    %dma_wait3A_1508 = arith.constant 0 : i32
    %dma_wait3A_1509 = tpu.memref_slice %arg5[%dma_wait3A_1507, %dma_wait3A_1508] : memref<2x19072xf32, #tpu.memory_space<vmem>> -> memref<2x18944xf32, #tpu.memory_space<vmem>>
    %dma_wait3A_1510 = arith.constant 0 : i32
    %dma_wait3A_1511 = arith.constant 132864 : i32
    %dma_wait3A_1512 = tpu.memref_slice %arg3[%select_n3A_1503, %rem3A_1505, %dma_wait3A_1510, %dma_wait3A_1511] : memref<2x32x2x151808xf32, #tpu.memory_space<hbm>> -> memref<1x1x2x18944xf32, #tpu.memory_space<hbm>>
    %dma_wait3A_1513 = tpu.memref_squeeze %dma_wait3A_1512 : memref<1x1x2x18944xf32, #tpu.memory_space<hbm>> -> memref<2x18944xf32, #tpu.memory_space<hbm>>
    %dma_wait3A_1514 = tpu.memref_slice %arg8[%dma_wait3A_1506] : memref<3x!tpu.dma_semaphore, #tpu.memory_space<semaphore_mem>> -> memref<1x!tpu.dma_semaphore, #tpu.memory_space<semaphore_mem>>
    %dma_wait3A_1515 = tpu.memref_squeeze %dma_wait3A_1514 : memref<1x!tpu.dma_semaphore, #tpu.memory_space<semaphore_mem>> -> memref<!tpu.dma_semaphore, #tpu.memory_space<semaphore_mem>>
    %dma_wait3A_1516 = arith.constant 0 : i32
    %dma_wait3A_1517 = arith.constant 132864 : i32
    %dma_wait3A_1518 = tpu.memref_slice %arg3[%select_n3A_1503, %rem3A_1505, %dma_wait3A_1516, %dma_wait3A_1517] : memref<2x32x2x151808xf32, #tpu.memory_space<hbm>> -> memref<1x1x2x18944xf32, #tpu.memory_space<hbm>>
    %dma_wait3A_1519 = tpu.memref_squeeze %dma_wait3A_1518 : memref<1x1x2x18944xf32, #tpu.memory_space<hbm>> -> memref<2x18944xf32, #tpu.memory_space<hbm>>
    %dma_wait3A_1520 = arith.constant 0 : i32
    %dma_wait3A_1521 = arith.constant 0 : i32
    %dma_wait3A_1522 = tpu.memref_slice %arg5[%dma_wait3A_1520, %dma_wait3A_1521] : memref<2x19072xf32, #tpu.memory_space<vmem>> -> memref<2x18944xf32, #tpu.memory_space<vmem>>
    tpu.wait_dma2 semaphore(%dma_wait3A_1515 : memref<!tpu.dma_semaphore, #tpu.memory_space<semaphore_mem>>) src(%dma_wait3A_1522 : memref<2x18944xf32, #tpu.memory_space<vmem>>) dst(%dma_wait3A_1519 : memref<2x18944xf32, #tpu.memory_space<hbm>>)
    %add3A_1523 = arith.constant 1 : i32
    %add3A_1524 = arith.addi %mul3A_2, %add3A_1523 : i32
    %jit3A_1525 = arith.constant 32 : i32
    %div3A_1526 = arith.divsi %add3A_1524, %jit3A_1525 : i32
    %sign3A_1527 = arith.constant 0 : i32
    %sign3A_1528 = arith.cmpi sgt, %add3A_1524, %sign3A_1527 : i32
    %sign3A_1529 = arith.extui %sign3A_1528 : i1 to i32
    %sign3A_1530 = arith.constant 0 : i32
    %sign3A_1531 = arith.cmpi slt, %add3A_1524, %sign3A_1530 : i32
    %sign3A_1532 = arith.extui %sign3A_1531 : i1 to i32
    %sign3A_1533 = arith.subi %sign3A_1529, %sign3A_1532 : i32
    %sign3A_1534 = arith.constant 0 : i32
    %sign3A_1535 = arith.cmpi sgt, %jit3A_1525, %sign3A_1534 : i32
    %sign3A_1536 = arith.extui %sign3A_1535 : i1 to i32
    %sign3A_1537 = arith.constant 0 : i32
    %sign3A_1538 = arith.cmpi slt, %jit3A_1525, %sign3A_1537 : i32
    %sign3A_1539 = arith.extui %sign3A_1538 : i1 to i32
    %sign3A_1540 = arith.subi %sign3A_1536, %sign3A_1539 : i32
    %ne3A_1541 = arith.cmpi ne, %sign3A_1533, %sign3A_1540 : i32
    %rem3A_1542 = arith.remsi %add3A_1524, %jit3A_1525 : i32
    %ne3A_1543 = arith.constant 0 : i32
    %ne3A_1544 = arith.cmpi ne, %rem3A_1542, %ne3A_1543 : i32
    %and3A_1545 = arith.andi %ne3A_1541, %ne3A_1544 : i1
    %sub3A_1546 = arith.constant 1 : i32
    %sub3A_1547 = arith.subi %div3A_1526, %sub3A_1546 : i32
    %select_n3A_1548 = arith.select %and3A_1545, %sub3A_1547, %div3A_1526 : i32
    %rem3A_1549 = arith.constant 32 : i32
    %rem3A_1550 = arith.remsi %add3A_1524, %rem3A_1549 : i32
    %dma_start3A_1551 = arith.constant 1 : i32
    %dma_start3A_1552 = arith.constant 0 : i32
    %dma_start3A_1553 = arith.constant 0 : i32
    %dma_start3A_1554 = tpu.memref_slice %arg5[%dma_start3A_1552, %dma_start3A_1553] : memref<2x19072xf32, #tpu.memory_space<vmem>> -> memref<2x18944xf32, #tpu.memory_space<vmem>>
    %dma_start3A_1555 = arith.constant 0 : i32
    %dma_start3A_1556 = arith.constant 38144 : i32
    %dma_start3A_1557 = tpu.memref_slice %arg2[%select_n3A_1548, %rem3A_1550, %dma_start3A_1555, %dma_start3A_1556] : memref<2x32x2x160000xf32, #tpu.memory_space<hbm>> -> memref<1x1x2x18944xf32, #tpu.memory_space<hbm>>
    %dma_start3A_1558 = tpu.memref_squeeze %dma_start3A_1557 : memref<1x1x2x18944xf32, #tpu.memory_space<hbm>> -> memref<2x18944xf32, #tpu.memory_space<hbm>>
    %dma_start3A_1559 = tpu.memref_slice %arg7[%dma_start3A_1551] : memref<3x!tpu.dma_semaphore, #tpu.memory_space<semaphore_mem>> -> memref<1x!tpu.dma_semaphore, #tpu.memory_space<semaphore_mem>>
    %dma_start3A_1560 = tpu.memref_squeeze %dma_start3A_1559 : memref<1x!tpu.dma_semaphore, #tpu.memory_space<semaphore_mem>> -> memref<!tpu.dma_semaphore, #tpu.memory_space<semaphore_mem>>
    %dma_start3A_1561 = arith.constant 0 : i32
    %dma_start3A_1562 = arith.constant 0 : i32
    %dma_start3A_1563 = tpu.memref_slice %arg5[%dma_start3A_1561, %dma_start3A_1562] : memref<2x19072xf32, #tpu.memory_space<vmem>> -> memref<2x18944xf32, #tpu.memory_space<vmem>>
    %dma_start3A_1564 = arith.constant 0 : i32
    %dma_start3A_1565 = arith.constant 38144 : i32
    %dma_start3A_1566 = tpu.memref_slice %arg2[%select_n3A_1548, %rem3A_1550, %dma_start3A_1564, %dma_start3A_1565] : memref<2x32x2x160000xf32, #tpu.memory_space<hbm>> -> memref<1x1x2x18944xf32, #tpu.memory_space<hbm>>
    %dma_start3A_1567 = tpu.memref_squeeze %dma_start3A_1566 : memref<1x1x2x18944xf32, #tpu.memory_space<hbm>> -> memref<2x18944xf32, #tpu.memory_space<hbm>>
    tpu.enqueue_dma source(%dma_start3A_1567 : memref<2x18944xf32, #tpu.memory_space<hbm>>) target(%dma_start3A_1563 : memref<2x18944xf32, #tpu.memory_space<vmem>>) target_semaphore(%dma_start3A_1560 : memref<!tpu.dma_semaphore, #tpu.memory_space<semaphore_mem>>)
    %add3A_1568 = arith.constant 1 : i32
    %add3A_1569 = arith.addi %mul3A_2, %add3A_1568 : i32
    %jit3A_1570 = arith.constant 32 : i32
    %div3A_1571 = arith.divsi %add3A_1569, %jit3A_1570 : i32
    %sign3A_1572 = arith.constant 0 : i32
    %sign3A_1573 = arith.cmpi sgt, %add3A_1569, %sign3A_1572 : i32
    %sign3A_1574 = arith.extui %sign3A_1573 : i1 to i32
    %sign3A_1575 = arith.constant 0 : i32
    %sign3A_1576 = arith.cmpi slt, %add3A_1569, %sign3A_1575 : i32
    %sign3A_1577 = arith.extui %sign3A_1576 : i1 to i32
    %sign3A_1578 = arith.subi %sign3A_1574, %sign3A_1577 : i32
    %sign3A_1579 = arith.constant 0 : i32
    %sign3A_1580 = arith.cmpi sgt, %jit3A_1570, %sign3A_1579 : i32
    %sign3A_1581 = arith.extui %sign3A_1580 : i1 to i32
    %sign3A_1582 = arith.constant 0 : i32
    %sign3A_1583 = arith.cmpi slt, %jit3A_1570, %sign3A_1582 : i32
    %sign3A_1584 = arith.extui %sign3A_1583 : i1 to i32
    %sign3A_1585 = arith.subi %sign3A_1581, %sign3A_1584 : i32
    %ne3A_1586 = arith.cmpi ne, %sign3A_1578, %sign3A_1585 : i32
    %rem3A_1587 = arith.remsi %add3A_1569, %jit3A_1570 : i32
    %ne3A_1588 = arith.constant 0 : i32
    %ne3A_1589 = arith.cmpi ne, %rem3A_1587, %ne3A_1588 : i32
    %and3A_1590 = arith.andi %ne3A_1586, %ne3A_1589 : i1
    %sub3A_1591 = arith.constant 1 : i32
    %sub3A_1592 = arith.subi %div3A_1571, %sub3A_1591 : i32
    %select_n3A_1593 = arith.select %and3A_1590, %sub3A_1592, %div3A_1571 : i32
    %rem3A_1594 = arith.constant 32 : i32
    %rem3A_1595 = arith.remsi %add3A_1569, %rem3A_1594 : i32
    %dma_wait3A_1596 = arith.constant 2 : i32
    %dma_wait3A_1597 = arith.constant 0 : i32
    %dma_wait3A_1598 = arith.constant 0 : i32
    %dma_wait3A_1599 = tpu.memref_slice %arg6[%dma_wait3A_1597, %dma_wait3A_1598] : memref<2x19072xf32, #tpu.memory_space<vmem>> -> memref<2x19072xf32, #tpu.memory_space<vmem>>
    %dma_wait3A_1600 = arith.constant 0 : i32
    %dma_wait3A_1601 = arith.constant 0 : i32
    %dma_wait3A_1602 = tpu.memref_slice %arg2[%select_n3A_1593, %rem3A_1595, %dma_wait3A_1600, %dma_wait3A_1601] : memref<2x32x2x160000xf32, #tpu.memory_space<hbm>> -> memref<1x1x2x19072xf32, #tpu.memory_space<hbm>>
    %dma_wait3A_1603 = tpu.memref_squeeze %dma_wait3A_1602 : memref<1x1x2x19072xf32, #tpu.memory_space<hbm>> -> memref<2x19072xf32, #tpu.memory_space<hbm>>
    %dma_wait3A_1604 = tpu.memref_slice %arg7[%dma_wait3A_1596] : memref<3x!tpu.dma_semaphore, #tpu.memory_space<semaphore_mem>> -> memref<1x!tpu.dma_semaphore, #tpu.memory_space<semaphore_mem>>
    %dma_wait3A_1605 = tpu.memref_squeeze %dma_wait3A_1604 : memref<1x!tpu.dma_semaphore, #tpu.memory_space<semaphore_mem>> -> memref<!tpu.dma_semaphore, #tpu.memory_space<semaphore_mem>>
    %dma_wait3A_1606 = arith.constant 0 : i32
    %dma_wait3A_1607 = arith.constant 0 : i32
    %dma_wait3A_1608 = tpu.memref_slice %arg6[%dma_wait3A_1606, %dma_wait3A_1607] : memref<2x19072xf32, #tpu.memory_space<vmem>> -> memref<2x19072xf32, #tpu.memory_space<vmem>>
    %dma_wait3A_1609 = arith.constant 0 : i32
    %dma_wait3A_1610 = arith.constant 0 : i32
    %dma_wait3A_1611 = tpu.memref_slice %arg2[%select_n3A_1593, %rem3A_1595, %dma_wait3A_1609, %dma_wait3A_1610] : memref<2x32x2x160000xf32, #tpu.memory_space<hbm>> -> memref<1x1x2x19072xf32, #tpu.memory_space<hbm>>
    %dma_wait3A_1612 = tpu.memref_squeeze %dma_wait3A_1611 : memref<1x1x2x19072xf32, #tpu.memory_space<hbm>> -> memref<2x19072xf32, #tpu.memory_space<hbm>>
    tpu.wait_dma2 semaphore(%dma_wait3A_1605 : memref<!tpu.dma_semaphore, #tpu.memory_space<semaphore_mem>>) src(%dma_wait3A_1612 : memref<2x19072xf32, #tpu.memory_space<hbm>>) dst(%dma_wait3A_1608 : memref<2x19072xf32, #tpu.memory_space<vmem>>)
    %add3A_1613 = arith.constant 1 : i32
    %add3A_1614 = arith.addi %mul3A_2, %add3A_1613 : i32
    %jit3A_1615 = arith.constant 32 : i32
    %div3A_1616 = arith.divsi %add3A_1614, %jit3A_1615 : i32
    %sign3A_1617 = arith.constant 0 : i32
    %sign3A_1618 = arith.cmpi sgt, %add3A_1614, %sign3A_1617 : i32
    %sign3A_1619 = arith.extui %sign3A_1618 : i1 to i32
    %sign3A_1620 = arith.constant 0 : i32
    %sign3A_1621 = arith.cmpi slt, %add3A_1614, %sign3A_1620 : i32
    %sign3A_1622 = arith.extui %sign3A_1621 : i1 to i32
    %sign3A_1623 = arith.subi %sign3A_1619, %sign3A_1622 : i32
    %sign3A_1624 = arith.constant 0 : i32
    %sign3A_1625 = arith.cmpi sgt, %jit3A_1615, %sign3A_1624 : i32
    %sign3A_1626 = arith.extui %sign3A_1625 : i1 to i32
    %sign3A_1627 = arith.constant 0 : i32
    %sign3A_1628 = arith.cmpi slt, %jit3A_1615, %sign3A_1627 : i32
    %sign3A_1629 = arith.extui %sign3A_1628 : i1 to i32
    %sign3A_1630 = arith.subi %sign3A_1626, %sign3A_1629 : i32
    %ne3A_1631 = arith.cmpi ne, %sign3A_1623, %sign3A_1630 : i32
    %rem3A_1632 = arith.remsi %add3A_1614, %jit3A_1615 : i32
    %ne3A_1633 = arith.constant 0 : i32
    %ne3A_1634 = arith.cmpi ne, %rem3A_1632, %ne3A_1633 : i32
    %and3A_1635 = arith.andi %ne3A_1631, %ne3A_1634 : i1
    %sub3A_1636 = arith.constant 1 : i32
    %sub3A_1637 = arith.subi %div3A_1616, %sub3A_1636 : i32
    %select_n3A_1638 = arith.select %and3A_1635, %sub3A_1637, %div3A_1616 : i32
    %rem3A_1639 = arith.constant 32 : i32
    %rem3A_1640 = arith.remsi %add3A_1614, %rem3A_1639 : i32
    %dma_start3A_1641 = arith.constant 2 : i32
    %dma_start3A_1642 = arith.constant 0 : i32
    %dma_start3A_1643 = arith.constant 0 : i32
    %dma_start3A_1644 = tpu.memref_slice %arg6[%dma_start3A_1642, %dma_start3A_1643] : memref<2x19072xf32, #tpu.memory_space<vmem>> -> memref<2x19072xf32, #tpu.memory_space<vmem>>
    %dma_start3A_1645 = arith.constant 0 : i32
    %dma_start3A_1646 = arith.constant 0 : i32
    %dma_start3A_1647 = tpu.memref_slice %arg3[%select_n3A_1638, %rem3A_1640, %dma_start3A_1645, %dma_start3A_1646] : memref<2x32x2x151808xf32, #tpu.memory_space<hbm>> -> memref<1x1x2x19072xf32, #tpu.memory_space<hbm>>
    %dma_start3A_1648 = tpu.memref_squeeze %dma_start3A_1647 : memref<1x1x2x19072xf32, #tpu.memory_space<hbm>> -> memref<2x19072xf32, #tpu.memory_space<hbm>>
    %dma_start3A_1649 = tpu.memref_slice %arg8[%dma_start3A_1641] : memref<3x!tpu.dma_semaphore, #tpu.memory_space<semaphore_mem>> -> memref<1x!tpu.dma_semaphore, #tpu.memory_space<semaphore_mem>>
    %dma_start3A_1650 = tpu.memref_squeeze %dma_start3A_1649 : memref<1x!tpu.dma_semaphore, #tpu.memory_space<semaphore_mem>> -> memref<!tpu.dma_semaphore, #tpu.memory_space<semaphore_mem>>
    %dma_start3A_1651 = arith.constant 0 : i32
    %dma_start3A_1652 = arith.constant 0 : i32
    %dma_start3A_1653 = tpu.memref_slice %arg3[%select_n3A_1638, %rem3A_1640, %dma_start3A_1651, %dma_start3A_1652] : memref<2x32x2x151808xf32, #tpu.memory_space<hbm>> -> memref<1x1x2x19072xf32, #tpu.memory_space<hbm>>
    %dma_start3A_1654 = tpu.memref_squeeze %dma_start3A_1653 : memref<1x1x2x19072xf32, #tpu.memory_space<hbm>> -> memref<2x19072xf32, #tpu.memory_space<hbm>>
    %dma_start3A_1655 = arith.constant 0 : i32
    %dma_start3A_1656 = arith.constant 0 : i32
    %dma_start3A_1657 = tpu.memref_slice %arg6[%dma_start3A_1655, %dma_start3A_1656] : memref<2x19072xf32, #tpu.memory_space<vmem>> -> memref<2x19072xf32, #tpu.memory_space<vmem>>
    tpu.enqueue_dma source(%dma_start3A_1657 : memref<2x19072xf32, #tpu.memory_space<vmem>>) target(%dma_start3A_1654 : memref<2x19072xf32, #tpu.memory_space<hbm>>) target_semaphore(%dma_start3A_1650 : memref<!tpu.dma_semaphore, #tpu.memory_space<semaphore_mem>>)
    %add3A_1658 = arith.constant 1 : i32
    %add3A_1659 = arith.addi %mul3A_2, %add3A_1658 : i32
    %jit3A_1660 = arith.constant 32 : i32
    %div3A_1661 = arith.divsi %add3A_1659, %jit3A_1660 : i32
    %sign3A_1662 = arith.constant 0 : i32
    %sign3A_1663 = arith.cmpi sgt, %add3A_1659, %sign3A_1662 : i32
    %sign3A_1664 = arith.extui %sign3A_1663 : i1 to i32
    %sign3A_1665 = arith.constant 0 : i32
    %sign3A_1666 = arith.cmpi slt, %add3A_1659, %sign3A_1665 : i32
    %sign3A_1667 = arith.extui %sign3A_1666 : i1 to i32
    %sign3A_1668 = arith.subi %sign3A_1664, %sign3A_1667 : i32
    %sign3A_1669 = arith.constant 0 : i32
    %sign3A_1670 = arith.cmpi sgt, %jit3A_1660, %sign3A_1669 : i32
    %sign3A_1671 = arith.extui %sign3A_1670 : i1 to i32
    %sign3A_1672 = arith.constant 0 : i32
    %sign3A_1673 = arith.cmpi slt, %jit3A_1660, %sign3A_1672 : i32
    %sign3A_1674 = arith.extui %sign3A_1673 : i1 to i32
    %sign3A_1675 = arith.subi %sign3A_1671, %sign3A_1674 : i32
    %ne3A_1676 = arith.cmpi ne, %sign3A_1668, %sign3A_1675 : i32
    %rem3A_1677 = arith.remsi %add3A_1659, %jit3A_1660 : i32
    %ne3A_1678 = arith.constant 0 : i32
    %ne3A_1679 = arith.cmpi ne, %rem3A_1677, %ne3A_1678 : i32
    %and3A_1680 = arith.andi %ne3A_1676, %ne3A_1679 : i1
    %sub3A_1681 = arith.constant 1 : i32
    %sub3A_1682 = arith.subi %div3A_1661, %sub3A_1681 : i32
    %select_n3A_1683 = arith.select %and3A_1680, %sub3A_1682, %div3A_1661 : i32
    %rem3A_1684 = arith.constant 32 : i32
    %rem3A_1685 = arith.remsi %add3A_1659, %rem3A_1684 : i32
    %dma_wait3A_1686 = arith.constant 2 : i32
    %dma_wait3A_1687 = arith.constant 0 : i32
    %dma_wait3A_1688 = arith.constant 0 : i32
    %dma_wait3A_1689 = tpu.memref_slice %arg6[%dma_wait3A_1687, %dma_wait3A_1688] : memref<2x19072xf32, #tpu.memory_space<vmem>> -> memref<2x19072xf32, #tpu.memory_space<vmem>>
    %dma_wait3A_1690 = arith.constant 0 : i32
    %dma_wait3A_1691 = arith.constant 0 : i32
    %dma_wait3A_1692 = tpu.memref_slice %arg3[%select_n3A_1683, %rem3A_1685, %dma_wait3A_1690, %dma_wait3A_1691] : memref<2x32x2x151808xf32, #tpu.memory_space<hbm>> -> memref<1x1x2x19072xf32, #tpu.memory_space<hbm>>
    %dma_wait3A_1693 = tpu.memref_squeeze %dma_wait3A_1692 : memref<1x1x2x19072xf32, #tpu.memory_space<hbm>> -> memref<2x19072xf32, #tpu.memory_space<hbm>>
    %dma_wait3A_1694 = tpu.memref_slice %arg8[%dma_wait3A_1686] : memref<3x!tpu.dma_semaphore, #tpu.memory_space<semaphore_mem>> -> memref<1x!tpu.dma_semaphore, #tpu.memory_space<semaphore_mem>>
    %dma_wait3A_1695 = tpu.memref_squeeze %dma_wait3A_1694 : memref<1x!tpu.dma_semaphore, #tpu.memory_space<semaphore_mem>> -> memref<!tpu.dma_semaphore, #tpu.memory_space<semaphore_mem>>
    %dma_wait3A_1696 = arith.constant 0 : i32
    %dma_wait3A_1697 = arith.constant 0 : i32
    %dma_wait3A_1698 = tpu.memref_slice %arg3[%select_n3A_1683, %rem3A_1685, %dma_wait3A_1696, %dma_wait3A_1697] : memref<2x32x2x151808xf32, #tpu.memory_space<hbm>> -> memref<1x1x2x19072xf32, #tpu.memory_space<hbm>>
    %dma_wait3A_1699 = tpu.memref_squeeze %dma_wait3A_1698 : memref<1x1x2x19072xf32, #tpu.memory_space<hbm>> -> memref<2x19072xf32, #tpu.memory_space<hbm>>
    %dma_wait3A_1700 = arith.constant 0 : i32
    %dma_wait3A_1701 = arith.constant 0 : i32
    %dma_wait3A_1702 = tpu.memref_slice %arg6[%dma_wait3A_1700, %dma_wait3A_1701] : memref<2x19072xf32, #tpu.memory_space<vmem>> -> memref<2x19072xf32, #tpu.memory_space<vmem>>
    tpu.wait_dma2 semaphore(%dma_wait3A_1695 : memref<!tpu.dma_semaphore, #tpu.memory_space<semaphore_mem>>) src(%dma_wait3A_1702 : memref<2x19072xf32, #tpu.memory_space<vmem>>) dst(%dma_wait3A_1699 : memref<2x19072xf32, #tpu.memory_space<hbm>>)
    %add3A_1703 = arith.constant 1 : i32
    %add3A_1704 = arith.addi %mul3A_2, %add3A_1703 : i32
    %jit3A_1705 = arith.constant 32 : i32
    %div3A_1706 = arith.divsi %add3A_1704, %jit3A_1705 : i32
    %sign3A_1707 = arith.constant 0 : i32
    %sign3A_1708 = arith.cmpi sgt, %add3A_1704, %sign3A_1707 : i32
    %sign3A_1709 = arith.extui %sign3A_1708 : i1 to i32
    %sign3A_1710 = arith.constant 0 : i32
    %sign3A_1711 = arith.cmpi slt, %add3A_1704, %sign3A_1710 : i32
    %sign3A_1712 = arith.extui %sign3A_1711 : i1 to i32
    %sign3A_1713 = arith.subi %sign3A_1709, %sign3A_1712 : i32
    %sign3A_1714 = arith.constant 0 : i32
    %sign3A_1715 = arith.cmpi sgt, %jit3A_1705, %sign3A_1714 : i32
    %sign3A_1716 = arith.extui %sign3A_1715 : i1 to i32
    %sign3A_1717 = arith.constant 0 : i32
    %sign3A_1718 = arith.cmpi slt, %jit3A_1705, %sign3A_1717 : i32
    %sign3A_1719 = arith.extui %sign3A_1718 : i1 to i32
    %sign3A_1720 = arith.subi %sign3A_1716, %sign3A_1719 : i32
    %ne3A_1721 = arith.cmpi ne, %sign3A_1713, %sign3A_1720 : i32
    %rem3A_1722 = arith.remsi %add3A_1704, %jit3A_1705 : i32
    %ne3A_1723 = arith.constant 0 : i32
    %ne3A_1724 = arith.cmpi ne, %rem3A_1722, %ne3A_1723 : i32
    %and3A_1725 = arith.andi %ne3A_1721, %ne3A_1724 : i1
    %sub3A_1726 = arith.constant 1 : i32
    %sub3A_1727 = arith.subi %div3A_1706, %sub3A_1726 : i32
    %select_n3A_1728 = arith.select %and3A_1725, %sub3A_1727, %div3A_1706 : i32
    %rem3A_1729 = arith.constant 32 : i32
    %rem3A_1730 = arith.remsi %add3A_1704, %rem3A_1729 : i32
    %dma_start3A_1731 = arith.constant 2 : i32
    %dma_start3A_1732 = arith.constant 0 : i32
    %dma_start3A_1733 = arith.constant 0 : i32
    %dma_start3A_1734 = tpu.memref_slice %arg6[%dma_start3A_1732, %dma_start3A_1733] : memref<2x19072xf32, #tpu.memory_space<vmem>> -> memref<2x18944xf32, #tpu.memory_space<vmem>>
    %dma_start3A_1735 = arith.constant 0 : i32
    %dma_start3A_1736 = arith.constant 57088 : i32
    %dma_start3A_1737 = tpu.memref_slice %arg2[%select_n3A_1728, %rem3A_1730, %dma_start3A_1735, %dma_start3A_1736] : memref<2x32x2x160000xf32, #tpu.memory_space<hbm>> -> memref<1x1x2x18944xf32, #tpu.memory_space<hbm>>
    %dma_start3A_1738 = tpu.memref_squeeze %dma_start3A_1737 : memref<1x1x2x18944xf32, #tpu.memory_space<hbm>> -> memref<2x18944xf32, #tpu.memory_space<hbm>>
    %dma_start3A_1739 = tpu.memref_slice %arg7[%dma_start3A_1731] : memref<3x!tpu.dma_semaphore, #tpu.memory_space<semaphore_mem>> -> memref<1x!tpu.dma_semaphore, #tpu.memory_space<semaphore_mem>>
    %dma_start3A_1740 = tpu.memref_squeeze %dma_start3A_1739 : memref<1x!tpu.dma_semaphore, #tpu.memory_space<semaphore_mem>> -> memref<!tpu.dma_semaphore, #tpu.memory_space<semaphore_mem>>
    %dma_start3A_1741 = arith.constant 0 : i32
    %dma_start3A_1742 = arith.constant 0 : i32
    %dma_start3A_1743 = tpu.memref_slice %arg6[%dma_start3A_1741, %dma_start3A_1742] : memref<2x19072xf32, #tpu.memory_space<vmem>> -> memref<2x18944xf32, #tpu.memory_space<vmem>>
    %dma_start3A_1744 = arith.constant 0 : i32
    %dma_start3A_1745 = arith.constant 57088 : i32
    %dma_start3A_1746 = tpu.memref_slice %arg2[%select_n3A_1728, %rem3A_1730, %dma_start3A_1744, %dma_start3A_1745] : memref<2x32x2x160000xf32, #tpu.memory_space<hbm>> -> memref<1x1x2x18944xf32, #tpu.memory_space<hbm>>
    %dma_start3A_1747 = tpu.memref_squeeze %dma_start3A_1746 : memref<1x1x2x18944xf32, #tpu.memory_space<hbm>> -> memref<2x18944xf32, #tpu.memory_space<hbm>>
    tpu.enqueue_dma source(%dma_start3A_1747 : memref<2x18944xf32, #tpu.memory_space<hbm>>) target(%dma_start3A_1743 : memref<2x18944xf32, #tpu.memory_space<vmem>>) target_semaphore(%dma_start3A_1740 : memref<!tpu.dma_semaphore, #tpu.memory_space<semaphore_mem>>)
    %add3A_1748 = arith.constant 1 : i32
    %add3A_1749 = arith.addi %mul3A_2, %add3A_1748 : i32
    %jit3A_1750 = arith.constant 32 : i32
    %div3A_1751 = arith.divsi %add3A_1749, %jit3A_1750 : i32
    %sign3A_1752 = arith.constant 0 : i32
    %sign3A_1753 = arith.cmpi sgt, %add3A_1749, %sign3A_1752 : i32
    %sign3A_1754 = arith.extui %sign3A_1753 : i1 to i32
    %sign3A_1755 = arith.constant 0 : i32
    %sign3A_1756 = arith.cmpi slt, %add3A_1749, %sign3A_1755 : i32
    %sign3A_1757 = arith.extui %sign3A_1756 : i1 to i32
    %sign3A_1758 = arith.subi %sign3A_1754, %sign3A_1757 : i32
    %sign3A_1759 = arith.constant 0 : i32
    %sign3A_1760 = arith.cmpi sgt, %jit3A_1750, %sign3A_1759 : i32
    %sign3A_1761 = arith.extui %sign3A_1760 : i1 to i32
    %sign3A_1762 = arith.constant 0 : i32
    %sign3A_1763 = arith.cmpi slt, %jit3A_1750, %sign3A_1762 : i32
    %sign3A_1764 = arith.extui %sign3A_1763 : i1 to i32
    %sign3A_1765 = arith.subi %sign3A_1761, %sign3A_1764 : i32
    %ne3A_1766 = arith.cmpi ne, %sign3A_1758, %sign3A_1765 : i32
    %rem3A_1767 = arith.remsi %add3A_1749, %jit3A_1750 : i32
    %ne3A_1768 = arith.constant 0 : i32
    %ne3A_1769 = arith.cmpi ne, %rem3A_1767, %ne3A_1768 : i32
    %and3A_1770 = arith.andi %ne3A_1766, %ne3A_1769 : i1
    %sub3A_1771 = arith.constant 1 : i32
    %sub3A_1772 = arith.subi %div3A_1751, %sub3A_1771 : i32
    %select_n3A_1773 = arith.select %and3A_1770, %sub3A_1772, %div3A_1751 : i32
    %rem3A_1774 = arith.constant 32 : i32
    %rem3A_1775 = arith.remsi %add3A_1749, %rem3A_1774 : i32
    %dma_wait3A_1776 = arith.constant 0 : i32
    %dma_wait3A_1777 = arith.constant 0 : i32
    %dma_wait3A_1778 = arith.constant 0 : i32
    %dma_wait3A_1779 = tpu.memref_slice %arg4[%dma_wait3A_1777, %dma_wait3A_1778] : memref<2x19072xf32, #tpu.memory_space<vmem>> -> memref<2x19072xf32, #tpu.memory_space<vmem>>
    %dma_wait3A_1780 = arith.constant 0 : i32
    %dma_wait3A_1781 = arith.constant 19072 : i32
    %dma_wait3A_1782 = tpu.memref_slice %arg2[%select_n3A_1773, %rem3A_1775, %dma_wait3A_1780, %dma_wait3A_1781] : memref<2x32x2x160000xf32, #tpu.memory_space<hbm>> -> memref<1x1x2x19072xf32, #tpu.memory_space<hbm>>
    %dma_wait3A_1783 = tpu.memref_squeeze %dma_wait3A_1782 : memref<1x1x2x19072xf32, #tpu.memory_space<hbm>> -> memref<2x19072xf32, #tpu.memory_space<hbm>>
    %dma_wait3A_1784 = tpu.memref_slice %arg7[%dma_wait3A_1776] : memref<3x!tpu.dma_semaphore, #tpu.memory_space<semaphore_mem>> -> memref<1x!tpu.dma_semaphore, #tpu.memory_space<semaphore_mem>>
    %dma_wait3A_1785 = tpu.memref_squeeze %dma_wait3A_1784 : memref<1x!tpu.dma_semaphore, #tpu.memory_space<semaphore_mem>> -> memref<!tpu.dma_semaphore, #tpu.memory_space<semaphore_mem>>
    %dma_wait3A_1786 = arith.constant 0 : i32
    %dma_wait3A_1787 = arith.constant 0 : i32
    %dma_wait3A_1788 = tpu.memref_slice %arg4[%dma_wait3A_1786, %dma_wait3A_1787] : memref<2x19072xf32, #tpu.memory_space<vmem>> -> memref<2x19072xf32, #tpu.memory_space<vmem>>
    %dma_wait3A_1789 = arith.constant 0 : i32
    %dma_wait3A_1790 = arith.constant 19072 : i32
    %dma_wait3A_1791 = tpu.memref_slice %arg2[%select_n3A_1773, %rem3A_1775, %dma_wait3A_1789, %dma_wait3A_1790] : memref<2x32x2x160000xf32, #tpu.memory_space<hbm>> -> memref<1x1x2x19072xf32, #tpu.memory_space<hbm>>
    %dma_wait3A_1792 = tpu.memref_squeeze %dma_wait3A_1791 : memref<1x1x2x19072xf32, #tpu.memory_space<hbm>> -> memref<2x19072xf32, #tpu.memory_space<hbm>>
    tpu.wait_dma2 semaphore(%dma_wait3A_1785 : memref<!tpu.dma_semaphore, #tpu.memory_space<semaphore_mem>>) src(%dma_wait3A_1792 : memref<2x19072xf32, #tpu.memory_space<hbm>>) dst(%dma_wait3A_1788 : memref<2x19072xf32, #tpu.memory_space<vmem>>)
    %add3A_1793 = arith.constant 1 : i32
    %add3A_1794 = arith.addi %mul3A_2, %add3A_1793 : i32
    %jit3A_1795 = arith.constant 32 : i32
    %div3A_1796 = arith.divsi %add3A_1794, %jit3A_1795 : i32
    %sign3A_1797 = arith.constant 0 : i32
    %sign3A_1798 = arith.cmpi sgt, %add3A_1794, %sign3A_1797 : i32
    %sign3A_1799 = arith.extui %sign3A_1798 : i1 to i32
    %sign3A_1800 = arith.constant 0 : i32
    %sign3A_1801 = arith.cmpi slt, %add3A_1794, %sign3A_1800 : i32
    %sign3A_1802 = arith.extui %sign3A_1801 : i1 to i32
    %sign3A_1803 = arith.subi %sign3A_1799, %sign3A_1802 : i32
    %sign3A_1804 = arith.constant 0 : i32
    %sign3A_1805 = arith.cmpi sgt, %jit3A_1795, %sign3A_1804 : i32
    %sign3A_1806 = arith.extui %sign3A_1805 : i1 to i32
    %sign3A_1807 = arith.constant 0 : i32
    %sign3A_1808 = arith.cmpi slt, %jit3A_1795, %sign3A_1807 : i32
    %sign3A_1809 = arith.extui %sign3A_1808 : i1 to i32
    %sign3A_1810 = arith.subi %sign3A_1806, %sign3A_1809 : i32
    %ne3A_1811 = arith.cmpi ne, %sign3A_1803, %sign3A_1810 : i32
    %rem3A_1812 = arith.remsi %add3A_1794, %jit3A_1795 : i32
    %ne3A_1813 = arith.constant 0 : i32
    %ne3A_1814 = arith.cmpi ne, %rem3A_1812, %ne3A_1813 : i32
    %and3A_1815 = arith.andi %ne3A_1811, %ne3A_1814 : i1
    %sub3A_1816 = arith.constant 1 : i32
    %sub3A_1817 = arith.subi %div3A_1796, %sub3A_1816 : i32
    %select_n3A_1818 = arith.select %and3A_1815, %sub3A_1817, %div3A_1796 : i32
    %rem3A_1819 = arith.constant 32 : i32
    %rem3A_1820 = arith.remsi %add3A_1794, %rem3A_1819 : i32
    %dma_start3A_1821 = arith.constant 0 : i32
    %dma_start3A_1822 = arith.constant 0 : i32
    %dma_start3A_1823 = arith.constant 0 : i32
    %dma_start3A_1824 = tpu.memref_slice %arg4[%dma_start3A_1822, %dma_start3A_1823] : memref<2x19072xf32, #tpu.memory_space<vmem>> -> memref<2x19072xf32, #tpu.memory_space<vmem>>
    %dma_start3A_1825 = arith.constant 0 : i32
    %dma_start3A_1826 = arith.constant 19072 : i32
    %dma_start3A_1827 = tpu.memref_slice %arg3[%select_n3A_1818, %rem3A_1820, %dma_start3A_1825, %dma_start3A_1826] : memref<2x32x2x151808xf32, #tpu.memory_space<hbm>> -> memref<1x1x2x19072xf32, #tpu.memory_space<hbm>>
    %dma_start3A_1828 = tpu.memref_squeeze %dma_start3A_1827 : memref<1x1x2x19072xf32, #tpu.memory_space<hbm>> -> memref<2x19072xf32, #tpu.memory_space<hbm>>
    %dma_start3A_1829 = tpu.memref_slice %arg8[%dma_start3A_1821] : memref<3x!tpu.dma_semaphore, #tpu.memory_space<semaphore_mem>> -> memref<1x!tpu.dma_semaphore, #tpu.memory_space<semaphore_mem>>
    %dma_start3A_1830 = tpu.memref_squeeze %dma_start3A_1829 : memref<1x!tpu.dma_semaphore, #tpu.memory_space<semaphore_mem>> -> memref<!tpu.dma_semaphore, #tpu.memory_space<semaphore_mem>>
    %dma_start3A_1831 = arith.constant 0 : i32
    %dma_start3A_1832 = arith.constant 19072 : i32
    %dma_start3A_1833 = tpu.memref_slice %arg3[%select_n3A_1818, %rem3A_1820, %dma_start3A_1831, %dma_start3A_1832] : memref<2x32x2x151808xf32, #tpu.memory_space<hbm>> -> memref<1x1x2x19072xf32, #tpu.memory_space<hbm>>
    %dma_start3A_1834 = tpu.memref_squeeze %dma_start3A_1833 : memref<1x1x2x19072xf32, #tpu.memory_space<hbm>> -> memref<2x19072xf32, #tpu.memory_space<hbm>>
    %dma_start3A_1835 = arith.constant 0 : i32
    %dma_start3A_1836 = arith.constant 0 : i32
    %dma_start3A_1837 = tpu.memref_slice %arg4[%dma_start3A_1835, %dma_start3A_1836] : memref<2x19072xf32, #tpu.memory_space<vmem>> -> memref<2x19072xf32, #tpu.memory_space<vmem>>
    tpu.enqueue_dma source(%dma_start3A_1837 : memref<2x19072xf32, #tpu.memory_space<vmem>>) target(%dma_start3A_1834 : memref<2x19072xf32, #tpu.memory_space<hbm>>) target_semaphore(%dma_start3A_1830 : memref<!tpu.dma_semaphore, #tpu.memory_space<semaphore_mem>>)
    %add3A_1838 = arith.constant 1 : i32
    %add3A_1839 = arith.addi %mul3A_2, %add3A_1838 : i32
    %jit3A_1840 = arith.constant 32 : i32
    %div3A_1841 = arith.divsi %add3A_1839, %jit3A_1840 : i32
    %sign3A_1842 = arith.constant 0 : i32
    %sign3A_1843 = arith.cmpi sgt, %add3A_1839, %sign3A_1842 : i32
    %sign3A_1844 = arith.extui %sign3A_1843 : i1 to i32
    %sign3A_1845 = arith.constant 0 : i32
    %sign3A_1846 = arith.cmpi slt, %add3A_1839, %sign3A_1845 : i32
    %sign3A_1847 = arith.extui %sign3A_1846 : i1 to i32
    %sign3A_1848 = arith.subi %sign3A_1844, %sign3A_1847 : i32
    %sign3A_1849 = arith.constant 0 : i32
    %sign3A_1850 = arith.cmpi sgt, %jit3A_1840, %sign3A_1849 : i32
    %sign3A_1851 = arith.extui %sign3A_1850 : i1 to i32
    %sign3A_1852 = arith.constant 0 : i32
    %sign3A_1853 = arith.cmpi slt, %jit3A_1840, %sign3A_1852 : i32
    %sign3A_1854 = arith.extui %sign3A_1853 : i1 to i32
    %sign3A_1855 = arith.subi %sign3A_1851, %sign3A_1854 : i32
    %ne3A_1856 = arith.cmpi ne, %sign3A_1848, %sign3A_1855 : i32
    %rem3A_1857 = arith.remsi %add3A_1839, %jit3A_1840 : i32
    %ne3A_1858 = arith.constant 0 : i32
    %ne3A_1859 = arith.cmpi ne, %rem3A_1857, %ne3A_1858 : i32
    %and3A_1860 = arith.andi %ne3A_1856, %ne3A_1859 : i1
    %sub3A_1861 = arith.constant 1 : i32
    %sub3A_1862 = arith.subi %div3A_1841, %sub3A_1861 : i32
    %select_n3A_1863 = arith.select %and3A_1860, %sub3A_1862, %div3A_1841 : i32
    %rem3A_1864 = arith.constant 32 : i32
    %rem3A_1865 = arith.remsi %add3A_1839, %rem3A_1864 : i32
    %dma_wait3A_1866 = arith.constant 0 : i32
    %dma_wait3A_1867 = arith.constant 0 : i32
    %dma_wait3A_1868 = arith.constant 0 : i32
    %dma_wait3A_1869 = tpu.memref_slice %arg4[%dma_wait3A_1867, %dma_wait3A_1868] : memref<2x19072xf32, #tpu.memory_space<vmem>> -> memref<2x19072xf32, #tpu.memory_space<vmem>>
    %dma_wait3A_1870 = arith.constant 0 : i32
    %dma_wait3A_1871 = arith.constant 19072 : i32
    %dma_wait3A_1872 = tpu.memref_slice %arg3[%select_n3A_1863, %rem3A_1865, %dma_wait3A_1870, %dma_wait3A_1871] : memref<2x32x2x151808xf32, #tpu.memory_space<hbm>> -> memref<1x1x2x19072xf32, #tpu.memory_space<hbm>>
    %dma_wait3A_1873 = tpu.memref_squeeze %dma_wait3A_1872 : memref<1x1x2x19072xf32, #tpu.memory_space<hbm>> -> memref<2x19072xf32, #tpu.memory_space<hbm>>
    %dma_wait3A_1874 = tpu.memref_slice %arg8[%dma_wait3A_1866] : memref<3x!tpu.dma_semaphore, #tpu.memory_space<semaphore_mem>> -> memref<1x!tpu.dma_semaphore, #tpu.memory_space<semaphore_mem>>
    %dma_wait3A_1875 = tpu.memref_squeeze %dma_wait3A_1874 : memref<1x!tpu.dma_semaphore, #tpu.memory_space<semaphore_mem>> -> memref<!tpu.dma_semaphore, #tpu.memory_space<semaphore_mem>>
    %dma_wait3A_1876 = arith.constant 0 : i32
    %dma_wait3A_1877 = arith.constant 19072 : i32
    %dma_wait3A_1878 = tpu.memref_slice %arg3[%select_n3A_1863, %rem3A_1865, %dma_wait3A_1876, %dma_wait3A_1877] : memref<2x32x2x151808xf32, #tpu.memory_space<hbm>> -> memref<1x1x2x19072xf32, #tpu.memory_space<hbm>>
    %dma_wait3A_1879 = tpu.memref_squeeze %dma_wait3A_1878 : memref<1x1x2x19072xf32, #tpu.memory_space<hbm>> -> memref<2x19072xf32, #tpu.memory_space<hbm>>
    %dma_wait3A_1880 = arith.constant 0 : i32
    %dma_wait3A_1881 = arith.constant 0 : i32
    %dma_wait3A_1882 = tpu.memref_slice %arg4[%dma_wait3A_1880, %dma_wait3A_1881] : memref<2x19072xf32, #tpu.memory_space<vmem>> -> memref<2x19072xf32, #tpu.memory_space<vmem>>
    tpu.wait_dma2 semaphore(%dma_wait3A_1875 : memref<!tpu.dma_semaphore, #tpu.memory_space<semaphore_mem>>) src(%dma_wait3A_1882 : memref<2x19072xf32, #tpu.memory_space<vmem>>) dst(%dma_wait3A_1879 : memref<2x19072xf32, #tpu.memory_space<hbm>>)
    %add3A_1883 = arith.constant 1 : i32
    %add3A_1884 = arith.addi %mul3A_2, %add3A_1883 : i32
    %jit3A_1885 = arith.constant 32 : i32
    %div3A_1886 = arith.divsi %add3A_1884, %jit3A_1885 : i32
    %sign3A_1887 = arith.constant 0 : i32
    %sign3A_1888 = arith.cmpi sgt, %add3A_1884, %sign3A_1887 : i32
    %sign3A_1889 = arith.extui %sign3A_1888 : i1 to i32
    %sign3A_1890 = arith.constant 0 : i32
    %sign3A_1891 = arith.cmpi slt, %add3A_1884, %sign3A_1890 : i32
    %sign3A_1892 = arith.extui %sign3A_1891 : i1 to i32
    %sign3A_1893 = arith.subi %sign3A_1889, %sign3A_1892 : i32
    %sign3A_1894 = arith.constant 0 : i32
    %sign3A_1895 = arith.cmpi sgt, %jit3A_1885, %sign3A_1894 : i32
    %sign3A_1896 = arith.extui %sign3A_1895 : i1 to i32
    %sign3A_1897 = arith.constant 0 : i32
    %sign3A_1898 = arith.cmpi slt, %jit3A_1885, %sign3A_1897 : i32
    %sign3A_1899 = arith.extui %sign3A_1898 : i1 to i32
    %sign3A_1900 = arith.subi %sign3A_1896, %sign3A_1899 : i32
    %ne3A_1901 = arith.cmpi ne, %sign3A_1893, %sign3A_1900 : i32
    %rem3A_1902 = arith.remsi %add3A_1884, %jit3A_1885 : i32
    %ne3A_1903 = arith.constant 0 : i32
    %ne3A_1904 = arith.cmpi ne, %rem3A_1902, %ne3A_1903 : i32
    %and3A_1905 = arith.andi %ne3A_1901, %ne3A_1904 : i1
    %sub3A_1906 = arith.constant 1 : i32
    %sub3A_1907 = arith.subi %div3A_1886, %sub3A_1906 : i32
    %select_n3A_1908 = arith.select %and3A_1905, %sub3A_1907, %div3A_1886 : i32
    %rem3A_1909 = arith.constant 32 : i32
    %rem3A_1910 = arith.remsi %add3A_1884, %rem3A_1909 : i32
    %dma_start3A_1911 = arith.constant 0 : i32
    %dma_start3A_1912 = arith.constant 0 : i32
    %dma_start3A_1913 = arith.constant 0 : i32
    %dma_start3A_1914 = tpu.memref_slice %arg4[%dma_start3A_1912, %dma_start3A_1913] : memref<2x19072xf32, #tpu.memory_space<vmem>> -> memref<2x18944xf32, #tpu.memory_space<vmem>>
    %dma_start3A_1915 = arith.constant 0 : i32
    %dma_start3A_1916 = arith.constant 76032 : i32
    %dma_start3A_1917 = tpu.memref_slice %arg2[%select_n3A_1908, %rem3A_1910, %dma_start3A_1915, %dma_start3A_1916] : memref<2x32x2x160000xf32, #tpu.memory_space<hbm>> -> memref<1x1x2x18944xf32, #tpu.memory_space<hbm>>
    %dma_start3A_1918 = tpu.memref_squeeze %dma_start3A_1917 : memref<1x1x2x18944xf32, #tpu.memory_space<hbm>> -> memref<2x18944xf32, #tpu.memory_space<hbm>>
    %dma_start3A_1919 = tpu.memref_slice %arg7[%dma_start3A_1911] : memref<3x!tpu.dma_semaphore, #tpu.memory_space<semaphore_mem>> -> memref<1x!tpu.dma_semaphore, #tpu.memory_space<semaphore_mem>>
    %dma_start3A_1920 = tpu.memref_squeeze %dma_start3A_1919 : memref<1x!tpu.dma_semaphore, #tpu.memory_space<semaphore_mem>> -> memref<!tpu.dma_semaphore, #tpu.memory_space<semaphore_mem>>
    %dma_start3A_1921 = arith.constant 0 : i32
    %dma_start3A_1922 = arith.constant 0 : i32
    %dma_start3A_1923 = tpu.memref_slice %arg4[%dma_start3A_1921, %dma_start3A_1922] : memref<2x19072xf32, #tpu.memory_space<vmem>> -> memref<2x18944xf32, #tpu.memory_space<vmem>>
    %dma_start3A_1924 = arith.constant 0 : i32
    %dma_start3A_1925 = arith.constant 76032 : i32
    %dma_start3A_1926 = tpu.memref_slice %arg2[%select_n3A_1908, %rem3A_1910, %dma_start3A_1924, %dma_start3A_1925] : memref<2x32x2x160000xf32, #tpu.memory_space<hbm>> -> memref<1x1x2x18944xf32, #tpu.memory_space<hbm>>
    %dma_start3A_1927 = tpu.memref_squeeze %dma_start3A_1926 : memref<1x1x2x18944xf32, #tpu.memory_space<hbm>> -> memref<2x18944xf32, #tpu.memory_space<hbm>>
    tpu.enqueue_dma source(%dma_start3A_1927 : memref<2x18944xf32, #tpu.memory_space<hbm>>) target(%dma_start3A_1923 : memref<2x18944xf32, #tpu.memory_space<vmem>>) target_semaphore(%dma_start3A_1920 : memref<!tpu.dma_semaphore, #tpu.memory_space<semaphore_mem>>)
    %add3A_1928 = arith.constant 1 : i32
    %add3A_1929 = arith.addi %mul3A_2, %add3A_1928 : i32
    %jit3A_1930 = arith.constant 32 : i32
    %div3A_1931 = arith.divsi %add3A_1929, %jit3A_1930 : i32
    %sign3A_1932 = arith.constant 0 : i32
    %sign3A_1933 = arith.cmpi sgt, %add3A_1929, %sign3A_1932 : i32
    %sign3A_1934 = arith.extui %sign3A_1933 : i1 to i32
    %sign3A_1935 = arith.constant 0 : i32
    %sign3A_1936 = arith.cmpi slt, %add3A_1929, %sign3A_1935 : i32
    %sign3A_1937 = arith.extui %sign3A_1936 : i1 to i32
    %sign3A_1938 = arith.subi %sign3A_1934, %sign3A_1937 : i32
    %sign3A_1939 = arith.constant 0 : i32
    %sign3A_1940 = arith.cmpi sgt, %jit3A_1930, %sign3A_1939 : i32
    %sign3A_1941 = arith.extui %sign3A_1940 : i1 to i32
    %sign3A_1942 = arith.constant 0 : i32
    %sign3A_1943 = arith.cmpi slt, %jit3A_1930, %sign3A_1942 : i32
    %sign3A_1944 = arith.extui %sign3A_1943 : i1 to i32
    %sign3A_1945 = arith.subi %sign3A_1941, %sign3A_1944 : i32
    %ne3A_1946 = arith.cmpi ne, %sign3A_1938, %sign3A_1945 : i32
    %rem3A_1947 = arith.remsi %add3A_1929, %jit3A_1930 : i32
    %ne3A_1948 = arith.constant 0 : i32
    %ne3A_1949 = arith.cmpi ne, %rem3A_1947, %ne3A_1948 : i32
    %and3A_1950 = arith.andi %ne3A_1946, %ne3A_1949 : i1
    %sub3A_1951 = arith.constant 1 : i32
    %sub3A_1952 = arith.subi %div3A_1931, %sub3A_1951 : i32
    %select_n3A_1953 = arith.select %and3A_1950, %sub3A_1952, %div3A_1931 : i32
    %rem3A_1954 = arith.constant 32 : i32
    %rem3A_1955 = arith.remsi %add3A_1929, %rem3A_1954 : i32
    %dma_wait3A_1956 = arith.constant 1 : i32
    %dma_wait3A_1957 = arith.constant 0 : i32
    %dma_wait3A_1958 = arith.constant 0 : i32
    %dma_wait3A_1959 = tpu.memref_slice %arg5[%dma_wait3A_1957, %dma_wait3A_1958] : memref<2x19072xf32, #tpu.memory_space<vmem>> -> memref<2x18944xf32, #tpu.memory_space<vmem>>
    %dma_wait3A_1960 = arith.constant 0 : i32
    %dma_wait3A_1961 = arith.constant 38144 : i32
    %dma_wait3A_1962 = tpu.memref_slice %arg2[%select_n3A_1953, %rem3A_1955, %dma_wait3A_1960, %dma_wait3A_1961] : memref<2x32x2x160000xf32, #tpu.memory_space<hbm>> -> memref<1x1x2x18944xf32, #tpu.memory_space<hbm>>
    %dma_wait3A_1963 = tpu.memref_squeeze %dma_wait3A_1962 : memref<1x1x2x18944xf32, #tpu.memory_space<hbm>> -> memref<2x18944xf32, #tpu.memory_space<hbm>>
    %dma_wait3A_1964 = tpu.memref_slice %arg7[%dma_wait3A_1956] : memref<3x!tpu.dma_semaphore, #tpu.memory_space<semaphore_mem>> -> memref<1x!tpu.dma_semaphore, #tpu.memory_space<semaphore_mem>>
    %dma_wait3A_1965 = tpu.memref_squeeze %dma_wait3A_1964 : memref<1x!tpu.dma_semaphore, #tpu.memory_space<semaphore_mem>> -> memref<!tpu.dma_semaphore, #tpu.memory_space<semaphore_mem>>
    %dma_wait3A_1966 = arith.constant 0 : i32
    %dma_wait3A_1967 = arith.constant 0 : i32
    %dma_wait3A_1968 = tpu.memref_slice %arg5[%dma_wait3A_1966, %dma_wait3A_1967] : memref<2x19072xf32, #tpu.memory_space<vmem>> -> memref<2x18944xf32, #tpu.memory_space<vmem>>
    %dma_wait3A_1969 = arith.constant 0 : i32
    %dma_wait3A_1970 = arith.constant 38144 : i32
    %dma_wait3A_1971 = tpu.memref_slice %arg2[%select_n3A_1953, %rem3A_1955, %dma_wait3A_1969, %dma_wait3A_1970] : memref<2x32x2x160000xf32, #tpu.memory_space<hbm>> -> memref<1x1x2x18944xf32, #tpu.memory_space<hbm>>
    %dma_wait3A_1972 = tpu.memref_squeeze %dma_wait3A_1971 : memref<1x1x2x18944xf32, #tpu.memory_space<hbm>> -> memref<2x18944xf32, #tpu.memory_space<hbm>>
    tpu.wait_dma2 semaphore(%dma_wait3A_1965 : memref<!tpu.dma_semaphore, #tpu.memory_space<semaphore_mem>>) src(%dma_wait3A_1972 : memref<2x18944xf32, #tpu.memory_space<hbm>>) dst(%dma_wait3A_1968 : memref<2x18944xf32, #tpu.memory_space<vmem>>)
    %add3A_1973 = arith.constant 1 : i32
    %add3A_1974 = arith.addi %mul3A_2, %add3A_1973 : i32
    %jit3A_1975 = arith.constant 32 : i32
    %div3A_1976 = arith.divsi %add3A_1974, %jit3A_1975 : i32
    %sign3A_1977 = arith.constant 0 : i32
    %sign3A_1978 = arith.cmpi sgt, %add3A_1974, %sign3A_1977 : i32
    %sign3A_1979 = arith.extui %sign3A_1978 : i1 to i32
    %sign3A_1980 = arith.constant 0 : i32
    %sign3A_1981 = arith.cmpi slt, %add3A_1974, %sign3A_1980 : i32
    %sign3A_1982 = arith.extui %sign3A_1981 : i1 to i32
    %sign3A_1983 = arith.subi %sign3A_1979, %sign3A_1982 : i32
    %sign3A_1984 = arith.constant 0 : i32
    %sign3A_1985 = arith.cmpi sgt, %jit3A_1975, %sign3A_1984 : i32
    %sign3A_1986 = arith.extui %sign3A_1985 : i1 to i32
    %sign3A_1987 = arith.constant 0 : i32
    %sign3A_1988 = arith.cmpi slt, %jit3A_1975, %sign3A_1987 : i32
    %sign3A_1989 = arith.extui %sign3A_1988 : i1 to i32
    %sign3A_1990 = arith.subi %sign3A_1986, %sign3A_1989 : i32
    %ne3A_1991 = arith.cmpi ne, %sign3A_1983, %sign3A_1990 : i32
    %rem3A_1992 = arith.remsi %add3A_1974, %jit3A_1975 : i32
    %ne3A_1993 = arith.constant 0 : i32
    %ne3A_1994 = arith.cmpi ne, %rem3A_1992, %ne3A_1993 : i32
    %and3A_1995 = arith.andi %ne3A_1991, %ne3A_1994 : i1
    %sub3A_1996 = arith.constant 1 : i32
    %sub3A_1997 = arith.subi %div3A_1976, %sub3A_1996 : i32
    %select_n3A_1998 = arith.select %and3A_1995, %sub3A_1997, %div3A_1976 : i32
    %rem3A_1999 = arith.constant 32 : i32
    %rem3A_2000 = arith.remsi %add3A_1974, %rem3A_1999 : i32
    %dma_start3A_2001 = arith.constant 1 : i32
    %dma_start3A_2002 = arith.constant 0 : i32
    %dma_start3A_2003 = arith.constant 0 : i32
    %dma_start3A_2004 = tpu.memref_slice %arg5[%dma_start3A_2002, %dma_start3A_2003] : memref<2x19072xf32, #tpu.memory_space<vmem>> -> memref<2x18944xf32, #tpu.memory_space<vmem>>
    %dma_start3A_2005 = arith.constant 0 : i32
    %dma_start3A_2006 = arith.constant 38144 : i32
    %dma_start3A_2007 = tpu.memref_slice %arg3[%select_n3A_1998, %rem3A_2000, %dma_start3A_2005, %dma_start3A_2006] : memref<2x32x2x151808xf32, #tpu.memory_space<hbm>> -> memref<1x1x2x18944xf32, #tpu.memory_space<hbm>>
    %dma_start3A_2008 = tpu.memref_squeeze %dma_start3A_2007 : memref<1x1x2x18944xf32, #tpu.memory_space<hbm>> -> memref<2x18944xf32, #tpu.memory_space<hbm>>
    %dma_start3A_2009 = tpu.memref_slice %arg8[%dma_start3A_2001] : memref<3x!tpu.dma_semaphore, #tpu.memory_space<semaphore_mem>> -> memref<1x!tpu.dma_semaphore, #tpu.memory_space<semaphore_mem>>
    %dma_start3A_2010 = tpu.memref_squeeze %dma_start3A_2009 : memref<1x!tpu.dma_semaphore, #tpu.memory_space<semaphore_mem>> -> memref<!tpu.dma_semaphore, #tpu.memory_space<semaphore_mem>>
    %dma_start3A_2011 = arith.constant 0 : i32
    %dma_start3A_2012 = arith.constant 38144 : i32
    %dma_start3A_2013 = tpu.memref_slice %arg3[%select_n3A_1998, %rem3A_2000, %dma_start3A_2011, %dma_start3A_2012] : memref<2x32x2x151808xf32, #tpu.memory_space<hbm>> -> memref<1x1x2x18944xf32, #tpu.memory_space<hbm>>
    %dma_start3A_2014 = tpu.memref_squeeze %dma_start3A_2013 : memref<1x1x2x18944xf32, #tpu.memory_space<hbm>> -> memref<2x18944xf32, #tpu.memory_space<hbm>>
    %dma_start3A_2015 = arith.constant 0 : i32
    %dma_start3A_2016 = arith.constant 0 : i32
    %dma_start3A_2017 = tpu.memref_slice %arg5[%dma_start3A_2015, %dma_start3A_2016] : memref<2x19072xf32, #tpu.memory_space<vmem>> -> memref<2x18944xf32, #tpu.memory_space<vmem>>
    tpu.enqueue_dma source(%dma_start3A_2017 : memref<2x18944xf32, #tpu.memory_space<vmem>>) target(%dma_start3A_2014 : memref<2x18944xf32, #tpu.memory_space<hbm>>) target_semaphore(%dma_start3A_2010 : memref<!tpu.dma_semaphore, #tpu.memory_space<semaphore_mem>>)
    %add3A_2018 = arith.constant 1 : i32
    %add3A_2019 = arith.addi %mul3A_2, %add3A_2018 : i32
    %jit3A_2020 = arith.constant 32 : i32
    %div3A_2021 = arith.divsi %add3A_2019, %jit3A_2020 : i32
    %sign3A_2022 = arith.constant 0 : i32
    %sign3A_2023 = arith.cmpi sgt, %add3A_2019, %sign3A_2022 : i32
    %sign3A_2024 = arith.extui %sign3A_2023 : i1 to i32
    %sign3A_2025 = arith.constant 0 : i32
    %sign3A_2026 = arith.cmpi slt, %add3A_2019, %sign3A_2025 : i32
    %sign3A_2027 = arith.extui %sign3A_2026 : i1 to i32
    %sign3A_2028 = arith.subi %sign3A_2024, %sign3A_2027 : i32
    %sign3A_2029 = arith.constant 0 : i32
    %sign3A_2030 = arith.cmpi sgt, %jit3A_2020, %sign3A_2029 : i32
    %sign3A_2031 = arith.extui %sign3A_2030 : i1 to i32
    %sign3A_2032 = arith.constant 0 : i32
    %sign3A_2033 = arith.cmpi slt, %jit3A_2020, %sign3A_2032 : i32
    %sign3A_2034 = arith.extui %sign3A_2033 : i1 to i32
    %sign3A_2035 = arith.subi %sign3A_2031, %sign3A_2034 : i32
    %ne3A_2036 = arith.cmpi ne, %sign3A_2028, %sign3A_2035 : i32
    %rem3A_2037 = arith.remsi %add3A_2019, %jit3A_2020 : i32
    %ne3A_2038 = arith.constant 0 : i32
    %ne3A_2039 = arith.cmpi ne, %rem3A_2037, %ne3A_2038 : i32
    %and3A_2040 = arith.andi %ne3A_2036, %ne3A_2039 : i1
    %sub3A_2041 = arith.constant 1 : i32
    %sub3A_2042 = arith.subi %div3A_2021, %sub3A_2041 : i32
    %select_n3A_2043 = arith.select %and3A_2040, %sub3A_2042, %div3A_2021 : i32
    %rem3A_2044 = arith.constant 32 : i32
    %rem3A_2045 = arith.remsi %add3A_2019, %rem3A_2044 : i32
    %dma_wait3A_2046 = arith.constant 1 : i32
    %dma_wait3A_2047 = arith.constant 0 : i32
    %dma_wait3A_2048 = arith.constant 0 : i32
    %dma_wait3A_2049 = tpu.memref_slice %arg5[%dma_wait3A_2047, %dma_wait3A_2048] : memref<2x19072xf32, #tpu.memory_space<vmem>> -> memref<2x18944xf32, #tpu.memory_space<vmem>>
    %dma_wait3A_2050 = arith.constant 0 : i32
    %dma_wait3A_2051 = arith.constant 38144 : i32
    %dma_wait3A_2052 = tpu.memref_slice %arg3[%select_n3A_2043, %rem3A_2045, %dma_wait3A_2050, %dma_wait3A_2051] : memref<2x32x2x151808xf32, #tpu.memory_space<hbm>> -> memref<1x1x2x18944xf32, #tpu.memory_space<hbm>>
    %dma_wait3A_2053 = tpu.memref_squeeze %dma_wait3A_2052 : memref<1x1x2x18944xf32, #tpu.memory_space<hbm>> -> memref<2x18944xf32, #tpu.memory_space<hbm>>
    %dma_wait3A_2054 = tpu.memref_slice %arg8[%dma_wait3A_2046] : memref<3x!tpu.dma_semaphore, #tpu.memory_space<semaphore_mem>> -> memref<1x!tpu.dma_semaphore, #tpu.memory_space<semaphore_mem>>
    %dma_wait3A_2055 = tpu.memref_squeeze %dma_wait3A_2054 : memref<1x!tpu.dma_semaphore, #tpu.memory_space<semaphore_mem>> -> memref<!tpu.dma_semaphore, #tpu.memory_space<semaphore_mem>>
    %dma_wait3A_2056 = arith.constant 0 : i32
    %dma_wait3A_2057 = arith.constant 38144 : i32
    %dma_wait3A_2058 = tpu.memref_slice %arg3[%select_n3A_2043, %rem3A_2045, %dma_wait3A_2056, %dma_wait3A_2057] : memref<2x32x2x151808xf32, #tpu.memory_space<hbm>> -> memref<1x1x2x18944xf32, #tpu.memory_space<hbm>>
    %dma_wait3A_2059 = tpu.memref_squeeze %dma_wait3A_2058 : memref<1x1x2x18944xf32, #tpu.memory_space<hbm>> -> memref<2x18944xf32, #tpu.memory_space<hbm>>
    %dma_wait3A_2060 = arith.constant 0 : i32
    %dma_wait3A_2061 = arith.constant 0 : i32
    %dma_wait3A_2062 = tpu.memref_slice %arg5[%dma_wait3A_2060, %dma_wait3A_2061] : memref<2x19072xf32, #tpu.memory_space<vmem>> -> memref<2x18944xf32, #tpu.memory_space<vmem>>
    tpu.wait_dma2 semaphore(%dma_wait3A_2055 : memref<!tpu.dma_semaphore, #tpu.memory_space<semaphore_mem>>) src(%dma_wait3A_2062 : memref<2x18944xf32, #tpu.memory_space<vmem>>) dst(%dma_wait3A_2059 : memref<2x18944xf32, #tpu.memory_space<hbm>>)
    %add3A_2063 = arith.constant 1 : i32
    %add3A_2064 = arith.addi %mul3A_2, %add3A_2063 : i32
    %jit3A_2065 = arith.constant 32 : i32
    %div3A_2066 = arith.divsi %add3A_2064, %jit3A_2065 : i32
    %sign3A_2067 = arith.constant 0 : i32
    %sign3A_2068 = arith.cmpi sgt, %add3A_2064, %sign3A_2067 : i32
    %sign3A_2069 = arith.extui %sign3A_2068 : i1 to i32
    %sign3A_2070 = arith.constant 0 : i32
    %sign3A_2071 = arith.cmpi slt, %add3A_2064, %sign3A_2070 : i32
    %sign3A_2072 = arith.extui %sign3A_2071 : i1 to i32
    %sign3A_2073 = arith.subi %sign3A_2069, %sign3A_2072 : i32
    %sign3A_2074 = arith.constant 0 : i32
    %sign3A_2075 = arith.cmpi sgt, %jit3A_2065, %sign3A_2074 : i32
    %sign3A_2076 = arith.extui %sign3A_2075 : i1 to i32
    %sign3A_2077 = arith.constant 0 : i32
    %sign3A_2078 = arith.cmpi slt, %jit3A_2065, %sign3A_2077 : i32
    %sign3A_2079 = arith.extui %sign3A_2078 : i1 to i32
    %sign3A_2080 = arith.subi %sign3A_2076, %sign3A_2079 : i32
    %ne3A_2081 = arith.cmpi ne, %sign3A_2073, %sign3A_2080 : i32
    %rem3A_2082 = arith.remsi %add3A_2064, %jit3A_2065 : i32
    %ne3A_2083 = arith.constant 0 : i32
    %ne3A_2084 = arith.cmpi ne, %rem3A_2082, %ne3A_2083 : i32
    %and3A_2085 = arith.andi %ne3A_2081, %ne3A_2084 : i1
    %sub3A_2086 = arith.constant 1 : i32
    %sub3A_2087 = arith.subi %div3A_2066, %sub3A_2086 : i32
    %select_n3A_2088 = arith.select %and3A_2085, %sub3A_2087, %div3A_2066 : i32
    %rem3A_2089 = arith.constant 32 : i32
    %rem3A_2090 = arith.remsi %add3A_2064, %rem3A_2089 : i32
    %dma_start3A_2091 = arith.constant 1 : i32
    %dma_start3A_2092 = arith.constant 0 : i32
    %dma_start3A_2093 = arith.constant 0 : i32
    %dma_start3A_2094 = tpu.memref_slice %arg5[%dma_start3A_2092, %dma_start3A_2093] : memref<2x19072xf32, #tpu.memory_space<vmem>> -> memref<2x18944xf32, #tpu.memory_space<vmem>>
    %dma_start3A_2095 = arith.constant 0 : i32
    %dma_start3A_2096 = arith.constant 94976 : i32
    %dma_start3A_2097 = tpu.memref_slice %arg2[%select_n3A_2088, %rem3A_2090, %dma_start3A_2095, %dma_start3A_2096] : memref<2x32x2x160000xf32, #tpu.memory_space<hbm>> -> memref<1x1x2x18944xf32, #tpu.memory_space<hbm>>
    %dma_start3A_2098 = tpu.memref_squeeze %dma_start3A_2097 : memref<1x1x2x18944xf32, #tpu.memory_space<hbm>> -> memref<2x18944xf32, #tpu.memory_space<hbm>>
    %dma_start3A_2099 = tpu.memref_slice %arg7[%dma_start3A_2091] : memref<3x!tpu.dma_semaphore, #tpu.memory_space<semaphore_mem>> -> memref<1x!tpu.dma_semaphore, #tpu.memory_space<semaphore_mem>>
    %dma_start3A_2100 = tpu.memref_squeeze %dma_start3A_2099 : memref<1x!tpu.dma_semaphore, #tpu.memory_space<semaphore_mem>> -> memref<!tpu.dma_semaphore, #tpu.memory_space<semaphore_mem>>
    %dma_start3A_2101 = arith.constant 0 : i32
    %dma_start3A_2102 = arith.constant 0 : i32
    %dma_start3A_2103 = tpu.memref_slice %arg5[%dma_start3A_2101, %dma_start3A_2102] : memref<2x19072xf32, #tpu.memory_space<vmem>> -> memref<2x18944xf32, #tpu.memory_space<vmem>>
    %dma_start3A_2104 = arith.constant 0 : i32
    %dma_start3A_2105 = arith.constant 94976 : i32
    %dma_start3A_2106 = tpu.memref_slice %arg2[%select_n3A_2088, %rem3A_2090, %dma_start3A_2104, %dma_start3A_2105] : memref<2x32x2x160000xf32, #tpu.memory_space<hbm>> -> memref<1x1x2x18944xf32, #tpu.memory_space<hbm>>
    %dma_start3A_2107 = tpu.memref_squeeze %dma_start3A_2106 : memref<1x1x2x18944xf32, #tpu.memory_space<hbm>> -> memref<2x18944xf32, #tpu.memory_space<hbm>>
    tpu.enqueue_dma source(%dma_start3A_2107 : memref<2x18944xf32, #tpu.memory_space<hbm>>) target(%dma_start3A_2103 : memref<2x18944xf32, #tpu.memory_space<vmem>>) target_semaphore(%dma_start3A_2100 : memref<!tpu.dma_semaphore, #tpu.memory_space<semaphore_mem>>)
    %add3A_2108 = arith.constant 1 : i32
    %add3A_2109 = arith.addi %mul3A_2, %add3A_2108 : i32
    %jit3A_2110 = arith.constant 32 : i32
    %div3A_2111 = arith.divsi %add3A_2109, %jit3A_2110 : i32
    %sign3A_2112 = arith.constant 0 : i32
    %sign3A_2113 = arith.cmpi sgt, %add3A_2109, %sign3A_2112 : i32
    %sign3A_2114 = arith.extui %sign3A_2113 : i1 to i32
    %sign3A_2115 = arith.constant 0 : i32
    %sign3A_2116 = arith.cmpi slt, %add3A_2109, %sign3A_2115 : i32
    %sign3A_2117 = arith.extui %sign3A_2116 : i1 to i32
    %sign3A_2118 = arith.subi %sign3A_2114, %sign3A_2117 : i32
    %sign3A_2119 = arith.constant 0 : i32
    %sign3A_2120 = arith.cmpi sgt, %jit3A_2110, %sign3A_2119 : i32
    %sign3A_2121 = arith.extui %sign3A_2120 : i1 to i32
    %sign3A_2122 = arith.constant 0 : i32
    %sign3A_2123 = arith.cmpi slt, %jit3A_2110, %sign3A_2122 : i32
    %sign3A_2124 = arith.extui %sign3A_2123 : i1 to i32
    %sign3A_2125 = arith.subi %sign3A_2121, %sign3A_2124 : i32
    %ne3A_2126 = arith.cmpi ne, %sign3A_2118, %sign3A_2125 : i32
    %rem3A_2127 = arith.remsi %add3A_2109, %jit3A_2110 : i32
    %ne3A_2128 = arith.constant 0 : i32
    %ne3A_2129 = arith.cmpi ne, %rem3A_2127, %ne3A_2128 : i32
    %and3A_2130 = arith.andi %ne3A_2126, %ne3A_2129 : i1
    %sub3A_2131 = arith.constant 1 : i32
    %sub3A_2132 = arith.subi %div3A_2111, %sub3A_2131 : i32
    %select_n3A_2133 = arith.select %and3A_2130, %sub3A_2132, %div3A_2111 : i32
    %rem3A_2134 = arith.constant 32 : i32
    %rem3A_2135 = arith.remsi %add3A_2109, %rem3A_2134 : i32
    %dma_wait3A_2136 = arith.constant 2 : i32
    %dma_wait3A_2137 = arith.constant 0 : i32
    %dma_wait3A_2138 = arith.constant 0 : i32
    %dma_wait3A_2139 = tpu.memref_slice %arg6[%dma_wait3A_2137, %dma_wait3A_2138] : memref<2x19072xf32, #tpu.memory_space<vmem>> -> memref<2x18944xf32, #tpu.memory_space<vmem>>
    %dma_wait3A_2140 = arith.constant 0 : i32
    %dma_wait3A_2141 = arith.constant 57088 : i32
    %dma_wait3A_2142 = tpu.memref_slice %arg2[%select_n3A_2133, %rem3A_2135, %dma_wait3A_2140, %dma_wait3A_2141] : memref<2x32x2x160000xf32, #tpu.memory_space<hbm>> -> memref<1x1x2x18944xf32, #tpu.memory_space<hbm>>
    %dma_wait3A_2143 = tpu.memref_squeeze %dma_wait3A_2142 : memref<1x1x2x18944xf32, #tpu.memory_space<hbm>> -> memref<2x18944xf32, #tpu.memory_space<hbm>>
    %dma_wait3A_2144 = tpu.memref_slice %arg7[%dma_wait3A_2136] : memref<3x!tpu.dma_semaphore, #tpu.memory_space<semaphore_mem>> -> memref<1x!tpu.dma_semaphore, #tpu.memory_space<semaphore_mem>>
    %dma_wait3A_2145 = tpu.memref_squeeze %dma_wait3A_2144 : memref<1x!tpu.dma_semaphore, #tpu.memory_space<semaphore_mem>> -> memref<!tpu.dma_semaphore, #tpu.memory_space<semaphore_mem>>
    %dma_wait3A_2146 = arith.constant 0 : i32
    %dma_wait3A_2147 = arith.constant 0 : i32
    %dma_wait3A_2148 = tpu.memref_slice %arg6[%dma_wait3A_2146, %dma_wait3A_2147] : memref<2x19072xf32, #tpu.memory_space<vmem>> -> memref<2x18944xf32, #tpu.memory_space<vmem>>
    %dma_wait3A_2149 = arith.constant 0 : i32
    %dma_wait3A_2150 = arith.constant 57088 : i32
    %dma_wait3A_2151 = tpu.memref_slice %arg2[%select_n3A_2133, %rem3A_2135, %dma_wait3A_2149, %dma_wait3A_2150] : memref<2x32x2x160000xf32, #tpu.memory_space<hbm>> -> memref<1x1x2x18944xf32, #tpu.memory_space<hbm>>
    %dma_wait3A_2152 = tpu.memref_squeeze %dma_wait3A_2151 : memref<1x1x2x18944xf32, #tpu.memory_space<hbm>> -> memref<2x18944xf32, #tpu.memory_space<hbm>>
    tpu.wait_dma2 semaphore(%dma_wait3A_2145 : memref<!tpu.dma_semaphore, #tpu.memory_space<semaphore_mem>>) src(%dma_wait3A_2152 : memref<2x18944xf32, #tpu.memory_space<hbm>>) dst(%dma_wait3A_2148 : memref<2x18944xf32, #tpu.memory_space<vmem>>)
    %add3A_2153 = arith.constant 1 : i32
    %add3A_2154 = arith.addi %mul3A_2, %add3A_2153 : i32
    %jit3A_2155 = arith.constant 32 : i32
    %div3A_2156 = arith.divsi %add3A_2154, %jit3A_2155 : i32
    %sign3A_2157 = arith.constant 0 : i32
    %sign3A_2158 = arith.cmpi sgt, %add3A_2154, %sign3A_2157 : i32
    %sign3A_2159 = arith.extui %sign3A_2158 : i1 to i32
    %sign3A_2160 = arith.constant 0 : i32
    %sign3A_2161 = arith.cmpi slt, %add3A_2154, %sign3A_2160 : i32
    %sign3A_2162 = arith.extui %sign3A_2161 : i1 to i32
    %sign3A_2163 = arith.subi %sign3A_2159, %sign3A_2162 : i32
    %sign3A_2164 = arith.constant 0 : i32
    %sign3A_2165 = arith.cmpi sgt, %jit3A_2155, %sign3A_2164 : i32
    %sign3A_2166 = arith.extui %sign3A_2165 : i1 to i32
    %sign3A_2167 = arith.constant 0 : i32
    %sign3A_2168 = arith.cmpi slt, %jit3A_2155, %sign3A_2167 : i32
    %sign3A_2169 = arith.extui %sign3A_2168 : i1 to i32
    %sign3A_2170 = arith.subi %sign3A_2166, %sign3A_2169 : i32
    %ne3A_2171 = arith.cmpi ne, %sign3A_2163, %sign3A_2170 : i32
    %rem3A_2172 = arith.remsi %add3A_2154, %jit3A_2155 : i32
    %ne3A_2173 = arith.constant 0 : i32
    %ne3A_2174 = arith.cmpi ne, %rem3A_2172, %ne3A_2173 : i32
    %and3A_2175 = arith.andi %ne3A_2171, %ne3A_2174 : i1
    %sub3A_2176 = arith.constant 1 : i32
    %sub3A_2177 = arith.subi %div3A_2156, %sub3A_2176 : i32
    %select_n3A_2178 = arith.select %and3A_2175, %sub3A_2177, %div3A_2156 : i32
    %rem3A_2179 = arith.constant 32 : i32
    %rem3A_2180 = arith.remsi %add3A_2154, %rem3A_2179 : i32
    %dma_start3A_2181 = arith.constant 2 : i32
    %dma_start3A_2182 = arith.constant 0 : i32
    %dma_start3A_2183 = arith.constant 0 : i32
    %dma_start3A_2184 = tpu.memref_slice %arg6[%dma_start3A_2182, %dma_start3A_2183] : memref<2x19072xf32, #tpu.memory_space<vmem>> -> memref<2x18944xf32, #tpu.memory_space<vmem>>
    %dma_start3A_2185 = arith.constant 0 : i32
    %dma_start3A_2186 = arith.constant 57088 : i32
    %dma_start3A_2187 = tpu.memref_slice %arg3[%select_n3A_2178, %rem3A_2180, %dma_start3A_2185, %dma_start3A_2186] : memref<2x32x2x151808xf32, #tpu.memory_space<hbm>> -> memref<1x1x2x18944xf32, #tpu.memory_space<hbm>>
    %dma_start3A_2188 = tpu.memref_squeeze %dma_start3A_2187 : memref<1x1x2x18944xf32, #tpu.memory_space<hbm>> -> memref<2x18944xf32, #tpu.memory_space<hbm>>
    %dma_start3A_2189 = tpu.memref_slice %arg8[%dma_start3A_2181] : memref<3x!tpu.dma_semaphore, #tpu.memory_space<semaphore_mem>> -> memref<1x!tpu.dma_semaphore, #tpu.memory_space<semaphore_mem>>
    %dma_start3A_2190 = tpu.memref_squeeze %dma_start3A_2189 : memref<1x!tpu.dma_semaphore, #tpu.memory_space<semaphore_mem>> -> memref<!tpu.dma_semaphore, #tpu.memory_space<semaphore_mem>>
    %dma_start3A_2191 = arith.constant 0 : i32
    %dma_start3A_2192 = arith.constant 57088 : i32
    %dma_start3A_2193 = tpu.memref_slice %arg3[%select_n3A_2178, %rem3A_2180, %dma_start3A_2191, %dma_start3A_2192] : memref<2x32x2x151808xf32, #tpu.memory_space<hbm>> -> memref<1x1x2x18944xf32, #tpu.memory_space<hbm>>
    %dma_start3A_2194 = tpu.memref_squeeze %dma_start3A_2193 : memref<1x1x2x18944xf32, #tpu.memory_space<hbm>> -> memref<2x18944xf32, #tpu.memory_space<hbm>>
    %dma_start3A_2195 = arith.constant 0 : i32
    %dma_start3A_2196 = arith.constant 0 : i32
    %dma_start3A_2197 = tpu.memref_slice %arg6[%dma_start3A_2195, %dma_start3A_2196] : memref<2x19072xf32, #tpu.memory_space<vmem>> -> memref<2x18944xf32, #tpu.memory_space<vmem>>
    tpu.enqueue_dma source(%dma_start3A_2197 : memref<2x18944xf32, #tpu.memory_space<vmem>>) target(%dma_start3A_2194 : memref<2x18944xf32, #tpu.memory_space<hbm>>) target_semaphore(%dma_start3A_2190 : memref<!tpu.dma_semaphore, #tpu.memory_space<semaphore_mem>>)
    %add3A_2198 = arith.constant 1 : i32
    %add3A_2199 = arith.addi %mul3A_2, %add3A_2198 : i32
    %jit3A_2200 = arith.constant 32 : i32
    %div3A_2201 = arith.divsi %add3A_2199, %jit3A_2200 : i32
    %sign3A_2202 = arith.constant 0 : i32
    %sign3A_2203 = arith.cmpi sgt, %add3A_2199, %sign3A_2202 : i32
    %sign3A_2204 = arith.extui %sign3A_2203 : i1 to i32
    %sign3A_2205 = arith.constant 0 : i32
    %sign3A_2206 = arith.cmpi slt, %add3A_2199, %sign3A_2205 : i32
    %sign3A_2207 = arith.extui %sign3A_2206 : i1 to i32
    %sign3A_2208 = arith.subi %sign3A_2204, %sign3A_2207 : i32
    %sign3A_2209 = arith.constant 0 : i32
    %sign3A_2210 = arith.cmpi sgt, %jit3A_2200, %sign3A_2209 : i32
    %sign3A_2211 = arith.extui %sign3A_2210 : i1 to i32
    %sign3A_2212 = arith.constant 0 : i32
    %sign3A_2213 = arith.cmpi slt, %jit3A_2200, %sign3A_2212 : i32
    %sign3A_2214 = arith.extui %sign3A_2213 : i1 to i32
    %sign3A_2215 = arith.subi %sign3A_2211, %sign3A_2214 : i32
    %ne3A_2216 = arith.cmpi ne, %sign3A_2208, %sign3A_2215 : i32
    %rem3A_2217 = arith.remsi %add3A_2199, %jit3A_2200 : i32
    %ne3A_2218 = arith.constant 0 : i32
    %ne3A_2219 = arith.cmpi ne, %rem3A_2217, %ne3A_2218 : i32
    %and3A_2220 = arith.andi %ne3A_2216, %ne3A_2219 : i1
    %sub3A_2221 = arith.constant 1 : i32
    %sub3A_2222 = arith.subi %div3A_2201, %sub3A_2221 : i32
    %select_n3A_2223 = arith.select %and3A_2220, %sub3A_2222, %div3A_2201 : i32
    %rem3A_2224 = arith.constant 32 : i32
    %rem3A_2225 = arith.remsi %add3A_2199, %rem3A_2224 : i32
    %dma_wait3A_2226 = arith.constant 2 : i32
    %dma_wait3A_2227 = arith.constant 0 : i32
    %dma_wait3A_2228 = arith.constant 0 : i32
    %dma_wait3A_2229 = tpu.memref_slice %arg6[%dma_wait3A_2227, %dma_wait3A_2228] : memref<2x19072xf32, #tpu.memory_space<vmem>> -> memref<2x18944xf32, #tpu.memory_space<vmem>>
    %dma_wait3A_2230 = arith.constant 0 : i32
    %dma_wait3A_2231 = arith.constant 57088 : i32
    %dma_wait3A_2232 = tpu.memref_slice %arg3[%select_n3A_2223, %rem3A_2225, %dma_wait3A_2230, %dma_wait3A_2231] : memref<2x32x2x151808xf32, #tpu.memory_space<hbm>> -> memref<1x1x2x18944xf32, #tpu.memory_space<hbm>>
    %dma_wait3A_2233 = tpu.memref_squeeze %dma_wait3A_2232 : memref<1x1x2x18944xf32, #tpu.memory_space<hbm>> -> memref<2x18944xf32, #tpu.memory_space<hbm>>
    %dma_wait3A_2234 = tpu.memref_slice %arg8[%dma_wait3A_2226] : memref<3x!tpu.dma_semaphore, #tpu.memory_space<semaphore_mem>> -> memref<1x!tpu.dma_semaphore, #tpu.memory_space<semaphore_mem>>
    %dma_wait3A_2235 = tpu.memref_squeeze %dma_wait3A_2234 : memref<1x!tpu.dma_semaphore, #tpu.memory_space<semaphore_mem>> -> memref<!tpu.dma_semaphore, #tpu.memory_space<semaphore_mem>>
    %dma_wait3A_2236 = arith.constant 0 : i32
    %dma_wait3A_2237 = arith.constant 57088 : i32
    %dma_wait3A_2238 = tpu.memref_slice %arg3[%select_n3A_2223, %rem3A_2225, %dma_wait3A_2236, %dma_wait3A_2237] : memref<2x32x2x151808xf32, #tpu.memory_space<hbm>> -> memref<1x1x2x18944xf32, #tpu.memory_space<hbm>>
    %dma_wait3A_2239 = tpu.memref_squeeze %dma_wait3A_2238 : memref<1x1x2x18944xf32, #tpu.memory_space<hbm>> -> memref<2x18944xf32, #tpu.memory_space<hbm>>
    %dma_wait3A_2240 = arith.constant 0 : i32
    %dma_wait3A_2241 = arith.constant 0 : i32
    %dma_wait3A_2242 = tpu.memref_slice %arg6[%dma_wait3A_2240, %dma_wait3A_2241] : memref<2x19072xf32, #tpu.memory_space<vmem>> -> memref<2x18944xf32, #tpu.memory_space<vmem>>
    tpu.wait_dma2 semaphore(%dma_wait3A_2235 : memref<!tpu.dma_semaphore, #tpu.memory_space<semaphore_mem>>) src(%dma_wait3A_2242 : memref<2x18944xf32, #tpu.memory_space<vmem>>) dst(%dma_wait3A_2239 : memref<2x18944xf32, #tpu.memory_space<hbm>>)
    %add3A_2243 = arith.constant 1 : i32
    %add3A_2244 = arith.addi %mul3A_2, %add3A_2243 : i32
    %jit3A_2245 = arith.constant 32 : i32
    %div3A_2246 = arith.divsi %add3A_2244, %jit3A_2245 : i32
    %sign3A_2247 = arith.constant 0 : i32
    %sign3A_2248 = arith.cmpi sgt, %add3A_2244, %sign3A_2247 : i32
    %sign3A_2249 = arith.extui %sign3A_2248 : i1 to i32
    %sign3A_2250 = arith.constant 0 : i32
    %sign3A_2251 = arith.cmpi slt, %add3A_2244, %sign3A_2250 : i32
    %sign3A_2252 = arith.extui %sign3A_2251 : i1 to i32
    %sign3A_2253 = arith.subi %sign3A_2249, %sign3A_2252 : i32
    %sign3A_2254 = arith.constant 0 : i32
    %sign3A_2255 = arith.cmpi sgt, %jit3A_2245, %sign3A_2254 : i32
    %sign3A_2256 = arith.extui %sign3A_2255 : i1 to i32
    %sign3A_2257 = arith.constant 0 : i32
    %sign3A_2258 = arith.cmpi slt, %jit3A_2245, %sign3A_2257 : i32
    %sign3A_2259 = arith.extui %sign3A_2258 : i1 to i32
    %sign3A_2260 = arith.subi %sign3A_2256, %sign3A_2259 : i32
    %ne3A_2261 = arith.cmpi ne, %sign3A_2253, %sign3A_2260 : i32
    %rem3A_2262 = arith.remsi %add3A_2244, %jit3A_2245 : i32
    %ne3A_2263 = arith.constant 0 : i32
    %ne3A_2264 = arith.cmpi ne, %rem3A_2262, %ne3A_2263 : i32
    %and3A_2265 = arith.andi %ne3A_2261, %ne3A_2264 : i1
    %sub3A_2266 = arith.constant 1 : i32
    %sub3A_2267 = arith.subi %div3A_2246, %sub3A_2266 : i32
    %select_n3A_2268 = arith.select %and3A_2265, %sub3A_2267, %div3A_2246 : i32
    %rem3A_2269 = arith.constant 32 : i32
    %rem3A_2270 = arith.remsi %add3A_2244, %rem3A_2269 : i32
    %dma_start3A_2271 = arith.constant 2 : i32
    %dma_start3A_2272 = arith.constant 0 : i32
    %dma_start3A_2273 = arith.constant 0 : i32
    %dma_start3A_2274 = tpu.memref_slice %arg6[%dma_start3A_2272, %dma_start3A_2273] : memref<2x19072xf32, #tpu.memory_space<vmem>> -> memref<2x18944xf32, #tpu.memory_space<vmem>>
    %dma_start3A_2275 = arith.constant 0 : i32
    %dma_start3A_2276 = arith.constant 113920 : i32
    %dma_start3A_2277 = tpu.memref_slice %arg2[%select_n3A_2268, %rem3A_2270, %dma_start3A_2275, %dma_start3A_2276] : memref<2x32x2x160000xf32, #tpu.memory_space<hbm>> -> memref<1x1x2x18944xf32, #tpu.memory_space<hbm>>
    %dma_start3A_2278 = tpu.memref_squeeze %dma_start3A_2277 : memref<1x1x2x18944xf32, #tpu.memory_space<hbm>> -> memref<2x18944xf32, #tpu.memory_space<hbm>>
    %dma_start3A_2279 = tpu.memref_slice %arg7[%dma_start3A_2271] : memref<3x!tpu.dma_semaphore, #tpu.memory_space<semaphore_mem>> -> memref<1x!tpu.dma_semaphore, #tpu.memory_space<semaphore_mem>>
    %dma_start3A_2280 = tpu.memref_squeeze %dma_start3A_2279 : memref<1x!tpu.dma_semaphore, #tpu.memory_space<semaphore_mem>> -> memref<!tpu.dma_semaphore, #tpu.memory_space<semaphore_mem>>
    %dma_start3A_2281 = arith.constant 0 : i32
    %dma_start3A_2282 = arith.constant 0 : i32
    %dma_start3A_2283 = tpu.memref_slice %arg6[%dma_start3A_2281, %dma_start3A_2282] : memref<2x19072xf32, #tpu.memory_space<vmem>> -> memref<2x18944xf32, #tpu.memory_space<vmem>>
    %dma_start3A_2284 = arith.constant 0 : i32
    %dma_start3A_2285 = arith.constant 113920 : i32
    %dma_start3A_2286 = tpu.memref_slice %arg2[%select_n3A_2268, %rem3A_2270, %dma_start3A_2284, %dma_start3A_2285] : memref<2x32x2x160000xf32, #tpu.memory_space<hbm>> -> memref<1x1x2x18944xf32, #tpu.memory_space<hbm>>
    %dma_start3A_2287 = tpu.memref_squeeze %dma_start3A_2286 : memref<1x1x2x18944xf32, #tpu.memory_space<hbm>> -> memref<2x18944xf32, #tpu.memory_space<hbm>>
    tpu.enqueue_dma source(%dma_start3A_2287 : memref<2x18944xf32, #tpu.memory_space<hbm>>) target(%dma_start3A_2283 : memref<2x18944xf32, #tpu.memory_space<vmem>>) target_semaphore(%dma_start3A_2280 : memref<!tpu.dma_semaphore, #tpu.memory_space<semaphore_mem>>)
    %add3A_2288 = arith.constant 1 : i32
    %add3A_2289 = arith.addi %mul3A_2, %add3A_2288 : i32
    %jit3A_2290 = arith.constant 32 : i32
    %div3A_2291 = arith.divsi %add3A_2289, %jit3A_2290 : i32
    %sign3A_2292 = arith.constant 0 : i32
    %sign3A_2293 = arith.cmpi sgt, %add3A_2289, %sign3A_2292 : i32
    %sign3A_2294 = arith.extui %sign3A_2293 : i1 to i32
    %sign3A_2295 = arith.constant 0 : i32
    %sign3A_2296 = arith.cmpi slt, %add3A_2289, %sign3A_2295 : i32
    %sign3A_2297 = arith.extui %sign3A_2296 : i1 to i32
    %sign3A_2298 = arith.subi %sign3A_2294, %sign3A_2297 : i32
    %sign3A_2299 = arith.constant 0 : i32
    %sign3A_2300 = arith.cmpi sgt, %jit3A_2290, %sign3A_2299 : i32
    %sign3A_2301 = arith.extui %sign3A_2300 : i1 to i32
    %sign3A_2302 = arith.constant 0 : i32
    %sign3A_2303 = arith.cmpi slt, %jit3A_2290, %sign3A_2302 : i32
    %sign3A_2304 = arith.extui %sign3A_2303 : i1 to i32
    %sign3A_2305 = arith.subi %sign3A_2301, %sign3A_2304 : i32
    %ne3A_2306 = arith.cmpi ne, %sign3A_2298, %sign3A_2305 : i32
    %rem3A_2307 = arith.remsi %add3A_2289, %jit3A_2290 : i32
    %ne3A_2308 = arith.constant 0 : i32
    %ne3A_2309 = arith.cmpi ne, %rem3A_2307, %ne3A_2308 : i32
    %and3A_2310 = arith.andi %ne3A_2306, %ne3A_2309 : i1
    %sub3A_2311 = arith.constant 1 : i32
    %sub3A_2312 = arith.subi %div3A_2291, %sub3A_2311 : i32
    %select_n3A_2313 = arith.select %and3A_2310, %sub3A_2312, %div3A_2291 : i32
    %rem3A_2314 = arith.constant 32 : i32
    %rem3A_2315 = arith.remsi %add3A_2289, %rem3A_2314 : i32
    %dma_wait3A_2316 = arith.constant 0 : i32
    %dma_wait3A_2317 = arith.constant 0 : i32
    %dma_wait3A_2318 = arith.constant 0 : i32
    %dma_wait3A_2319 = tpu.memref_slice %arg4[%dma_wait3A_2317, %dma_wait3A_2318] : memref<2x19072xf32, #tpu.memory_space<vmem>> -> memref<2x18944xf32, #tpu.memory_space<vmem>>
    %dma_wait3A_2320 = arith.constant 0 : i32
    %dma_wait3A_2321 = arith.constant 76032 : i32
    %dma_wait3A_2322 = tpu.memref_slice %arg2[%select_n3A_2313, %rem3A_2315, %dma_wait3A_2320, %dma_wait3A_2321] : memref<2x32x2x160000xf32, #tpu.memory_space<hbm>> -> memref<1x1x2x18944xf32, #tpu.memory_space<hbm>>
    %dma_wait3A_2323 = tpu.memref_squeeze %dma_wait3A_2322 : memref<1x1x2x18944xf32, #tpu.memory_space<hbm>> -> memref<2x18944xf32, #tpu.memory_space<hbm>>
    %dma_wait3A_2324 = tpu.memref_slice %arg7[%dma_wait3A_2316] : memref<3x!tpu.dma_semaphore, #tpu.memory_space<semaphore_mem>> -> memref<1x!tpu.dma_semaphore, #tpu.memory_space<semaphore_mem>>
    %dma_wait3A_2325 = tpu.memref_squeeze %dma_wait3A_2324 : memref<1x!tpu.dma_semaphore, #tpu.memory_space<semaphore_mem>> -> memref<!tpu.dma_semaphore, #tpu.memory_space<semaphore_mem>>
    %dma_wait3A_2326 = arith.constant 0 : i32
    %dma_wait3A_2327 = arith.constant 0 : i32
    %dma_wait3A_2328 = tpu.memref_slice %arg4[%dma_wait3A_2326, %dma_wait3A_2327] : memref<2x19072xf32, #tpu.memory_space<vmem>> -> memref<2x18944xf32, #tpu.memory_space<vmem>>
    %dma_wait3A_2329 = arith.constant 0 : i32
    %dma_wait3A_2330 = arith.constant 76032 : i32
    %dma_wait3A_2331 = tpu.memref_slice %arg2[%select_n3A_2313, %rem3A_2315, %dma_wait3A_2329, %dma_wait3A_2330] : memref<2x32x2x160000xf32, #tpu.memory_space<hbm>> -> memref<1x1x2x18944xf32, #tpu.memory_space<hbm>>
    %dma_wait3A_2332 = tpu.memref_squeeze %dma_wait3A_2331 : memref<1x1x2x18944xf32, #tpu.memory_space<hbm>> -> memref<2x18944xf32, #tpu.memory_space<hbm>>
    tpu.wait_dma2 semaphore(%dma_wait3A_2325 : memref<!tpu.dma_semaphore, #tpu.memory_space<semaphore_mem>>) src(%dma_wait3A_2332 : memref<2x18944xf32, #tpu.memory_space<hbm>>) dst(%dma_wait3A_2328 : memref<2x18944xf32, #tpu.memory_space<vmem>>)
    %add3A_2333 = arith.constant 1 : i32
    %add3A_2334 = arith.addi %mul3A_2, %add3A_2333 : i32
    %jit3A_2335 = arith.constant 32 : i32
    %div3A_2336 = arith.divsi %add3A_2334, %jit3A_2335 : i32
    %sign3A_2337 = arith.constant 0 : i32
    %sign3A_2338 = arith.cmpi sgt, %add3A_2334, %sign3A_2337 : i32
    %sign3A_2339 = arith.extui %sign3A_2338 : i1 to i32
    %sign3A_2340 = arith.constant 0 : i32
    %sign3A_2341 = arith.cmpi slt, %add3A_2334, %sign3A_2340 : i32
    %sign3A_2342 = arith.extui %sign3A_2341 : i1 to i32
    %sign3A_2343 = arith.subi %sign3A_2339, %sign3A_2342 : i32
    %sign3A_2344 = arith.constant 0 : i32
    %sign3A_2345 = arith.cmpi sgt, %jit3A_2335, %sign3A_2344 : i32
    %sign3A_2346 = arith.extui %sign3A_2345 : i1 to i32
    %sign3A_2347 = arith.constant 0 : i32
    %sign3A_2348 = arith.cmpi slt, %jit3A_2335, %sign3A_2347 : i32
    %sign3A_2349 = arith.extui %sign3A_2348 : i1 to i32
    %sign3A_2350 = arith.subi %sign3A_2346, %sign3A_2349 : i32
    %ne3A_2351 = arith.cmpi ne, %sign3A_2343, %sign3A_2350 : i32
    %rem3A_2352 = arith.remsi %add3A_2334, %jit3A_2335 : i32
    %ne3A_2353 = arith.constant 0 : i32
    %ne3A_2354 = arith.cmpi ne, %rem3A_2352, %ne3A_2353 : i32
    %and3A_2355 = arith.andi %ne3A_2351, %ne3A_2354 : i1
    %sub3A_2356 = arith.constant 1 : i32
    %sub3A_2357 = arith.subi %div3A_2336, %sub3A_2356 : i32
    %select_n3A_2358 = arith.select %and3A_2355, %sub3A_2357, %div3A_2336 : i32
    %rem3A_2359 = arith.constant 32 : i32
    %rem3A_2360 = arith.remsi %add3A_2334, %rem3A_2359 : i32
    %dma_start3A_2361 = arith.constant 0 : i32
    %dma_start3A_2362 = arith.constant 0 : i32
    %dma_start3A_2363 = arith.constant 0 : i32
    %dma_start3A_2364 = tpu.memref_slice %arg4[%dma_start3A_2362, %dma_start3A_2363] : memref<2x19072xf32, #tpu.memory_space<vmem>> -> memref<2x18944xf32, #tpu.memory_space<vmem>>
    %dma_start3A_2365 = arith.constant 0 : i32
    %dma_start3A_2366 = arith.constant 76032 : i32
    %dma_start3A_2367 = tpu.memref_slice %arg3[%select_n3A_2358, %rem3A_2360, %dma_start3A_2365, %dma_start3A_2366] : memref<2x32x2x151808xf32, #tpu.memory_space<hbm>> -> memref<1x1x2x18944xf32, #tpu.memory_space<hbm>>
    %dma_start3A_2368 = tpu.memref_squeeze %dma_start3A_2367 : memref<1x1x2x18944xf32, #tpu.memory_space<hbm>> -> memref<2x18944xf32, #tpu.memory_space<hbm>>
    %dma_start3A_2369 = tpu.memref_slice %arg8[%dma_start3A_2361] : memref<3x!tpu.dma_semaphore, #tpu.memory_space<semaphore_mem>> -> memref<1x!tpu.dma_semaphore, #tpu.memory_space<semaphore_mem>>
    %dma_start3A_2370 = tpu.memref_squeeze %dma_start3A_2369 : memref<1x!tpu.dma_semaphore, #tpu.memory_space<semaphore_mem>> -> memref<!tpu.dma_semaphore, #tpu.memory_space<semaphore_mem>>
    %dma_start3A_2371 = arith.constant 0 : i32
    %dma_start3A_2372 = arith.constant 76032 : i32
    %dma_start3A_2373 = tpu.memref_slice %arg3[%select_n3A_2358, %rem3A_2360, %dma_start3A_2371, %dma_start3A_2372] : memref<2x32x2x151808xf32, #tpu.memory_space<hbm>> -> memref<1x1x2x18944xf32, #tpu.memory_space<hbm>>
    %dma_start3A_2374 = tpu.memref_squeeze %dma_start3A_2373 : memref<1x1x2x18944xf32, #tpu.memory_space<hbm>> -> memref<2x18944xf32, #tpu.memory_space<hbm>>
    %dma_start3A_2375 = arith.constant 0 : i32
    %dma_start3A_2376 = arith.constant 0 : i32
    %dma_start3A_2377 = tpu.memref_slice %arg4[%dma_start3A_2375, %dma_start3A_2376] : memref<2x19072xf32, #tpu.memory_space<vmem>> -> memref<2x18944xf32, #tpu.memory_space<vmem>>
    tpu.enqueue_dma source(%dma_start3A_2377 : memref<2x18944xf32, #tpu.memory_space<vmem>>) target(%dma_start3A_2374 : memref<2x18944xf32, #tpu.memory_space<hbm>>) target_semaphore(%dma_start3A_2370 : memref<!tpu.dma_semaphore, #tpu.memory_space<semaphore_mem>>)
    %add3A_2378 = arith.constant 1 : i32
    %add3A_2379 = arith.addi %mul3A_2, %add3A_2378 : i32
    %jit3A_2380 = arith.constant 32 : i32
    %div3A_2381 = arith.divsi %add3A_2379, %jit3A_2380 : i32
    %sign3A_2382 = arith.constant 0 : i32
    %sign3A_2383 = arith.cmpi sgt, %add3A_2379, %sign3A_2382 : i32
    %sign3A_2384 = arith.extui %sign3A_2383 : i1 to i32
    %sign3A_2385 = arith.constant 0 : i32
    %sign3A_2386 = arith.cmpi slt, %add3A_2379, %sign3A_2385 : i32
    %sign3A_2387 = arith.extui %sign3A_2386 : i1 to i32
    %sign3A_2388 = arith.subi %sign3A_2384, %sign3A_2387 : i32
    %sign3A_2389 = arith.constant 0 : i32
    %sign3A_2390 = arith.cmpi sgt, %jit3A_2380, %sign3A_2389 : i32
    %sign3A_2391 = arith.extui %sign3A_2390 : i1 to i32
    %sign3A_2392 = arith.constant 0 : i32
    %sign3A_2393 = arith.cmpi slt, %jit3A_2380, %sign3A_2392 : i32
    %sign3A_2394 = arith.extui %sign3A_2393 : i1 to i32
    %sign3A_2395 = arith.subi %sign3A_2391, %sign3A_2394 : i32
    %ne3A_2396 = arith.cmpi ne, %sign3A_2388, %sign3A_2395 : i32
    %rem3A_2397 = arith.remsi %add3A_2379, %jit3A_2380 : i32
    %ne3A_2398 = arith.constant 0 : i32
    %ne3A_2399 = arith.cmpi ne, %rem3A_2397, %ne3A_2398 : i32
    %and3A_2400 = arith.andi %ne3A_2396, %ne3A_2399 : i1
    %sub3A_2401 = arith.constant 1 : i32
    %sub3A_2402 = arith.subi %div3A_2381, %sub3A_2401 : i32
    %select_n3A_2403 = arith.select %and3A_2400, %sub3A_2402, %div3A_2381 : i32
    %rem3A_2404 = arith.constant 32 : i32
    %rem3A_2405 = arith.remsi %add3A_2379, %rem3A_2404 : i32
    %dma_wait3A_2406 = arith.constant 0 : i32
    %dma_wait3A_2407 = arith.constant 0 : i32
    %dma_wait3A_2408 = arith.constant 0 : i32
    %dma_wait3A_2409 = tpu.memref_slice %arg4[%dma_wait3A_2407, %dma_wait3A_2408] : memref<2x19072xf32, #tpu.memory_space<vmem>> -> memref<2x18944xf32, #tpu.memory_space<vmem>>
    %dma_wait3A_2410 = arith.constant 0 : i32
    %dma_wait3A_2411 = arith.constant 76032 : i32
    %dma_wait3A_2412 = tpu.memref_slice %arg3[%select_n3A_2403, %rem3A_2405, %dma_wait3A_2410, %dma_wait3A_2411] : memref<2x32x2x151808xf32, #tpu.memory_space<hbm>> -> memref<1x1x2x18944xf32, #tpu.memory_space<hbm>>
    %dma_wait3A_2413 = tpu.memref_squeeze %dma_wait3A_2412 : memref<1x1x2x18944xf32, #tpu.memory_space<hbm>> -> memref<2x18944xf32, #tpu.memory_space<hbm>>
    %dma_wait3A_2414 = tpu.memref_slice %arg8[%dma_wait3A_2406] : memref<3x!tpu.dma_semaphore, #tpu.memory_space<semaphore_mem>> -> memref<1x!tpu.dma_semaphore, #tpu.memory_space<semaphore_mem>>
    %dma_wait3A_2415 = tpu.memref_squeeze %dma_wait3A_2414 : memref<1x!tpu.dma_semaphore, #tpu.memory_space<semaphore_mem>> -> memref<!tpu.dma_semaphore, #tpu.memory_space<semaphore_mem>>
    %dma_wait3A_2416 = arith.constant 0 : i32
    %dma_wait3A_2417 = arith.constant 76032 : i32
    %dma_wait3A_2418 = tpu.memref_slice %arg3[%select_n3A_2403, %rem3A_2405, %dma_wait3A_2416, %dma_wait3A_2417] : memref<2x32x2x151808xf32, #tpu.memory_space<hbm>> -> memref<1x1x2x18944xf32, #tpu.memory_space<hbm>>
    %dma_wait3A_2419 = tpu.memref_squeeze %dma_wait3A_2418 : memref<1x1x2x18944xf32, #tpu.memory_space<hbm>> -> memref<2x18944xf32, #tpu.memory_space<hbm>>
    %dma_wait3A_2420 = arith.constant 0 : i32
    %dma_wait3A_2421 = arith.constant 0 : i32
    %dma_wait3A_2422 = tpu.memref_slice %arg4[%dma_wait3A_2420, %dma_wait3A_2421] : memref<2x19072xf32, #tpu.memory_space<vmem>> -> memref<2x18944xf32, #tpu.memory_space<vmem>>
    tpu.wait_dma2 semaphore(%dma_wait3A_2415 : memref<!tpu.dma_semaphore, #tpu.memory_space<semaphore_mem>>) src(%dma_wait3A_2422 : memref<2x18944xf32, #tpu.memory_space<vmem>>) dst(%dma_wait3A_2419 : memref<2x18944xf32, #tpu.memory_space<hbm>>)
    %add3A_2423 = arith.constant 1 : i32
    %add3A_2424 = arith.addi %mul3A_2, %add3A_2423 : i32
    %jit3A_2425 = arith.constant 32 : i32
    %div3A_2426 = arith.divsi %add3A_2424, %jit3A_2425 : i32
    %sign3A_2427 = arith.constant 0 : i32
    %sign3A_2428 = arith.cmpi sgt, %add3A_2424, %sign3A_2427 : i32
    %sign3A_2429 = arith.extui %sign3A_2428 : i1 to i32
    %sign3A_2430 = arith.constant 0 : i32
    %sign3A_2431 = arith.cmpi slt, %add3A_2424, %sign3A_2430 : i32
    %sign3A_2432 = arith.extui %sign3A_2431 : i1 to i32
    %sign3A_2433 = arith.subi %sign3A_2429, %sign3A_2432 : i32
    %sign3A_2434 = arith.constant 0 : i32
    %sign3A_2435 = arith.cmpi sgt, %jit3A_2425, %sign3A_2434 : i32
    %sign3A_2436 = arith.extui %sign3A_2435 : i1 to i32
    %sign3A_2437 = arith.constant 0 : i32
    %sign3A_2438 = arith.cmpi slt, %jit3A_2425, %sign3A_2437 : i32
    %sign3A_2439 = arith.extui %sign3A_2438 : i1 to i32
    %sign3A_2440 = arith.subi %sign3A_2436, %sign3A_2439 : i32
    %ne3A_2441 = arith.cmpi ne, %sign3A_2433, %sign3A_2440 : i32
    %rem3A_2442 = arith.remsi %add3A_2424, %jit3A_2425 : i32
    %ne3A_2443 = arith.constant 0 : i32
    %ne3A_2444 = arith.cmpi ne, %rem3A_2442, %ne3A_2443 : i32
    %and3A_2445 = arith.andi %ne3A_2441, %ne3A_2444 : i1
    %sub3A_2446 = arith.constant 1 : i32
    %sub3A_2447 = arith.subi %div3A_2426, %sub3A_2446 : i32
    %select_n3A_2448 = arith.select %and3A_2445, %sub3A_2447, %div3A_2426 : i32
    %rem3A_2449 = arith.constant 32 : i32
    %rem3A_2450 = arith.remsi %add3A_2424, %rem3A_2449 : i32
    %dma_start3A_2451 = arith.constant 0 : i32
    %dma_start3A_2452 = arith.constant 0 : i32
    %dma_start3A_2453 = arith.constant 0 : i32
    %dma_start3A_2454 = tpu.memref_slice %arg4[%dma_start3A_2452, %dma_start3A_2453] : memref<2x19072xf32, #tpu.memory_space<vmem>> -> memref<2x18944xf32, #tpu.memory_space<vmem>>
    %dma_start3A_2455 = arith.constant 0 : i32
    %dma_start3A_2456 = arith.constant 132864 : i32
    %dma_start3A_2457 = tpu.memref_slice %arg2[%select_n3A_2448, %rem3A_2450, %dma_start3A_2455, %dma_start3A_2456] : memref<2x32x2x160000xf32, #tpu.memory_space<hbm>> -> memref<1x1x2x18944xf32, #tpu.memory_space<hbm>>
    %dma_start3A_2458 = tpu.memref_squeeze %dma_start3A_2457 : memref<1x1x2x18944xf32, #tpu.memory_space<hbm>> -> memref<2x18944xf32, #tpu.memory_space<hbm>>
    %dma_start3A_2459 = tpu.memref_slice %arg7[%dma_start3A_2451] : memref<3x!tpu.dma_semaphore, #tpu.memory_space<semaphore_mem>> -> memref<1x!tpu.dma_semaphore, #tpu.memory_space<semaphore_mem>>
    %dma_start3A_2460 = tpu.memref_squeeze %dma_start3A_2459 : memref<1x!tpu.dma_semaphore, #tpu.memory_space<semaphore_mem>> -> memref<!tpu.dma_semaphore, #tpu.memory_space<semaphore_mem>>
    %dma_start3A_2461 = arith.constant 0 : i32
    %dma_start3A_2462 = arith.constant 0 : i32
    %dma_start3A_2463 = tpu.memref_slice %arg4[%dma_start3A_2461, %dma_start3A_2462] : memref<2x19072xf32, #tpu.memory_space<vmem>> -> memref<2x18944xf32, #tpu.memory_space<vmem>>
    %dma_start3A_2464 = arith.constant 0 : i32
    %dma_start3A_2465 = arith.constant 132864 : i32
    %dma_start3A_2466 = tpu.memref_slice %arg2[%select_n3A_2448, %rem3A_2450, %dma_start3A_2464, %dma_start3A_2465] : memref<2x32x2x160000xf32, #tpu.memory_space<hbm>> -> memref<1x1x2x18944xf32, #tpu.memory_space<hbm>>
    %dma_start3A_2467 = tpu.memref_squeeze %dma_start3A_2466 : memref<1x1x2x18944xf32, #tpu.memory_space<hbm>> -> memref<2x18944xf32, #tpu.memory_space<hbm>>
    tpu.enqueue_dma source(%dma_start3A_2467 : memref<2x18944xf32, #tpu.memory_space<hbm>>) target(%dma_start3A_2463 : memref<2x18944xf32, #tpu.memory_space<vmem>>) target_semaphore(%dma_start3A_2460 : memref<!tpu.dma_semaphore, #tpu.memory_space<semaphore_mem>>)
    %add3A_2468 = arith.constant 1 : i32
    %add3A_2469 = arith.addi %mul3A_2, %add3A_2468 : i32
    %jit3A_2470 = arith.constant 32 : i32
    %div3A_2471 = arith.divsi %add3A_2469, %jit3A_2470 : i32
    %sign3A_2472 = arith.constant 0 : i32
    %sign3A_2473 = arith.cmpi sgt, %add3A_2469, %sign3A_2472 : i32
    %sign3A_2474 = arith.extui %sign3A_2473 : i1 to i32
    %sign3A_2475 = arith.constant 0 : i32
    %sign3A_2476 = arith.cmpi slt, %add3A_2469, %sign3A_2475 : i32
    %sign3A_2477 = arith.extui %sign3A_2476 : i1 to i32
    %sign3A_2478 = arith.subi %sign3A_2474, %sign3A_2477 : i32
    %sign3A_2479 = arith.constant 0 : i32
    %sign3A_2480 = arith.cmpi sgt, %jit3A_2470, %sign3A_2479 : i32
    %sign3A_2481 = arith.extui %sign3A_2480 : i1 to i32
    %sign3A_2482 = arith.constant 0 : i32
    %sign3A_2483 = arith.cmpi slt, %jit3A_2470, %sign3A_2482 : i32
    %sign3A_2484 = arith.extui %sign3A_2483 : i1 to i32
    %sign3A_2485 = arith.subi %sign3A_2481, %sign3A_2484 : i32
    %ne3A_2486 = arith.cmpi ne, %sign3A_2478, %sign3A_2485 : i32
    %rem3A_2487 = arith.remsi %add3A_2469, %jit3A_2470 : i32
    %ne3A_2488 = arith.constant 0 : i32
    %ne3A_2489 = arith.cmpi ne, %rem3A_2487, %ne3A_2488 : i32
    %and3A_2490 = arith.andi %ne3A_2486, %ne3A_2489 : i1
    %sub3A_2491 = arith.constant 1 : i32
    %sub3A_2492 = arith.subi %div3A_2471, %sub3A_2491 : i32
    %select_n3A_2493 = arith.select %and3A_2490, %sub3A_2492, %div3A_2471 : i32
    %rem3A_2494 = arith.constant 32 : i32
    %rem3A_2495 = arith.remsi %add3A_2469, %rem3A_2494 : i32
    %dma_wait3A_2496 = arith.constant 1 : i32
    %dma_wait3A_2497 = arith.constant 0 : i32
    %dma_wait3A_2498 = arith.constant 0 : i32
    %dma_wait3A_2499 = tpu.memref_slice %arg5[%dma_wait3A_2497, %dma_wait3A_2498] : memref<2x19072xf32, #tpu.memory_space<vmem>> -> memref<2x18944xf32, #tpu.memory_space<vmem>>
    %dma_wait3A_2500 = arith.constant 0 : i32
    %dma_wait3A_2501 = arith.constant 94976 : i32
    %dma_wait3A_2502 = tpu.memref_slice %arg2[%select_n3A_2493, %rem3A_2495, %dma_wait3A_2500, %dma_wait3A_2501] : memref<2x32x2x160000xf32, #tpu.memory_space<hbm>> -> memref<1x1x2x18944xf32, #tpu.memory_space<hbm>>
    %dma_wait3A_2503 = tpu.memref_squeeze %dma_wait3A_2502 : memref<1x1x2x18944xf32, #tpu.memory_space<hbm>> -> memref<2x18944xf32, #tpu.memory_space<hbm>>
    %dma_wait3A_2504 = tpu.memref_slice %arg7[%dma_wait3A_2496] : memref<3x!tpu.dma_semaphore, #tpu.memory_space<semaphore_mem>> -> memref<1x!tpu.dma_semaphore, #tpu.memory_space<semaphore_mem>>
    %dma_wait3A_2505 = tpu.memref_squeeze %dma_wait3A_2504 : memref<1x!tpu.dma_semaphore, #tpu.memory_space<semaphore_mem>> -> memref<!tpu.dma_semaphore, #tpu.memory_space<semaphore_mem>>
    %dma_wait3A_2506 = arith.constant 0 : i32
    %dma_wait3A_2507 = arith.constant 0 : i32
    %dma_wait3A_2508 = tpu.memref_slice %arg5[%dma_wait3A_2506, %dma_wait3A_2507] : memref<2x19072xf32, #tpu.memory_space<vmem>> -> memref<2x18944xf32, #tpu.memory_space<vmem>>
    %dma_wait3A_2509 = arith.constant 0 : i32
    %dma_wait3A_2510 = arith.constant 94976 : i32
    %dma_wait3A_2511 = tpu.memref_slice %arg2[%select_n3A_2493, %rem3A_2495, %dma_wait3A_2509, %dma_wait3A_2510] : memref<2x32x2x160000xf32, #tpu.memory_space<hbm>> -> memref<1x1x2x18944xf32, #tpu.memory_space<hbm>>
    %dma_wait3A_2512 = tpu.memref_squeeze %dma_wait3A_2511 : memref<1x1x2x18944xf32, #tpu.memory_space<hbm>> -> memref<2x18944xf32, #tpu.memory_space<hbm>>
    tpu.wait_dma2 semaphore(%dma_wait3A_2505 : memref<!tpu.dma_semaphore, #tpu.memory_space<semaphore_mem>>) src(%dma_wait3A_2512 : memref<2x18944xf32, #tpu.memory_space<hbm>>) dst(%dma_wait3A_2508 : memref<2x18944xf32, #tpu.memory_space<vmem>>)
    %add3A_2513 = arith.constant 1 : i32
    %add3A_2514 = arith.addi %mul3A_2, %add3A_2513 : i32
    %jit3A_2515 = arith.constant 32 : i32
    %div3A_2516 = arith.divsi %add3A_2514, %jit3A_2515 : i32
    %sign3A_2517 = arith.constant 0 : i32
    %sign3A_2518 = arith.cmpi sgt, %add3A_2514, %sign3A_2517 : i32
    %sign3A_2519 = arith.extui %sign3A_2518 : i1 to i32
    %sign3A_2520 = arith.constant 0 : i32
    %sign3A_2521 = arith.cmpi slt, %add3A_2514, %sign3A_2520 : i32
    %sign3A_2522 = arith.extui %sign3A_2521 : i1 to i32
    %sign3A_2523 = arith.subi %sign3A_2519, %sign3A_2522 : i32
    %sign3A_2524 = arith.constant 0 : i32
    %sign3A_2525 = arith.cmpi sgt, %jit3A_2515, %sign3A_2524 : i32
    %sign3A_2526 = arith.extui %sign3A_2525 : i1 to i32
    %sign3A_2527 = arith.constant 0 : i32
    %sign3A_2528 = arith.cmpi slt, %jit3A_2515, %sign3A_2527 : i32
    %sign3A_2529 = arith.extui %sign3A_2528 : i1 to i32
    %sign3A_2530 = arith.subi %sign3A_2526, %sign3A_2529 : i32
    %ne3A_2531 = arith.cmpi ne, %sign3A_2523, %sign3A_2530 : i32
    %rem3A_2532 = arith.remsi %add3A_2514, %jit3A_2515 : i32
    %ne3A_2533 = arith.constant 0 : i32
    %ne3A_2534 = arith.cmpi ne, %rem3A_2532, %ne3A_2533 : i32
    %and3A_2535 = arith.andi %ne3A_2531, %ne3A_2534 : i1
    %sub3A_2536 = arith.constant 1 : i32
    %sub3A_2537 = arith.subi %div3A_2516, %sub3A_2536 : i32
    %select_n3A_2538 = arith.select %and3A_2535, %sub3A_2537, %div3A_2516 : i32
    %rem3A_2539 = arith.constant 32 : i32
    %rem3A_2540 = arith.remsi %add3A_2514, %rem3A_2539 : i32
    %dma_start3A_2541 = arith.constant 1 : i32
    %dma_start3A_2542 = arith.constant 0 : i32
    %dma_start3A_2543 = arith.constant 0 : i32
    %dma_start3A_2544 = tpu.memref_slice %arg5[%dma_start3A_2542, %dma_start3A_2543] : memref<2x19072xf32, #tpu.memory_space<vmem>> -> memref<2x18944xf32, #tpu.memory_space<vmem>>
    %dma_start3A_2545 = arith.constant 0 : i32
    %dma_start3A_2546 = arith.constant 94976 : i32
    %dma_start3A_2547 = tpu.memref_slice %arg3[%select_n3A_2538, %rem3A_2540, %dma_start3A_2545, %dma_start3A_2546] : memref<2x32x2x151808xf32, #tpu.memory_space<hbm>> -> memref<1x1x2x18944xf32, #tpu.memory_space<hbm>>
    %dma_start3A_2548 = tpu.memref_squeeze %dma_start3A_2547 : memref<1x1x2x18944xf32, #tpu.memory_space<hbm>> -> memref<2x18944xf32, #tpu.memory_space<hbm>>
    %dma_start3A_2549 = tpu.memref_slice %arg8[%dma_start3A_2541] : memref<3x!tpu.dma_semaphore, #tpu.memory_space<semaphore_mem>> -> memref<1x!tpu.dma_semaphore, #tpu.memory_space<semaphore_mem>>
    %dma_start3A_2550 = tpu.memref_squeeze %dma_start3A_2549 : memref<1x!tpu.dma_semaphore, #tpu.memory_space<semaphore_mem>> -> memref<!tpu.dma_semaphore, #tpu.memory_space<semaphore_mem>>
    %dma_start3A_2551 = arith.constant 0 : i32
    %dma_start3A_2552 = arith.constant 94976 : i32
    %dma_start3A_2553 = tpu.memref_slice %arg3[%select_n3A_2538, %rem3A_2540, %dma_start3A_2551, %dma_start3A_2552] : memref<2x32x2x151808xf32, #tpu.memory_space<hbm>> -> memref<1x1x2x18944xf32, #tpu.memory_space<hbm>>
    %dma_start3A_2554 = tpu.memref_squeeze %dma_start3A_2553 : memref<1x1x2x18944xf32, #tpu.memory_space<hbm>> -> memref<2x18944xf32, #tpu.memory_space<hbm>>
    %dma_start3A_2555 = arith.constant 0 : i32
    %dma_start3A_2556 = arith.constant 0 : i32
    %dma_start3A_2557 = tpu.memref_slice %arg5[%dma_start3A_2555, %dma_start3A_2556] : memref<2x19072xf32, #tpu.memory_space<vmem>> -> memref<2x18944xf32, #tpu.memory_space<vmem>>
    tpu.enqueue_dma source(%dma_start3A_2557 : memref<2x18944xf32, #tpu.memory_space<vmem>>) target(%dma_start3A_2554 : memref<2x18944xf32, #tpu.memory_space<hbm>>) target_semaphore(%dma_start3A_2550 : memref<!tpu.dma_semaphore, #tpu.memory_space<semaphore_mem>>)
    %add3A_2558 = arith.constant 1 : i32
    %add3A_2559 = arith.addi %mul3A_2, %add3A_2558 : i32
    %jit3A_2560 = arith.constant 32 : i32
    %div3A_2561 = arith.divsi %add3A_2559, %jit3A_2560 : i32
    %sign3A_2562 = arith.constant 0 : i32
    %sign3A_2563 = arith.cmpi sgt, %add3A_2559, %sign3A_2562 : i32
    %sign3A_2564 = arith.extui %sign3A_2563 : i1 to i32
    %sign3A_2565 = arith.constant 0 : i32
    %sign3A_2566 = arith.cmpi slt, %add3A_2559, %sign3A_2565 : i32
    %sign3A_2567 = arith.extui %sign3A_2566 : i1 to i32
    %sign3A_2568 = arith.subi %sign3A_2564, %sign3A_2567 : i32
    %sign3A_2569 = arith.constant 0 : i32
    %sign3A_2570 = arith.cmpi sgt, %jit3A_2560, %sign3A_2569 : i32
    %sign3A_2571 = arith.extui %sign3A_2570 : i1 to i32
    %sign3A_2572 = arith.constant 0 : i32
    %sign3A_2573 = arith.cmpi slt, %jit3A_2560, %sign3A_2572 : i32
    %sign3A_2574 = arith.extui %sign3A_2573 : i1 to i32
    %sign3A_2575 = arith.subi %sign3A_2571, %sign3A_2574 : i32
    %ne3A_2576 = arith.cmpi ne, %sign3A_2568, %sign3A_2575 : i32
    %rem3A_2577 = arith.remsi %add3A_2559, %jit3A_2560 : i32
    %ne3A_2578 = arith.constant 0 : i32
    %ne3A_2579 = arith.cmpi ne, %rem3A_2577, %ne3A_2578 : i32
    %and3A_2580 = arith.andi %ne3A_2576, %ne3A_2579 : i1
    %sub3A_2581 = arith.constant 1 : i32
    %sub3A_2582 = arith.subi %div3A_2561, %sub3A_2581 : i32
    %select_n3A_2583 = arith.select %and3A_2580, %sub3A_2582, %div3A_2561 : i32
    %rem3A_2584 = arith.constant 32 : i32
    %rem3A_2585 = arith.remsi %add3A_2559, %rem3A_2584 : i32
    %dma_wait3A_2586 = arith.constant 2 : i32
    %dma_wait3A_2587 = arith.constant 0 : i32
    %dma_wait3A_2588 = arith.constant 0 : i32
    %dma_wait3A_2589 = tpu.memref_slice %arg6[%dma_wait3A_2587, %dma_wait3A_2588] : memref<2x19072xf32, #tpu.memory_space<vmem>> -> memref<2x18944xf32, #tpu.memory_space<vmem>>
    %dma_wait3A_2590 = arith.constant 0 : i32
    %dma_wait3A_2591 = arith.constant 113920 : i32
    %dma_wait3A_2592 = tpu.memref_slice %arg2[%select_n3A_2583, %rem3A_2585, %dma_wait3A_2590, %dma_wait3A_2591] : memref<2x32x2x160000xf32, #tpu.memory_space<hbm>> -> memref<1x1x2x18944xf32, #tpu.memory_space<hbm>>
    %dma_wait3A_2593 = tpu.memref_squeeze %dma_wait3A_2592 : memref<1x1x2x18944xf32, #tpu.memory_space<hbm>> -> memref<2x18944xf32, #tpu.memory_space<hbm>>
    %dma_wait3A_2594 = tpu.memref_slice %arg7[%dma_wait3A_2586] : memref<3x!tpu.dma_semaphore, #tpu.memory_space<semaphore_mem>> -> memref<1x!tpu.dma_semaphore, #tpu.memory_space<semaphore_mem>>
    %dma_wait3A_2595 = tpu.memref_squeeze %dma_wait3A_2594 : memref<1x!tpu.dma_semaphore, #tpu.memory_space<semaphore_mem>> -> memref<!tpu.dma_semaphore, #tpu.memory_space<semaphore_mem>>
    %dma_wait3A_2596 = arith.constant 0 : i32
    %dma_wait3A_2597 = arith.constant 0 : i32
    %dma_wait3A_2598 = tpu.memref_slice %arg6[%dma_wait3A_2596, %dma_wait3A_2597] : memref<2x19072xf32, #tpu.memory_space<vmem>> -> memref<2x18944xf32, #tpu.memory_space<vmem>>
    %dma_wait3A_2599 = arith.constant 0 : i32
    %dma_wait3A_2600 = arith.constant 113920 : i32
    %dma_wait3A_2601 = tpu.memref_slice %arg2[%select_n3A_2583, %rem3A_2585, %dma_wait3A_2599, %dma_wait3A_2600] : memref<2x32x2x160000xf32, #tpu.memory_space<hbm>> -> memref<1x1x2x18944xf32, #tpu.memory_space<hbm>>
    %dma_wait3A_2602 = tpu.memref_squeeze %dma_wait3A_2601 : memref<1x1x2x18944xf32, #tpu.memory_space<hbm>> -> memref<2x18944xf32, #tpu.memory_space<hbm>>
    tpu.wait_dma2 semaphore(%dma_wait3A_2595 : memref<!tpu.dma_semaphore, #tpu.memory_space<semaphore_mem>>) src(%dma_wait3A_2602 : memref<2x18944xf32, #tpu.memory_space<hbm>>) dst(%dma_wait3A_2598 : memref<2x18944xf32, #tpu.memory_space<vmem>>)
    %add3A_2603 = arith.constant 1 : i32
    %add3A_2604 = arith.addi %mul3A_2, %add3A_2603 : i32
    %jit3A_2605 = arith.constant 32 : i32
    %div3A_2606 = arith.divsi %add3A_2604, %jit3A_2605 : i32
    %sign3A_2607 = arith.constant 0 : i32
    %sign3A_2608 = arith.cmpi sgt, %add3A_2604, %sign3A_2607 : i32
    %sign3A_2609 = arith.extui %sign3A_2608 : i1 to i32
    %sign3A_2610 = arith.constant 0 : i32
    %sign3A_2611 = arith.cmpi slt, %add3A_2604, %sign3A_2610 : i32
    %sign3A_2612 = arith.extui %sign3A_2611 : i1 to i32
    %sign3A_2613 = arith.subi %sign3A_2609, %sign3A_2612 : i32
    %sign3A_2614 = arith.constant 0 : i32
    %sign3A_2615 = arith.cmpi sgt, %jit3A_2605, %sign3A_2614 : i32
    %sign3A_2616 = arith.extui %sign3A_2615 : i1 to i32
    %sign3A_2617 = arith.constant 0 : i32
    %sign3A_2618 = arith.cmpi slt, %jit3A_2605, %sign3A_2617 : i32
    %sign3A_2619 = arith.extui %sign3A_2618 : i1 to i32
    %sign3A_2620 = arith.subi %sign3A_2616, %sign3A_2619 : i32
    %ne3A_2621 = arith.cmpi ne, %sign3A_2613, %sign3A_2620 : i32
    %rem3A_2622 = arith.remsi %add3A_2604, %jit3A_2605 : i32
    %ne3A_2623 = arith.constant 0 : i32
    %ne3A_2624 = arith.cmpi ne, %rem3A_2622, %ne3A_2623 : i32
    %and3A_2625 = arith.andi %ne3A_2621, %ne3A_2624 : i1
    %sub3A_2626 = arith.constant 1 : i32
    %sub3A_2627 = arith.subi %div3A_2606, %sub3A_2626 : i32
    %select_n3A_2628 = arith.select %and3A_2625, %sub3A_2627, %div3A_2606 : i32
    %rem3A_2629 = arith.constant 32 : i32
    %rem3A_2630 = arith.remsi %add3A_2604, %rem3A_2629 : i32
    %dma_start3A_2631 = arith.constant 2 : i32
    %dma_start3A_2632 = arith.constant 0 : i32
    %dma_start3A_2633 = arith.constant 0 : i32
    %dma_start3A_2634 = tpu.memref_slice %arg6[%dma_start3A_2632, %dma_start3A_2633] : memref<2x19072xf32, #tpu.memory_space<vmem>> -> memref<2x18944xf32, #tpu.memory_space<vmem>>
    %dma_start3A_2635 = arith.constant 0 : i32
    %dma_start3A_2636 = arith.constant 113920 : i32
    %dma_start3A_2637 = tpu.memref_slice %arg3[%select_n3A_2628, %rem3A_2630, %dma_start3A_2635, %dma_start3A_2636] : memref<2x32x2x151808xf32, #tpu.memory_space<hbm>> -> memref<1x1x2x18944xf32, #tpu.memory_space<hbm>>
    %dma_start3A_2638 = tpu.memref_squeeze %dma_start3A_2637 : memref<1x1x2x18944xf32, #tpu.memory_space<hbm>> -> memref<2x18944xf32, #tpu.memory_space<hbm>>
    %dma_start3A_2639 = tpu.memref_slice %arg8[%dma_start3A_2631] : memref<3x!tpu.dma_semaphore, #tpu.memory_space<semaphore_mem>> -> memref<1x!tpu.dma_semaphore, #tpu.memory_space<semaphore_mem>>
    %dma_start3A_2640 = tpu.memref_squeeze %dma_start3A_2639 : memref<1x!tpu.dma_semaphore, #tpu.memory_space<semaphore_mem>> -> memref<!tpu.dma_semaphore, #tpu.memory_space<semaphore_mem>>
    %dma_start3A_2641 = arith.constant 0 : i32
    %dma_start3A_2642 = arith.constant 113920 : i32
    %dma_start3A_2643 = tpu.memref_slice %arg3[%select_n3A_2628, %rem3A_2630, %dma_start3A_2641, %dma_start3A_2642] : memref<2x32x2x151808xf32, #tpu.memory_space<hbm>> -> memref<1x1x2x18944xf32, #tpu.memory_space<hbm>>
    %dma_start3A_2644 = tpu.memref_squeeze %dma_start3A_2643 : memref<1x1x2x18944xf32, #tpu.memory_space<hbm>> -> memref<2x18944xf32, #tpu.memory_space<hbm>>
    %dma_start3A_2645 = arith.constant 0 : i32
    %dma_start3A_2646 = arith.constant 0 : i32
    %dma_start3A_2647 = tpu.memref_slice %arg6[%dma_start3A_2645, %dma_start3A_2646] : memref<2x19072xf32, #tpu.memory_space<vmem>> -> memref<2x18944xf32, #tpu.memory_space<vmem>>
    tpu.enqueue_dma source(%dma_start3A_2647 : memref<2x18944xf32, #tpu.memory_space<vmem>>) target(%dma_start3A_2644 : memref<2x18944xf32, #tpu.memory_space<hbm>>) target_semaphore(%dma_start3A_2640 : memref<!tpu.dma_semaphore, #tpu.memory_space<semaphore_mem>>)
    %add3A_2648 = arith.constant 1 : i32
    %add3A_2649 = arith.addi %mul3A_2, %add3A_2648 : i32
    %jit3A_2650 = arith.constant 32 : i32
    %div3A_2651 = arith.divsi %add3A_2649, %jit3A_2650 : i32
    %sign3A_2652 = arith.constant 0 : i32
    %sign3A_2653 = arith.cmpi sgt, %add3A_2649, %sign3A_2652 : i32
    %sign3A_2654 = arith.extui %sign3A_2653 : i1 to i32
    %sign3A_2655 = arith.constant 0 : i32
    %sign3A_2656 = arith.cmpi slt, %add3A_2649, %sign3A_2655 : i32
    %sign3A_2657 = arith.extui %sign3A_2656 : i1 to i32
    %sign3A_2658 = arith.subi %sign3A_2654, %sign3A_2657 : i32
    %sign3A_2659 = arith.constant 0 : i32
    %sign3A_2660 = arith.cmpi sgt, %jit3A_2650, %sign3A_2659 : i32
    %sign3A_2661 = arith.extui %sign3A_2660 : i1 to i32
    %sign3A_2662 = arith.constant 0 : i32
    %sign3A_2663 = arith.cmpi slt, %jit3A_2650, %sign3A_2662 : i32
    %sign3A_2664 = arith.extui %sign3A_2663 : i1 to i32
    %sign3A_2665 = arith.subi %sign3A_2661, %sign3A_2664 : i32
    %ne3A_2666 = arith.cmpi ne, %sign3A_2658, %sign3A_2665 : i32
    %rem3A_2667 = arith.remsi %add3A_2649, %jit3A_2650 : i32
    %ne3A_2668 = arith.constant 0 : i32
    %ne3A_2669 = arith.cmpi ne, %rem3A_2667, %ne3A_2668 : i32
    %and3A_2670 = arith.andi %ne3A_2666, %ne3A_2669 : i1
    %sub3A_2671 = arith.constant 1 : i32
    %sub3A_2672 = arith.subi %div3A_2651, %sub3A_2671 : i32
    %select_n3A_2673 = arith.select %and3A_2670, %sub3A_2672, %div3A_2651 : i32
    %rem3A_2674 = arith.constant 32 : i32
    %rem3A_2675 = arith.remsi %add3A_2649, %rem3A_2674 : i32
    %dma_wait3A_2676 = arith.constant 0 : i32
    %dma_wait3A_2677 = arith.constant 0 : i32
    %dma_wait3A_2678 = arith.constant 0 : i32
    %dma_wait3A_2679 = tpu.memref_slice %arg4[%dma_wait3A_2677, %dma_wait3A_2678] : memref<2x19072xf32, #tpu.memory_space<vmem>> -> memref<2x18944xf32, #tpu.memory_space<vmem>>
    %dma_wait3A_2680 = arith.constant 0 : i32
    %dma_wait3A_2681 = arith.constant 132864 : i32
    %dma_wait3A_2682 = tpu.memref_slice %arg2[%select_n3A_2673, %rem3A_2675, %dma_wait3A_2680, %dma_wait3A_2681] : memref<2x32x2x160000xf32, #tpu.memory_space<hbm>> -> memref<1x1x2x18944xf32, #tpu.memory_space<hbm>>
    %dma_wait3A_2683 = tpu.memref_squeeze %dma_wait3A_2682 : memref<1x1x2x18944xf32, #tpu.memory_space<hbm>> -> memref<2x18944xf32, #tpu.memory_space<hbm>>
    %dma_wait3A_2684 = tpu.memref_slice %arg7[%dma_wait3A_2676] : memref<3x!tpu.dma_semaphore, #tpu.memory_space<semaphore_mem>> -> memref<1x!tpu.dma_semaphore, #tpu.memory_space<semaphore_mem>>
    %dma_wait3A_2685 = tpu.memref_squeeze %dma_wait3A_2684 : memref<1x!tpu.dma_semaphore, #tpu.memory_space<semaphore_mem>> -> memref<!tpu.dma_semaphore, #tpu.memory_space<semaphore_mem>>
    %dma_wait3A_2686 = arith.constant 0 : i32
    %dma_wait3A_2687 = arith.constant 0 : i32
    %dma_wait3A_2688 = tpu.memref_slice %arg4[%dma_wait3A_2686, %dma_wait3A_2687] : memref<2x19072xf32, #tpu.memory_space<vmem>> -> memref<2x18944xf32, #tpu.memory_space<vmem>>
    %dma_wait3A_2689 = arith.constant 0 : i32
    %dma_wait3A_2690 = arith.constant 132864 : i32
    %dma_wait3A_2691 = tpu.memref_slice %arg2[%select_n3A_2673, %rem3A_2675, %dma_wait3A_2689, %dma_wait3A_2690] : memref<2x32x2x160000xf32, #tpu.memory_space<hbm>> -> memref<1x1x2x18944xf32, #tpu.memory_space<hbm>>
    %dma_wait3A_2692 = tpu.memref_squeeze %dma_wait3A_2691 : memref<1x1x2x18944xf32, #tpu.memory_space<hbm>> -> memref<2x18944xf32, #tpu.memory_space<hbm>>
    tpu.wait_dma2 semaphore(%dma_wait3A_2685 : memref<!tpu.dma_semaphore, #tpu.memory_space<semaphore_mem>>) src(%dma_wait3A_2692 : memref<2x18944xf32, #tpu.memory_space<hbm>>) dst(%dma_wait3A_2688 : memref<2x18944xf32, #tpu.memory_space<vmem>>)
    %add3A_2693 = arith.constant 1 : i32
    %add3A_2694 = arith.addi %mul3A_2, %add3A_2693 : i32
    %jit3A_2695 = arith.constant 32 : i32
    %div3A_2696 = arith.divsi %add3A_2694, %jit3A_2695 : i32
    %sign3A_2697 = arith.constant 0 : i32
    %sign3A_2698 = arith.cmpi sgt, %add3A_2694, %sign3A_2697 : i32
    %sign3A_2699 = arith.extui %sign3A_2698 : i1 to i32
    %sign3A_2700 = arith.constant 0 : i32
    %sign3A_2701 = arith.cmpi slt, %add3A_2694, %sign3A_2700 : i32
    %sign3A_2702 = arith.extui %sign3A_2701 : i1 to i32
    %sign3A_2703 = arith.subi %sign3A_2699, %sign3A_2702 : i32
    %sign3A_2704 = arith.constant 0 : i32
    %sign3A_2705 = arith.cmpi sgt, %jit3A_2695, %sign3A_2704 : i32
    %sign3A_2706 = arith.extui %sign3A_2705 : i1 to i32
    %sign3A_2707 = arith.constant 0 : i32
    %sign3A_2708 = arith.cmpi slt, %jit3A_2695, %sign3A_2707 : i32
    %sign3A_2709 = arith.extui %sign3A_2708 : i1 to i32
    %sign3A_2710 = arith.subi %sign3A_2706, %sign3A_2709 : i32
    %ne3A_2711 = arith.cmpi ne, %sign3A_2703, %sign3A_2710 : i32
    %rem3A_2712 = arith.remsi %add3A_2694, %jit3A_2695 : i32
    %ne3A_2713 = arith.constant 0 : i32
    %ne3A_2714 = arith.cmpi ne, %rem3A_2712, %ne3A_2713 : i32
    %and3A_2715 = arith.andi %ne3A_2711, %ne3A_2714 : i1
    %sub3A_2716 = arith.constant 1 : i32
    %sub3A_2717 = arith.subi %div3A_2696, %sub3A_2716 : i32
    %select_n3A_2718 = arith.select %and3A_2715, %sub3A_2717, %div3A_2696 : i32
    %rem3A_2719 = arith.constant 32 : i32
    %rem3A_2720 = arith.remsi %add3A_2694, %rem3A_2719 : i32
    %dma_start3A_2721 = arith.constant 0 : i32
    %dma_start3A_2722 = arith.constant 0 : i32
    %dma_start3A_2723 = arith.constant 0 : i32
    %dma_start3A_2724 = tpu.memref_slice %arg4[%dma_start3A_2722, %dma_start3A_2723] : memref<2x19072xf32, #tpu.memory_space<vmem>> -> memref<2x18944xf32, #tpu.memory_space<vmem>>
    %dma_start3A_2725 = arith.constant 0 : i32
    %dma_start3A_2726 = arith.constant 132864 : i32
    %dma_start3A_2727 = tpu.memref_slice %arg3[%select_n3A_2718, %rem3A_2720, %dma_start3A_2725, %dma_start3A_2726] : memref<2x32x2x151808xf32, #tpu.memory_space<hbm>> -> memref<1x1x2x18944xf32, #tpu.memory_space<hbm>>
    %dma_start3A_2728 = tpu.memref_squeeze %dma_start3A_2727 : memref<1x1x2x18944xf32, #tpu.memory_space<hbm>> -> memref<2x18944xf32, #tpu.memory_space<hbm>>
    %dma_start3A_2729 = tpu.memref_slice %arg8[%dma_start3A_2721] : memref<3x!tpu.dma_semaphore, #tpu.memory_space<semaphore_mem>> -> memref<1x!tpu.dma_semaphore, #tpu.memory_space<semaphore_mem>>
    %dma_start3A_2730 = tpu.memref_squeeze %dma_start3A_2729 : memref<1x!tpu.dma_semaphore, #tpu.memory_space<semaphore_mem>> -> memref<!tpu.dma_semaphore, #tpu.memory_space<semaphore_mem>>
    %dma_start3A_2731 = arith.constant 0 : i32
    %dma_start3A_2732 = arith.constant 132864 : i32
    %dma_start3A_2733 = tpu.memref_slice %arg3[%select_n3A_2718, %rem3A_2720, %dma_start3A_2731, %dma_start3A_2732] : memref<2x32x2x151808xf32, #tpu.memory_space<hbm>> -> memref<1x1x2x18944xf32, #tpu.memory_space<hbm>>
    %dma_start3A_2734 = tpu.memref_squeeze %dma_start3A_2733 : memref<1x1x2x18944xf32, #tpu.memory_space<hbm>> -> memref<2x18944xf32, #tpu.memory_space<hbm>>
    %dma_start3A_2735 = arith.constant 0 : i32
    %dma_start3A_2736 = arith.constant 0 : i32
    %dma_start3A_2737 = tpu.memref_slice %arg4[%dma_start3A_2735, %dma_start3A_2736] : memref<2x19072xf32, #tpu.memory_space<vmem>> -> memref<2x18944xf32, #tpu.memory_space<vmem>>
    tpu.enqueue_dma source(%dma_start3A_2737 : memref<2x18944xf32, #tpu.memory_space<vmem>>) target(%dma_start3A_2734 : memref<2x18944xf32, #tpu.memory_space<hbm>>) target_semaphore(%dma_start3A_2730 : memref<!tpu.dma_semaphore, #tpu.memory_space<semaphore_mem>>)
    %add3A_2738 = arith.constant 1 : i32
    %add3A_2739 = arith.addi %mul3A_2, %add3A_2738 : i32
    %jit3A_2740 = arith.constant 32 : i32
    %div3A_2741 = arith.divsi %add3A_2739, %jit3A_2740 : i32
    %sign3A_2742 = arith.constant 0 : i32
    %sign3A_2743 = arith.cmpi sgt, %add3A_2739, %sign3A_2742 : i32
    %sign3A_2744 = arith.extui %sign3A_2743 : i1 to i32
    %sign3A_2745 = arith.constant 0 : i32
    %sign3A_2746 = arith.cmpi slt, %add3A_2739, %sign3A_2745 : i32
    %sign3A_2747 = arith.extui %sign3A_2746 : i1 to i32
    %sign3A_2748 = arith.subi %sign3A_2744, %sign3A_2747 : i32
    %sign3A_2749 = arith.constant 0 : i32
    %sign3A_2750 = arith.cmpi sgt, %jit3A_2740, %sign3A_2749 : i32
    %sign3A_2751 = arith.extui %sign3A_2750 : i1 to i32
    %sign3A_2752 = arith.constant 0 : i32
    %sign3A_2753 = arith.cmpi slt, %jit3A_2740, %sign3A_2752 : i32
    %sign3A_2754 = arith.extui %sign3A_2753 : i1 to i32
    %sign3A_2755 = arith.subi %sign3A_2751, %sign3A_2754 : i32
    %ne3A_2756 = arith.cmpi ne, %sign3A_2748, %sign3A_2755 : i32
    %rem3A_2757 = arith.remsi %add3A_2739, %jit3A_2740 : i32
    %ne3A_2758 = arith.constant 0 : i32
    %ne3A_2759 = arith.cmpi ne, %rem3A_2757, %ne3A_2758 : i32
    %and3A_2760 = arith.andi %ne3A_2756, %ne3A_2759 : i1
    %sub3A_2761 = arith.constant 1 : i32
    %sub3A_2762 = arith.subi %div3A_2741, %sub3A_2761 : i32
    %select_n3A_2763 = arith.select %and3A_2760, %sub3A_2762, %div3A_2741 : i32
    %rem3A_2764 = arith.constant 32 : i32
    %rem3A_2765 = arith.remsi %add3A_2739, %rem3A_2764 : i32
    %dma_wait3A_2766 = arith.constant 1 : i32
    %dma_wait3A_2767 = arith.constant 0 : i32
    %dma_wait3A_2768 = arith.constant 0 : i32
    %dma_wait3A_2769 = tpu.memref_slice %arg5[%dma_wait3A_2767, %dma_wait3A_2768] : memref<2x19072xf32, #tpu.memory_space<vmem>> -> memref<2x18944xf32, #tpu.memory_space<vmem>>
    %dma_wait3A_2770 = arith.constant 0 : i32
    %dma_wait3A_2771 = arith.constant 94976 : i32
    %dma_wait3A_2772 = tpu.memref_slice %arg3[%select_n3A_2763, %rem3A_2765, %dma_wait3A_2770, %dma_wait3A_2771] : memref<2x32x2x151808xf32, #tpu.memory_space<hbm>> -> memref<1x1x2x18944xf32, #tpu.memory_space<hbm>>
    %dma_wait3A_2773 = tpu.memref_squeeze %dma_wait3A_2772 : memref<1x1x2x18944xf32, #tpu.memory_space<hbm>> -> memref<2x18944xf32, #tpu.memory_space<hbm>>
    %dma_wait3A_2774 = tpu.memref_slice %arg8[%dma_wait3A_2766] : memref<3x!tpu.dma_semaphore, #tpu.memory_space<semaphore_mem>> -> memref<1x!tpu.dma_semaphore, #tpu.memory_space<semaphore_mem>>
    %dma_wait3A_2775 = tpu.memref_squeeze %dma_wait3A_2774 : memref<1x!tpu.dma_semaphore, #tpu.memory_space<semaphore_mem>> -> memref<!tpu.dma_semaphore, #tpu.memory_space<semaphore_mem>>
    %dma_wait3A_2776 = arith.constant 0 : i32
    %dma_wait3A_2777 = arith.constant 94976 : i32
    %dma_wait3A_2778 = tpu.memref_slice %arg3[%select_n3A_2763, %rem3A_2765, %dma_wait3A_2776, %dma_wait3A_2777] : memref<2x32x2x151808xf32, #tpu.memory_space<hbm>> -> memref<1x1x2x18944xf32, #tpu.memory_space<hbm>>
    %dma_wait3A_2779 = tpu.memref_squeeze %dma_wait3A_2778 : memref<1x1x2x18944xf32, #tpu.memory_space<hbm>> -> memref<2x18944xf32, #tpu.memory_space<hbm>>
    %dma_wait3A_2780 = arith.constant 0 : i32
    %dma_wait3A_2781 = arith.constant 0 : i32
    %dma_wait3A_2782 = tpu.memref_slice %arg5[%dma_wait3A_2780, %dma_wait3A_2781] : memref<2x19072xf32, #tpu.memory_space<vmem>> -> memref<2x18944xf32, #tpu.memory_space<vmem>>
    tpu.wait_dma2 semaphore(%dma_wait3A_2775 : memref<!tpu.dma_semaphore, #tpu.memory_space<semaphore_mem>>) src(%dma_wait3A_2782 : memref<2x18944xf32, #tpu.memory_space<vmem>>) dst(%dma_wait3A_2779 : memref<2x18944xf32, #tpu.memory_space<hbm>>)
    %add3A_2783 = arith.constant 1 : i32
    %add3A_2784 = arith.addi %mul3A_2, %add3A_2783 : i32
    %jit3A_2785 = arith.constant 32 : i32
    %div3A_2786 = arith.divsi %add3A_2784, %jit3A_2785 : i32
    %sign3A_2787 = arith.constant 0 : i32
    %sign3A_2788 = arith.cmpi sgt, %add3A_2784, %sign3A_2787 : i32
    %sign3A_2789 = arith.extui %sign3A_2788 : i1 to i32
    %sign3A_2790 = arith.constant 0 : i32
    %sign3A_2791 = arith.cmpi slt, %add3A_2784, %sign3A_2790 : i32
    %sign3A_2792 = arith.extui %sign3A_2791 : i1 to i32
    %sign3A_2793 = arith.subi %sign3A_2789, %sign3A_2792 : i32
    %sign3A_2794 = arith.constant 0 : i32
    %sign3A_2795 = arith.cmpi sgt, %jit3A_2785, %sign3A_2794 : i32
    %sign3A_2796 = arith.extui %sign3A_2795 : i1 to i32
    %sign3A_2797 = arith.constant 0 : i32
    %sign3A_2798 = arith.cmpi slt, %jit3A_2785, %sign3A_2797 : i32
    %sign3A_2799 = arith.extui %sign3A_2798 : i1 to i32
    %sign3A_2800 = arith.subi %sign3A_2796, %sign3A_2799 : i32
    %ne3A_2801 = arith.cmpi ne, %sign3A_2793, %sign3A_2800 : i32
    %rem3A_2802 = arith.remsi %add3A_2784, %jit3A_2785 : i32
    %ne3A_2803 = arith.constant 0 : i32
    %ne3A_2804 = arith.cmpi ne, %rem3A_2802, %ne3A_2803 : i32
    %and3A_2805 = arith.andi %ne3A_2801, %ne3A_2804 : i1
    %sub3A_2806 = arith.constant 1 : i32
    %sub3A_2807 = arith.subi %div3A_2786, %sub3A_2806 : i32
    %select_n3A_2808 = arith.select %and3A_2805, %sub3A_2807, %div3A_2786 : i32
    %rem3A_2809 = arith.constant 32 : i32
    %rem3A_2810 = arith.remsi %add3A_2784, %rem3A_2809 : i32
    %dma_wait3A_2811 = arith.constant 2 : i32
    %dma_wait3A_2812 = arith.constant 0 : i32
    %dma_wait3A_2813 = arith.constant 0 : i32
    %dma_wait3A_2814 = tpu.memref_slice %arg6[%dma_wait3A_2812, %dma_wait3A_2813] : memref<2x19072xf32, #tpu.memory_space<vmem>> -> memref<2x18944xf32, #tpu.memory_space<vmem>>
    %dma_wait3A_2815 = arith.constant 0 : i32
    %dma_wait3A_2816 = arith.constant 113920 : i32
    %dma_wait3A_2817 = tpu.memref_slice %arg3[%select_n3A_2808, %rem3A_2810, %dma_wait3A_2815, %dma_wait3A_2816] : memref<2x32x2x151808xf32, #tpu.memory_space<hbm>> -> memref<1x1x2x18944xf32, #tpu.memory_space<hbm>>
    %dma_wait3A_2818 = tpu.memref_squeeze %dma_wait3A_2817 : memref<1x1x2x18944xf32, #tpu.memory_space<hbm>> -> memref<2x18944xf32, #tpu.memory_space<hbm>>
    %dma_wait3A_2819 = tpu.memref_slice %arg8[%dma_wait3A_2811] : memref<3x!tpu.dma_semaphore, #tpu.memory_space<semaphore_mem>> -> memref<1x!tpu.dma_semaphore, #tpu.memory_space<semaphore_mem>>
    %dma_wait3A_2820 = tpu.memref_squeeze %dma_wait3A_2819 : memref<1x!tpu.dma_semaphore, #tpu.memory_space<semaphore_mem>> -> memref<!tpu.dma_semaphore, #tpu.memory_space<semaphore_mem>>
    %dma_wait3A_2821 = arith.constant 0 : i32
    %dma_wait3A_2822 = arith.constant 113920 : i32
    %dma_wait3A_2823 = tpu.memref_slice %arg3[%select_n3A_2808, %rem3A_2810, %dma_wait3A_2821, %dma_wait3A_2822] : memref<2x32x2x151808xf32, #tpu.memory_space<hbm>> -> memref<1x1x2x18944xf32, #tpu.memory_space<hbm>>
    %dma_wait3A_2824 = tpu.memref_squeeze %dma_wait3A_2823 : memref<1x1x2x18944xf32, #tpu.memory_space<hbm>> -> memref<2x18944xf32, #tpu.memory_space<hbm>>
    %dma_wait3A_2825 = arith.constant 0 : i32
    %dma_wait3A_2826 = arith.constant 0 : i32
    %dma_wait3A_2827 = tpu.memref_slice %arg6[%dma_wait3A_2825, %dma_wait3A_2826] : memref<2x19072xf32, #tpu.memory_space<vmem>> -> memref<2x18944xf32, #tpu.memory_space<vmem>>
    tpu.wait_dma2 semaphore(%dma_wait3A_2820 : memref<!tpu.dma_semaphore, #tpu.memory_space<semaphore_mem>>) src(%dma_wait3A_2827 : memref<2x18944xf32, #tpu.memory_space<vmem>>) dst(%dma_wait3A_2824 : memref<2x18944xf32, #tpu.memory_space<hbm>>)
    %add3A_2828 = arith.constant 1 : i32
    %add3A_2829 = arith.addi %mul3A_2, %add3A_2828 : i32
    %jit3A_2830 = arith.constant 32 : i32
    %div3A_2831 = arith.divsi %add3A_2829, %jit3A_2830 : i32
    %sign3A_2832 = arith.constant 0 : i32
    %sign3A_2833 = arith.cmpi sgt, %add3A_2829, %sign3A_2832 : i32
    %sign3A_2834 = arith.extui %sign3A_2833 : i1 to i32
    %sign3A_2835 = arith.constant 0 : i32
    %sign3A_2836 = arith.cmpi slt, %add3A_2829, %sign3A_2835 : i32
    %sign3A_2837 = arith.extui %sign3A_2836 : i1 to i32
    %sign3A_2838 = arith.subi %sign3A_2834, %sign3A_2837 : i32
    %sign3A_2839 = arith.constant 0 : i32
    %sign3A_2840 = arith.cmpi sgt, %jit3A_2830, %sign3A_2839 : i32
    %sign3A_2841 = arith.extui %sign3A_2840 : i1 to i32
    %sign3A_2842 = arith.constant 0 : i32
    %sign3A_2843 = arith.cmpi slt, %jit3A_2830, %sign3A_2842 : i32
    %sign3A_2844 = arith.extui %sign3A_2843 : i1 to i32
    %sign3A_2845 = arith.subi %sign3A_2841, %sign3A_2844 : i32
    %ne3A_2846 = arith.cmpi ne, %sign3A_2838, %sign3A_2845 : i32
    %rem3A_2847 = arith.remsi %add3A_2829, %jit3A_2830 : i32
    %ne3A_2848 = arith.constant 0 : i32
    %ne3A_2849 = arith.cmpi ne, %rem3A_2847, %ne3A_2848 : i32
    %and3A_2850 = arith.andi %ne3A_2846, %ne3A_2849 : i1
    %sub3A_2851 = arith.constant 1 : i32
    %sub3A_2852 = arith.subi %div3A_2831, %sub3A_2851 : i32
    %select_n3A_2853 = arith.select %and3A_2850, %sub3A_2852, %div3A_2831 : i32
    %rem3A_2854 = arith.constant 32 : i32
    %rem3A_2855 = arith.remsi %add3A_2829, %rem3A_2854 : i32
    %dma_wait3A_2856 = arith.constant 0 : i32
    %dma_wait3A_2857 = arith.constant 0 : i32
    %dma_wait3A_2858 = arith.constant 0 : i32
    %dma_wait3A_2859 = tpu.memref_slice %arg4[%dma_wait3A_2857, %dma_wait3A_2858] : memref<2x19072xf32, #tpu.memory_space<vmem>> -> memref<2x18944xf32, #tpu.memory_space<vmem>>
    %dma_wait3A_2860 = arith.constant 0 : i32
    %dma_wait3A_2861 = arith.constant 132864 : i32
    %dma_wait3A_2862 = tpu.memref_slice %arg3[%select_n3A_2853, %rem3A_2855, %dma_wait3A_2860, %dma_wait3A_2861] : memref<2x32x2x151808xf32, #tpu.memory_space<hbm>> -> memref<1x1x2x18944xf32, #tpu.memory_space<hbm>>
    %dma_wait3A_2863 = tpu.memref_squeeze %dma_wait3A_2862 : memref<1x1x2x18944xf32, #tpu.memory_space<hbm>> -> memref<2x18944xf32, #tpu.memory_space<hbm>>
    %dma_wait3A_2864 = tpu.memref_slice %arg8[%dma_wait3A_2856] : memref<3x!tpu.dma_semaphore, #tpu.memory_space<semaphore_mem>> -> memref<1x!tpu.dma_semaphore, #tpu.memory_space<semaphore_mem>>
    %dma_wait3A_2865 = tpu.memref_squeeze %dma_wait3A_2864 : memref<1x!tpu.dma_semaphore, #tpu.memory_space<semaphore_mem>> -> memref<!tpu.dma_semaphore, #tpu.memory_space<semaphore_mem>>
    %dma_wait3A_2866 = arith.constant 0 : i32
    %dma_wait3A_2867 = arith.constant 132864 : i32
    %dma_wait3A_2868 = tpu.memref_slice %arg3[%select_n3A_2853, %rem3A_2855, %dma_wait3A_2866, %dma_wait3A_2867] : memref<2x32x2x151808xf32, #tpu.memory_space<hbm>> -> memref<1x1x2x18944xf32, #tpu.memory_space<hbm>>
    %dma_wait3A_2869 = tpu.memref_squeeze %dma_wait3A_2868 : memref<1x1x2x18944xf32, #tpu.memory_space<hbm>> -> memref<2x18944xf32, #tpu.memory_space<hbm>>
    %dma_wait3A_2870 = arith.constant 0 : i32
    %dma_wait3A_2871 = arith.constant 0 : i32
    %dma_wait3A_2872 = tpu.memref_slice %arg4[%dma_wait3A_2870, %dma_wait3A_2871] : memref<2x19072xf32, #tpu.memory_space<vmem>> -> memref<2x18944xf32, #tpu.memory_space<vmem>>
    tpu.wait_dma2 semaphore(%dma_wait3A_2865 : memref<!tpu.dma_semaphore, #tpu.memory_space<semaphore_mem>>) src(%dma_wait3A_2872 : memref<2x18944xf32, #tpu.memory_space<vmem>>) dst(%dma_wait3A_2869 : memref<2x18944xf32, #tpu.memory_space<hbm>>)
    return
  }
}

</mosaic_0001>

<sc_bundles>
// kernel: kernel.3.cloned.1.call-start
scs
__scs_entry_jumppad:
0x0: {  	(pc) =	sbr.rel $0x88, $3  }
0x1: {  	(tag) =	ssettag $0x0;
	lr =	simm.s32 $0x1  }
0x2: {  	[smem:$0x3FA0] =	sst lr;
	_ =	strace $0xD0000000  }
0x3: {  	_ = 	snop  }
0x4: {  	_ = 	snop  }
0x5: {  	_ = 	snop  }
0x6: {  	_ = 	snop  }
0x7: {  	_ = 	snop  }
__scs_overlays_trampoline_lowered:
0x8: {  	[smem:$0x3FAF] =	sst s0  }
0x9: {  	[smem:$0x3FB0] =	sst s1  }
0xa: {  	[smem:$0x3FB1] =	sst s2  }
0xb: {  	[smem:$0x3FB2] =	sst s3  }
0xc: {  	[smem:$0x3FB3] =	sst s4  }
0xd: {  	[smem:$0x3FB4] =	sst s5  }
0xe: {  	[smem:$0x3FB5] =	sst s6  }
0xf: {  	[smem:$0x3FB6] =	sst s7  }
0x10: {  	[smem:$0x3FB7] =	sst s8  }
0x11: {  	[smem:$0x3FB8] =	sst s9;
	s0 =	simm.s32 @!p0 $0x0  }
0x12: {  	s1 =	sld [smem:$0x3F9E];
	s0 =	simm.s32 @p0 $0x1  }
0x13: {  	[smem:$0x3FB9] =	sst s0;
	s0 =	simm.s32 @!p1 $0x0  }
0x14: {  	s2 =	sld [smem:$0x3F9D];
	s0 =	simm.s32 @p1 $0x1  }
0x15: {  	[smem:$0x3FBA] =	sst s0;
	s0 =	simm.s32 @!p2 $0x0  }
0x16: {  	s3 =	sld [smem:$0x3FDB];
	s0 =	simm.s32 @p2 $0x1  }
0x17: {  	s4 =	simm.s32 $0x1BF5;
	[smem:$0x3FBC] =	sst s0  }
0x18: {  	s0 =	sld [smem:$0x3F9F];
	_ =	swait.ge [sflag:s4], $0x0  }
0x19: {  	s7 =	sld [smem:$0x3FA0]  }
0x1a: {  	s8 =	sadd.s32 $0xFFFFE003, lr  }
0x1b: {  	s9 =	sadd.s32 $0xFFFFFEF7, lr;
	s5 =	simm.s32 $0xFFFFFFFF;
	p2 =	slt.u32 s8, $0xFFFFF086  }
0x1c: {  	p1 =	slt.u32 s9, $0xF7A;
	s5 =	simm.s32 @!p2 $0x0  }
0x1d: {  	s5 =	simm.s32 @p1 $0x1;
	p0 =	seq.s32 s7, s2  }
0x1e: {  	s7 =	smul.u32 @!p0 $0xF7A, s2;
	p2 =	seq.s32 @!p0 s5, $0x0  }
0x1f: {  	s9 =	smul.u32 $0xF7A, s1;
	s8 =	simm.s32 @!p0 $0x1BF5;
	p2 =	por !p2, p0  }
0x20: {  	[sflag:s8] =	ssyncset.s32 @!p0 $0xFFFFF086;
	s6 =	sadd.s32 @!p0 s3, s7;
	s7 =	simm.s32 @!p0 $0x108  }
0x21: {  	s3 =	sadd.s32 s3, s9;
	s6 =	sadd.s32 @!p0 $0x88, s6;
	s7 =	simm.s32 @p2 $0x1082  }
0x22: {  	[simem:s7], [sflag:s8] =	dma.local @!p0 [hbm:s6], $0xF7A  }
0x23: {  	s9 =	sor.u32 $0xD0000000, s2;
	s6 =	simm.s32 $0x108;
	_ =	swait.ge @!p0 [sflag:s8], $0x0  }
0x24: {  	s3 =	sadd.s32 $0x88, s3;
	s6 =	simm.s32 @!p1 $0x1082;
	[sflag:s4] =	ssyncset.s32 $0xFFFFF086  }
0x25: {  	[simem:s6], [sflag:s4] =	dma.local [hbm:s3], $0xF7A  }
0x26: {  	[smem:$0x3FA0] =	sst s1;
	(tag) =	ssettag s2;
	_ =	strace s9  }
0x27: {  	s1 =	sld [smem:$0x3FB0]  }
0x28: {  	s2 =	sld [smem:$0x3FB1]  }
0x29: {  	s4 =	sld [smem:$0x3FB3]  }
0x2a: {  	p0 =	seq.s32 s5, $0x0;
	s5 =	sld [smem:$0x3FB4]  }
0x2b: {  	s6 =	sld [smem:$0x3FB5]  }
0x2c: {  	s7 =	sld [smem:$0x3FB6]  }
0x2d: {  	s3 =	simm.s32 $0x108;
	s8 =	sld [smem:$0x3FB7]  }
0x2e: {  	s3 =	simm.s32 @!p0 $0x1082;
	s9 =	sld [smem:$0x3FB8]  }
0x2f: {  	lr =	sadd.s32 s0, s3;
	s0 =	sld [smem:$0x3FAF]  }
0x30: {  	s3 =	sld [smem:$0x3FB2]  }
0x31: {  	[smem:$0x3FBB] =	sst s10  }
0x32: {  	s10 =	sld [smem:$0x3FB9];
	_ =	sdelay $0x3  }
0x33: {  	p0 =	seq.s32 s10, $0x1;
	s10 =	sld [smem:$0x3FBB];
	_ =	sdelay $0x3  }
0x34: {  	[smem:$0x3FBB] =	sst s10  }
0x35: {  	s10 =	sld [smem:$0x3FBA];
	_ =	sdelay $0x3  }
0x36: {  	p1 =	seq.s32 s10, $0x1;
	s10 =	sld [smem:$0x3FBB];
	_ =	sdelay $0x3  }
0x37: {  	[smem:$0x3FBB] =	sst s10  }
0x38: {  	s10 =	sld [smem:$0x3FBC]  }
0x39: {  	_ = 	snop;
	(pc) =	sbr.ind lr, $3  }
0x3a: {  	_ = 	snop  }
0x3b: {  	_ = 	snop  }
0x3c: {  	p2 =	seq.s32 s10, $0x1;
	s10 =	sld [smem:$0x3FBB]  }
0x3d: {  	_ =	shalt  }
0x3e: {  	_ =	shalt  }
0x3f: {  	_ =	shalt  }
0x40: {  	_ =	shalt  }
0x41: {  	_ =	shalt  }
0x42: {  	_ =	shalt  }
0x43: {  	_ =	shalt  }
0x44: {  	_ =	shalt  }
0x45: {  	_ =	shalt  }
0x46: {  	_ =	shalt  }
0x47: {  	_ =	shalt  }
0x48: {  	_ =	shalt  }
0x49: {  	_ =	shalt  }
0x4a: {  	_ =	shalt  }
0x4b: {  	_ =	shalt  }
0x4c: {  	_ =	shalt  }
0x4d: {  	_ =	shalt  }
0x4e: {  	_ =	shalt  }
0x4f: {  	_ =	shalt  }
0x50: {  	_ =	shalt  }
0x51: {  	_ =	shalt  }
0x52: {  	_ =	shalt  }
0x53: {  	_ =	shalt  }
0x54: {  	_ =	shalt  }
0x55: {  	_ =	shalt  }
0x56: {  	_ =	shalt  }
0x57: {  	_ =	shalt  }
0x58: {  	_ =	shalt  }
0x59: {  	_ =	shalt  }
0x5a: {  	_ =	shalt  }
0x5b: {  	_ =	shalt  }
0x5c: {  	_ =	shalt  }
0x5d: {  	_ =	shalt  }
0x5e: {  	_ =	shalt  }
0x5f: {  	_ =	shalt  }
0x60: {  	_ =	shalt  }
0x61: {  	_ =	shalt  }
0x62: {  	_ =	shalt  }
0x63: {  	_ =	shalt  }
0x64: {  	_ =	shalt  }
0x65: {  	_ =	shalt  }
0x66: {  	_ =	shalt  }
0x67: {  	_ =	shalt  }
0x68: {  	_ =	shalt  }
0x69: {  	_ =	shalt  }
0x6a: {  	_ =	shalt  }
0x6b: {  	_ =	shalt  }
0x6c: {  	_ =	shalt  }
0x6d: {  	_ =	shalt  }
0x6e: {  	_ =	shalt  }
0x6f: {  	_ =	shalt  }
0x70: {  	_ =	shalt  }
0x71: {  	_ =	shalt  }
0x72: {  	_ =	shalt  }
0x73: {  	_ =	shalt  }
0x74: {  	_ =	shalt  }
0x75: {  	_ =	shalt  }
0x76: {  	_ =	shalt  }
0x77: {  	_ =	shalt  }
0x78: {  	_ =	shalt  }
0x79: {  	_ =	shalt  }
0x7a: {  	_ =	shalt  }
0x7b: {  	_ =	shalt  }
0x7c: {  	_ =	shalt  }
0x7d: {  	_ =	shalt  }
0x7e: {  	_ =	shalt  }
0x7f: {  	_ =	shalt  }
0x80: {  	_ =	shalt  }
0x81: {  	_ =	shalt  }
0x82: {  	_ =	shalt  }
0x83: {  	_ =	shalt  }
0x84: {  	_ =	shalt  }
0x85: {  	_ =	shalt  }
0x86: {  	_ =	shalt  }
0x87: {  	_ =	shalt  }
.Lfunc_end0:
.L_simem_size_0:
called_computation_lowered:
.L_overlay_start_0:
0x88: {  	s2 =	sld [smem:$0x3FD9]  }
0x89: {  	s3 =	sld [smem:$0x3FFE];
	_ =	sdelay $0x1  }
0x8a: {  	s1 =	srdreg.scid  }
0x8b: {  	s0 =	sand.u32 $0x1, s1  }
0x8c: {  	s18 =	sshll.u32 s0, $0xA;
	s2 =	sadd.s32 s3, s2  }
0x8d: {  	s2 =	sadd.s32 s2, s18  }
0x8e: {  	[smem:$0x3FC7] =	sst s2  }
0x8f: {  	_ = 	snop  }
0x90: {  	s2 =	sld [smem:$0x3FC9]  }
0x91: {  	s19 =	sld [smem:$0x3FD0];
	(tm) =	ssettm $0x1  }
0x92: {  	s4 =	sld [smem:$0x3FFB];
	_ =	sdelay $0x3  }
0x93: {  	_ =	strace s4  }
0x94: {  	s4 =	sld [smem:$0x3FFC];
	_ =	sdelay $0x3  }
0x95: {  	_ =	strace s4  }
0x96: {  	s4 =	sld [smem:$0x3FFD];
	_ =	sdelay $0x3  }
0x97: {  	_ =	strace s4  }
0x98: {  	_ =	strace $0x8FFFFFFF  }
0x99: {  	s20 =	sld [smem:$0x3FDB];
	_ =	sdelay $0x1  }
0x9a: {  	s5 =	simm.s32 $_scs_section_size  }
0x9b: {  	s6 =	simm.s32 $_size__tile_overlayer_lowered;
	s7 =	simm.s32 $_tile_overlayer_lowered  }
0x9c: {  	s23 =	simm.s32 $0x1BFF;
	s22 =	sshll.u32 s7, $0x1;
	s4 =	sadd.s32 s5, s20  }
0x9d: {  	s8 =	simm.s32 $0x0;
	s21 =	sshll.u32 s6, $0x1;
	s6 =	sadd.s32 s22, s4  }
0x9e: {  	[timem:s8], [sflag:s23] =	dma.local [hbm:s6], s21  }
0x9f: {  	_ =	swait.ge [sflag:s23], s21  }
0xa0: {  	s5 =	ssub.s32 $0x0, s21;
	[sflag:s23] =	ssyncset.done $0x0  }
0xa1: {  	[sflag:s23] =	ssyncadd.s32 s5;
	_ =	sdelay $0x1  }
0xa2: {  	s24 =	simm.s32 $0x1B8B  }
0xa3: {  	_ =	swait.ge [sflag:s24], $0x1  }
0xa4: {  	[sflag:s24] =	ssyncset.done $0x0  }
0xa5: {  	s25 =	simm.s32 $0x1B8E;
	[sflag:s24] =	ssyncadd.s32 $0xFFFFFFFF  }
0xa6: {  	s26 =	simm.s32 $execute0_lowered;
	[smem:$0x3FD2] =	sst s25  }
0xa7: {  	s5 =	sshll.u32 s26, $0x1;
	_ =	strace $0x80000046;
	[dreg:$0x1] =	wrdreg $0xFFFFFFFF  }
0xa8: {  	s28 =	simm.s32 $_size_execute0_lowered;
	s4 =	sadd.s32 s4, s5;
	[dreg:$0x0] =	wrdreg $0x0  }
0xa9: {  	s5 =	sshll.u32 s28, $0x1;
	[dreg:$0x2] =	wrdreg s4  }
0xaa: {  	[dreg:$0x3] =	wrdreg s5  }
0xab: {  	[dreg:$0x4] =	wrdreg $0xC0  }
0xac: {  	_ =	task [dreg:s8], $0x5FFFF  }
0xad: {  	[dreg:$0x1] =	wrdreg $0xFFFFFFFF  }
0xae: {  	[dreg:$0x0] =	wrdreg $0x60  }
0xaf: {  	[dreg:$0x2] =	wrdreg s2  }
0xb0: {  	[dreg:$0x3] =	wrdreg s19  }
0xb1: {  	[dreg:$0x4] =	wrdreg $0x9  }
0xb2: {  	_ =	task.clear_ibuf [dreg:s8], $0x5FFFF;
	_ =	strace $0x90000046  }
0xb3: {  	s29 =	simm.s32 $0x9;
	_ =	strace $0x80000048  }
0xb4: {  	_ =	swait.ge [sflag:s29], $0x1  }
0xb5: {  	[sflag:s29] =	ssyncadd.s32 $0xFFFFFFFF  }
0xb6: {  	_ =	strace $0x90000048  }
0xb7: {  	_ =	sfence  }
0xb8: {  	s30 =	sld [smem:$0x0];
	_ =	sdelay $0x2  }
0xb9: {  	s31 =	sshll.u32 s1, $0xD;
	s1 =	sshrl.u32 s1, $0x2  }
0xba: {  	s3 =	sand.u32 $0x4000, s31;
	s1 =	sadd.s32 s1, s30  }
0xbb: {  	s0 =	sor.u32 s3, s0;
	s1 =	sshll.u32 s1, $0x11  }
0xbc: {  	s0 =	sor.u32 s1, s0  }
0xbd: {  	s0 =	sadd.s32 $0x8F2B, s0  }
0xbe: {  	[sflag:s0] =	ssyncadd.remote.s32 $0x1  }
0xbf: {  	_ =	sfence.sel $0xFFFF  }
0xc0: {  	[dreg:$0x0] =	wrdreg $0xFFFFFFFF;
	(pc) =	sbr.abs _section_cstart, $3  }
0xc1: {  	[dreg:$0x1] =	wrdreg $0xFFFFFFFF  }
0xc2: {  	_ =	task.clear_ibuf [dreg:s8], $0x2FFFF;
	_ =	strace $0x9FFFFFFF  }
0xc3: {  	(tm) =	ssettm $0x7FFFFFFF  }
tec
execute0_lowered:
.L_overlay_start_1:
0x0: {  	(tag) =	ssettag $0x1  }
0x1: {  	s1 =	srdreg.scid;
	s0 =	stileid.u32  }
0x2: {  	s1 =	sand.u32 $0x1, s1;
	s2 =	sshll.u32 s0, $0x2  }
0x3: {  	s4 =	sshrl.u32 s0, $0x3;
	s3 =	sshll.u32 s1, $0x1;
	s2 =	sand.u32 $0x1C, s2  }
0x4: {  	s14 =	smul.u32 $0x9C4000, s4;
	s15 =	sor.u32 s3, s2  }
0x5: {  	s2 =	smul.u32 $0x4E200, s15  }
0x6: {  	s19 =	smul.u32 $0x944000, s4  }
0x7: {  	s13 =	rddreg [dreg:$0x0];
	s25 =	smul.u32 $0x4A200, s15;
	s24 =	sadd.s32 s14, s2  }
0x8: {  	s18 =	rddreg [dreg:$0x1];
	s2 =	simm.s32 $0x0;
	s3 =	sshrl.u32 s24, $0x3  }
0x9: {  	s4 =	sadd.s32 s19, s25;
	[smem:$0x7FF] =	sst s2;
	s26 =	sadd.s32 s13, s3  }
0xa: {  	_ =	strace $0x80000047;
	s5 =	sadd.s32 $0x12A0, s26;
	[dreg:$0xf] =	wrdreg s26  }
0xb: {  	[tilespmem:s2], [sflag:$0x1] =	stream.linear.gather [hbm4b:s26+s2], $0x9500, $0x38;
	[tilespmem:$0x1BF00] =	vst v63  }
0xc: {  	s4 =	sshrl.u32 s4, $0x3;
	s7 =	sadd.s32 $0x2540, s26;
	[dreg:$0x3] =	wrdreg s5  }
0xd: {  	s3 =	sadd.s32 s18, s4;
	s8 =	sadd.s32 $0x37C0, s26;
	[dreg:$0x4] =	wrdreg s7  }
0xe: {  	s9 =	sadd.s32 $0x12A0, s3;
	[dreg:$0x5] =	wrdreg s8  }
0xf: {  	s10 =	sadd.s32 $0x4A40, s26;
	[dreg:$0x6] =	wrdreg s9  }
0x10: {  	s11 =	sadd.s32 $0x2540, s3;
	[dreg:$0x7] =	wrdreg s10  }
0x11: {  	s12 =	sadd.s32 $0x5CC0, s26;
	[dreg:$0x8] =	wrdreg s11  }
0x12: {  	s16 =	sadd.s32 $0x37C0, s3;
	[dreg:$0x9] =	wrdreg s12  }
0x13: {  	s17 =	sadd.s32 $0x6F40, s26;
	[dreg:$0xa] =	wrdreg s16  }
0x14: {  	s20 =	sadd.s32 $0x4A40, s3;
	[dreg:$0xb] =	wrdreg s17  }
0x15: {  	s21 =	sadd.s32 $0x81C0, s26;
	[dreg:$0xc] =	wrdreg s20  }
0x16: {  	[dreg:$0xd] =	wrdreg s21  }
0x17: {  	s6 =	rddreg [dreg:$0x3]  }
0x18: {  	s7 =	sadd.s32 $0x5CC0, s3;
	s5 =	simm.s32 $0x9500;
	s8 =	rddreg [dreg:$0x4]  }
0x19: {  	[tilespmem:s5], [sflag:$0x2] =	stream.linear.gather [hbm4b:s6+s2], $0x9500, $0x38;
	[tilespmem:$0x1BF00] =	vst v63  }
0x1a: {  	[dreg:$0xe] =	wrdreg s7;
	s7 =	simm.s32 $0x1;
	s6 =	simm.s32 $0x12A00  }
0x1b: {  	[tilespmem:s6], [sflag:$0x3] =	stream.linear.gather [hbm4b:s8+s2], $0x9400, $0x38;
	[tilespmem:$0x1BF00] =	vst v63  }
0x1c: {  	_ =	swait.ge [sflag:s7], $0x9500  }
0x1d: {  	[sflag:s7] =	ssyncset.done $0x0  }
0x1e: {  	s8 =	simm.s32 $0x4;
	[sflag:s7] =	ssyncadd.s32 $0xFFFF6B00  }
0x1f: {  	[hbm4b:s3+s2] =	stream.linear.scatter [tilespmem:s2], [sflag:$0x4], $0x9500, $0x38;
	[tilespmem:$0x1BF00] =	vst v63  }
0x20: {  	_ =	swait.ge [sflag:s8], $0x9500  }
0x21: {  	[sflag:s8] =	ssyncset.done $0x0  }
0x22: {  	s9 =	simm.s32 $0x2;
	s10 =	rddreg [dreg:$0x5];
	[sflag:s8] =	ssyncadd.s32 $0xFFFF6B00  }
0x23: {  	[tilespmem:s2], [sflag:$0x1] =	stream.linear.gather [hbm4b:s10+s2], $0x9400, $0x38;
	[tilespmem:$0x1BF00] =	vst v63  }
0x24: {  	_ =	swait.ge [sflag:s9], $0x9500  }
0x25: {  	[sflag:s9] =	ssyncset.done $0x0  }
0x26: {  	s10 =	simm.s32 $0x5;
	s11 =	rddreg [dreg:$0x6];
	[sflag:s9] =	ssyncadd.s32 $0xFFFF6B00  }
0x27: {  	[hbm4b:s11+s2] =	stream.linear.scatter [tilespmem:s5], [sflag:$0x5], $0x9500, $0x38;
	[tilespmem:$0x1BF00] =	vst v63  }
0x28: {  	_ =	swait.ge [sflag:s10], $0x9500  }
0x29: {  	[sflag:s10] =	ssyncset.done $0x0  }
0x2a: {  	s11 =	simm.s32 $0x3;
	s12 =	rddreg [dreg:$0x7];
	[sflag:s10] =	ssyncadd.s32 $0xFFFF6B00  }
0x2b: {  	[tilespmem:s5], [sflag:$0x2] =	stream.linear.gather [hbm4b:s12+s2], $0x9400, $0x38;
	[tilespmem:$0x1BF00] =	vst v63  }
0x2c: {  	_ =	swait.ge [sflag:s11], $0x9400  }
0x2d: {  	[sflag:s11] =	ssyncset.done $0x0  }
0x2e: {  	s12 =	simm.s32 $0x6;
	s16 =	rddreg [dreg:$0x8];
	[sflag:s11] =	ssyncadd.s32 $0xFFFF6C00  }
0x2f: {  	[hbm4b:s16+s2] =	stream.linear.scatter [tilespmem:s6], [sflag:$0x6], $0x9400, $0x38;
	[tilespmem:$0x1BF00] =	vst v63  }
0x30: {  	_ =	swait.ge [sflag:s12], $0x9400  }
0x31: {  	[sflag:s12] =	ssyncset.done $0x0  }
0x32: {  	s22 =	rddreg [dreg:$0x9];
	[sflag:s12] =	ssyncadd.s32 $0xFFFF6C00  }
0x33: {  	[tilespmem:s6], [sflag:$0x3] =	stream.linear.gather [hbm4b:s22+s2], $0x9400, $0x38;
	[tilespmem:$0x1BF00] =	vst v63  }
0x34: {  	_ =	swait.ge [sflag:s7], $0x9400  }
0x35: {  	[sflag:s7] =	ssyncset.done $0x0  }
0x36: {  	s23 =	rddreg [dreg:$0xa];
	[sflag:s7] =	ssyncadd.s32 $0xFFFF6C00  }
0x37: {  	[hbm4b:s23+s2] =	stream.linear.scatter [tilespmem:s2], [sflag:$0x4], $0x9400, $0x38;
	[tilespmem:$0x1BF00] =	vst v63  }
0x38: {  	_ =	swait.ge [sflag:s8], $0x9400  }
0x39: {  	[sflag:s8] =	ssyncset.done $0x0  }
0x3a: {  	s24 =	rddreg [dreg:$0xb];
	[sflag:s8] =	ssyncadd.s32 $0xFFFF6C00  }
0x3b: {  	[tilespmem:s2], [sflag:$0x1] =	stream.linear.gather [hbm4b:s24+s2], $0x9400, $0x38;
	[tilespmem:$0x1BF00] =	vst v63  }
0x3c: {  	_ =	swait.ge [sflag:s9], $0x9400  }
0x3d: {  	[sflag:s9] =	ssyncset.done $0x0  }
0x3e: {  	s25 =	rddreg [dreg:$0xc];
	[sflag:s9] =	ssyncadd.s32 $0xFFFF6C00  }
0x3f: {  	[hbm4b:s25+s2] =	stream.linear.scatter [tilespmem:s5], [sflag:$0x5], $0x9400, $0x38;
	[tilespmem:$0x1BF00] =	vst v63  }
0x40: {  	_ =	swait.ge [sflag:s10], $0x9400  }
0x41: {  	[sflag:s10] =	ssyncset.done $0x0  }
0x42: {  	s26 =	rddreg [dreg:$0xd];
	[sflag:s10] =	ssyncadd.s32 $0xFFFF6C00  }
0x43: {  	[tilespmem:s5], [sflag:$0x2] =	stream.linear.gather [hbm4b:s26+s2], $0x9400, $0x38;
	[tilespmem:$0x1BF00] =	vst v63  }
0x44: {  	_ =	swait.ge [sflag:s11], $0x9400  }
0x45: {  	s20 =	sor.u32 $0x1, s15;
	[sflag:s11] =	ssyncset.done $0x0  }
0x46: {  	s15 =	smul.u32 $0x4E200, s20;
	s0 =	rddreg [dreg:$0xe];
	[sflag:s11] =	ssyncadd.s32 $0xFFFF6C00  }
0x47: {  	[hbm4b:s0+s2] =	stream.linear.scatter [tilespmem:s6], [sflag:$0x6], $0x9400, $0x38;
	[tilespmem:$0x1BF00] =	vst v63  }
0x48: {  	s14 =	sadd.s32 s14, s15;
	_ =	swait.ge [sflag:s12], $0x9400  }
0x49: {  	s14 =	sshrl.u32 s14, $0x3;
	[sflag:s12] =	ssyncset.done $0x0  }
0x4a: {  	s13 =	sadd.s32 s13, s14;
	[sflag:s12] =	ssyncadd.s32 $0xFFFF6C00  }
0x4b: {  	[tilespmem:s6], [sflag:$0x3] =	stream.linear.gather [hbm4b:s13+s2], $0x9500, $0x38;
	[tilespmem:$0x1BF00] =	vst v63  }
0x4c: {  	_ =	swait.ge [sflag:s7], $0x9400  }
0x4d: {  	[sflag:s7] =	ssyncset.done $0x0  }
0x4e: {  	s14 =	sadd.s32 $0x6F40, s3;
	[sflag:s7] =	ssyncadd.s32 $0xFFFF6C00  }
0x4f: {  	[hbm4b:s14+s2] =	stream.linear.scatter [tilespmem:s2], [sflag:$0x4], $0x9400, $0x38;
	[tilespmem:$0x1BF00] =	vst v63  }
0x50: {  	_ =	swait.ge [sflag:s8], $0x9400  }
0x51: {  	[sflag:s8] =	ssyncset.done $0x0  }
0x52: {  	s15 =	sadd.s32 $0x12A0, s13;
	[sflag:s8] =	ssyncadd.s32 $0xFFFF6C00  }
0x53: {  	[tilespmem:s2], [sflag:$0x1] =	stream.linear.gather [hbm4b:s15+s2], $0x9500, $0x38;
	[tilespmem:$0x1BF00] =	vst v63  }
0x54: {  	_ =	swait.ge [sflag:s9], $0x9400  }
0x55: {  	[sflag:s9] =	ssyncset.done $0x0  }
0x56: {  	s16 =	sadd.s32 $0x81C0, s3;
	[sflag:s9] =	ssyncadd.s32 $0xFFFF6C00  }
0x57: {  	[hbm4b:s16+s2] =	stream.linear.scatter [tilespmem:s5], [sflag:$0x5], $0x9400, $0x38;
	[tilespmem:$0x1BF00] =	vst v63  }
0x58: {  	_ =	swait.ge [sflag:s10], $0x9400  }
0x59: {  	[sflag:s10] =	ssyncset.done $0x0  }
0x5a: {  	s20 =	smul.u32 $0x4A200, s20;
	s17 =	sadd.s32 $0x2540, s13;
	[sflag:s10] =	ssyncadd.s32 $0xFFFF6C00  }
0x5b: {  	[tilespmem:s5], [sflag:$0x2] =	stream.linear.gather [hbm4b:s17+s2], $0x9400, $0x38;
	[tilespmem:$0x1BF00] =	vst v63  }
0x5c: {  	s19 =	sadd.s32 s19, s20;
	_ =	swait.ge [sflag:s11], $0x9500  }
0x5d: {  	s19 =	sshrl.u32 s19, $0x3;
	[sflag:s11] =	ssyncset.done $0x0  }
0x5e: {  	s18 =	sadd.s32 s18, s19;
	[sflag:s11] =	ssyncadd.s32 $0xFFFF6B00  }
0x5f: {  	[hbm4b:s18+s2] =	stream.linear.scatter [tilespmem:s6], [sflag:$0x6], $0x9500, $0x38;
	[tilespmem:$0x1BF00] =	vst v63  }
0x60: {  	_ =	swait.ge [sflag:s12], $0x9500  }
0x61: {  	[sflag:s12] =	ssyncset.done $0x0  }
0x62: {  	s19 =	sadd.s32 $0x37C0, s13;
	[sflag:s12] =	ssyncadd.s32 $0xFFFF6B00  }
0x63: {  	[tilespmem:s6], [sflag:$0x3] =	stream.linear.gather [hbm4b:s19+s2], $0x9400, $0x38;
	[tilespmem:$0x1BF00] =	vst v63  }
0x64: {  	_ =	swait.ge [sflag:s7], $0x9500  }
0x65: {  	[sflag:s7] =	ssyncset.done $0x0  }
0x66: {  	s20 =	sadd.s32 $0x12A0, s18;
	[sflag:s7] =	ssyncadd.s32 $0xFFFF6B00  }
0x67: {  	[hbm4b:s20+s2] =	stream.linear.scatter [tilespmem:s2], [sflag:$0x4], $0x9500, $0x38;
	[tilespmem:$0x1BF00] =	vst v63  }
0x68: {  	_ =	swait.ge [sflag:s8], $0x9500  }
0x69: {  	[sflag:s8] =	ssyncset.done $0x0  }
0x6a: {  	s21 =	sadd.s32 $0x4A40, s13;
	[sflag:s8] =	ssyncadd.s32 $0xFFFF6B00  }
0x6b: {  	[tilespmem:s2], [sflag:$0x1] =	stream.linear.gather [hbm4b:s21+s2], $0x9400, $0x38;
	[tilespmem:$0x1BF00] =	vst v63  }
0x6c: {  	_ =	swait.ge [sflag:s9], $0x9400  }
0x6d: {  	[sflag:s9] =	ssyncset.done $0x0  }
0x6e: {  	s22 =	sadd.s32 $0x2540, s18;
	[sflag:s9] =	ssyncadd.s32 $0xFFFF6C00  }
0x6f: {  	[hbm4b:s22+s2] =	stream.linear.scatter [tilespmem:s5], [sflag:$0x5], $0x9400, $0x38;
	[tilespmem:$0x1BF00] =	vst v63  }
0x70: {  	_ =	swait.ge [sflag:s10], $0x9400  }
0x71: {  	[sflag:s10] =	ssyncset.done $0x0  }
0x72: {  	s23 =	sadd.s32 $0x5CC0, s13;
	[sflag:s10] =	ssyncadd.s32 $0xFFFF6C00  }
0x73: {  	[tilespmem:s5], [sflag:$0x2] =	stream.linear.gather [hbm4b:s23+s2], $0x9400, $0x38;
	[tilespmem:$0x1BF00] =	vst v63  }
0x74: {  	_ =	swait.ge [sflag:s11], $0x9400  }
0x75: {  	[sflag:s11] =	ssyncset.done $0x0  }
0x76: {  	s24 =	sadd.s32 $0x37C0, s18;
	[sflag:s11] =	ssyncadd.s32 $0xFFFF6C00  }
0x77: {  	[hbm4b:s24+s2] =	stream.linear.scatter [tilespmem:s6], [sflag:$0x6], $0x9400, $0x38;
	[tilespmem:$0x1BF00] =	vst v63  }
0x78: {  	_ =	swait.ge [sflag:s12], $0x9400  }
0x79: {  	[sflag:s12] =	ssyncset.done $0x0  }
0x7a: {  	s25 =	sadd.s32 $0x6F40, s13;
	[sflag:s12] =	ssyncadd.s32 $0xFFFF6C00  }
0x7b: {  	[tilespmem:s6], [sflag:$0x3] =	stream.linear.gather [hbm4b:s25+s2], $0x9400, $0x38;
	[tilespmem:$0x1BF00] =	vst v63  }
0x7c: {  	_ =	swait.ge [sflag:s7], $0x9400  }
0x7d: {  	[sflag:s7] =	ssyncset.done $0x0  }
0x7e: {  	s26 =	sadd.s32 $0x4A40, s18;
	[sflag:s7] =	ssyncadd.s32 $0xFFFF6C00  }
0x7f: {  	[hbm4b:s26+s2] =	stream.linear.scatter [tilespmem:s2], [sflag:$0x4], $0x9400, $0x38;
	[tilespmem:$0x1BF00] =	vst v63  }
0x80: {  	_ =	swait.ge [sflag:s8], $0x9400  }
0x81: {  	[sflag:s8] =	ssyncset.done $0x0  }
0x82: {  	s28 =	sadd.s32 $0x81C0, s13;
	[sflag:s8] =	ssyncadd.s32 $0xFFFF6C00  }
0x83: {  	[tilespmem:s2], [sflag:$0x1] =	stream.linear.gather [hbm4b:s28+s2], $0x9400, $0x38;
	[tilespmem:$0x1BF00] =	vst v63  }
0x84: {  	_ =	swait.ge [sflag:s9], $0x9400  }
0x85: {  	[sflag:s9] =	ssyncset.done $0x0  }
0x86: {  	s29 =	sadd.s32 $0x5CC0, s18;
	[sflag:s9] =	ssyncadd.s32 $0xFFFF6C00  }
0x87: {  	[hbm4b:s29+s2] =	stream.linear.scatter [tilespmem:s5], [sflag:$0x5], $0x9400, $0x38;
	[tilespmem:$0x1BF00] =	vst v63  }
0x88: {  	_ =	swait.ge [sflag:s11], $0x9400  }
0x89: {  	[sflag:s11] =	ssyncset.done $0x0  }
0x8a: {  	s30 =	sadd.s32 $0x6F40, s18;
	[sflag:s11] =	ssyncadd.s32 $0xFFFF6C00  }
0x8b: {  	[hbm4b:s30+s2] =	stream.linear.scatter [tilespmem:s6], [sflag:$0x6], $0x9400, $0x38;
	[tilespmem:$0x1BF00] =	vst v63  }
0x8c: {  	_ =	swait.ge [sflag:s7], $0x9400  }
0x8d: {  	s1 =	ssub.s32 $0x2, s1;
	[sflag:s7] =	ssyncset.done $0x0  }
0x8e: {  	s4 =	sshrl.u32 s1, $0x1;
	s31 =	sadd.s32 $0x81C0, s18;
	[sflag:s7] =	ssyncadd.s32 $0xFFFF6C00  }
0x8f: {  	[hbm4b:s31+s2] =	stream.linear.scatter [tilespmem:s2], [sflag:$0x4], $0x9400, $0x38;
	[tilespmem:$0x1BF00] =	vst v63  }
0x90: {  	s0 =	ssub.s32 s1, s4;
	_ =	swait.ge [sflag:s10], $0x9400  }
0x91: {  	s0 =	smax.u32 s0, $0x1;
	[sflag:s10] =	ssyncset.done $0x0  }
0x92: {  	p0 =	sne.s32 s0, $0x1;
	[sflag:s10] =	ssyncadd.s32 $0xFFFF6C00  }
.Ltmp0:
0x93: {  	_ =	swait.ge [sflag:s12], $0x9400;
	(pc) =	sbr.rel @!p0 .LBB2_3-.Ltmp0, $4  }
0x94: {  	[sflag:s12] =	ssyncset.done $0x0  }
0x95: {  	[sflag:s12] =	ssyncadd.s32 $0xFFFF6C00  }
0x96: {  	_ =	swait.ge [sflag:s8], $0x9400  }
0x97: {  	s1 =	sadd.s32 $0xFFFFFFFF, s0;
	[sflag:s8] =	ssyncset.done $0x0  }
0x98: {  	s4 =	smov.u32 s3  }
.LBB2_2:
0x99: {  	[sflag:s8] =	ssyncadd.s32 $0xFFFF6C00;
	s3 =	rddreg [dreg:$0xf]  }
0x9a: {  	[tilespmem:s2], [sflag:$0x1] =	stream.linear.gather [hbm4b:s3+s2], $0x9500, $0x38;
	[tilespmem:$0x1BF00] =	vst v63  }
0x9b: {  	s0 =	rddreg [dreg:$0x3]  }
0x9c: {  	[tilespmem:s5], [sflag:$0x2] =	stream.linear.gather [hbm4b:s0+s2], $0x9500, $0x38;
	[tilespmem:$0x1BF00] =	vst v63  }
0x9d: {  	s3 =	rddreg [dreg:$0x4]  }
0x9e: {  	[tilespmem:s6], [sflag:$0x3] =	stream.linear.gather [hbm4b:s3+s2], $0x9400, $0x38;
	[tilespmem:$0x1BF00] =	vst v63  }
0x9f: {  	_ =	swait.ge [sflag:s7], $0x9500  }
0xa0: {  	[sflag:s7] =	ssyncset.done $0x0  }
0xa1: {  	[sflag:s7] =	ssyncadd.s32 $0xFFFF6B00  }
0xa2: {  	[hbm4b:s4+s2] =	stream.linear.scatter [tilespmem:s2], [sflag:$0x4], $0x9500, $0x38;
	[tilespmem:$0x1BF00] =	vst v63  }
0xa3: {  	_ =	swait.ge [sflag:s8], $0x9500  }
0xa4: {  	[sflag:s8] =	ssyncset.done $0x0  }
0xa5: {  	s3 =	rddreg [dreg:$0x5];
	[sflag:s8] =	ssyncadd.s32 $0xFFFF6B00  }
0xa6: {  	[tilespmem:s2], [sflag:$0x1] =	stream.linear.gather [hbm4b:s3+s2], $0x9400, $0x38;
	[tilespmem:$0x1BF00] =	vst v63  }
0xa7: {  	_ =	swait.ge [sflag:s9], $0x9500  }
0xa8: {  	[sflag:s9] =	ssyncset.done $0x0  }
0xa9: {  	s3 =	rddreg [dreg:$0x6];
	[sflag:s9] =	ssyncadd.s32 $0xFFFF6B00  }
0xaa: {  	[hbm4b:s3+s2] =	stream.linear.scatter [tilespmem:s5], [sflag:$0x5], $0x9500, $0x38;
	[tilespmem:$0x1BF00] =	vst v63  }
0xab: {  	_ =	swait.ge [sflag:s10], $0x9500  }
0xac: {  	[sflag:s10] =	ssyncset.done $0x0  }
0xad: {  	s3 =	rddreg [dreg:$0x7];
	[sflag:s10] =	ssyncadd.s32 $0xFFFF6B00  }
0xae: {  	[tilespmem:s5], [sflag:$0x2] =	stream.linear.gather [hbm4b:s3+s2], $0x9400, $0x38;
	[tilespmem:$0x1BF00] =	vst v63  }
0xaf: {  	_ =	swait.ge [sflag:s11], $0x9400  }
0xb0: {  	[sflag:s11] =	ssyncset.done $0x0  }
0xb1: {  	s3 =	rddreg [dreg:$0x8];
	[sflag:s11] =	ssyncadd.s32 $0xFFFF6C00  }
0xb2: {  	[hbm4b:s3+s2] =	stream.linear.scatter [tilespmem:s6], [sflag:$0x6], $0x9400, $0x38;
	[tilespmem:$0x1BF00] =	vst v63  }
0xb3: {  	_ =	swait.ge [sflag:s12], $0x9400  }
0xb4: {  	[sflag:s12] =	ssyncset.done $0x0  }
0xb5: {  	s3 =	rddreg [dreg:$0x9];
	[sflag:s12] =	ssyncadd.s32 $0xFFFF6C00  }
0xb6: {  	[tilespmem:s6], [sflag:$0x3] =	stream.linear.gather [hbm4b:s3+s2], $0x9400, $0x38;
	[tilespmem:$0x1BF00] =	vst v63  }
0xb7: {  	_ =	swait.ge [sflag:s7], $0x9400  }
0xb8: {  	[sflag:s7] =	ssyncset.done $0x0  }
0xb9: {  	s3 =	rddreg [dreg:$0xa];
	[sflag:s7] =	ssyncadd.s32 $0xFFFF6C00  }
0xba: {  	[hbm4b:s3+s2] =	stream.linear.scatter [tilespmem:s2], [sflag:$0x4], $0x9400, $0x38;
	[tilespmem:$0x1BF00] =	vst v63  }
0xbb: {  	_ =	swait.ge [sflag:s8], $0x9400  }
0xbc: {  	[sflag:s8] =	ssyncset.done $0x0  }
0xbd: {  	s3 =	rddreg [dreg:$0xb];
	[sflag:s8] =	ssyncadd.s32 $0xFFFF6C00  }
0xbe: {  	[tilespmem:s2], [sflag:$0x1] =	stream.linear.gather [hbm4b:s3+s2], $0x9400, $0x38;
	[tilespmem:$0x1BF00] =	vst v63  }
0xbf: {  	_ =	swait.ge [sflag:s9], $0x9400  }
0xc0: {  	[sflag:s9] =	ssyncset.done $0x0  }
0xc1: {  	s3 =	rddreg [dreg:$0xc];
	[sflag:s9] =	ssyncadd.s32 $0xFFFF6C00  }
0xc2: {  	[hbm4b:s3+s2] =	stream.linear.scatter [tilespmem:s5], [sflag:$0x5], $0x9400, $0x38;
	[tilespmem:$0x1BF00] =	vst v63  }
0xc3: {  	_ =	swait.ge [sflag:s10], $0x9400  }
0xc4: {  	[sflag:s10] =	ssyncset.done $0x0  }
0xc5: {  	s3 =	rddreg [dreg:$0xd];
	[sflag:s10] =	ssyncadd.s32 $0xFFFF6C00  }
0xc6: {  	[tilespmem:s5], [sflag:$0x2] =	stream.linear.gather [hbm4b:s3+s2], $0x9400, $0x38;
	[tilespmem:$0x1BF00] =	vst v63  }
0xc7: {  	_ =	swait.ge [sflag:s11], $0x9400  }
0xc8: {  	[sflag:s11] =	ssyncset.done $0x0  }
0xc9: {  	s3 =	rddreg [dreg:$0xe];
	[sflag:s11] =	ssyncadd.s32 $0xFFFF6C00  }
0xca: {  	[hbm4b:s3+s2] =	stream.linear.scatter [tilespmem:s6], [sflag:$0x6], $0x9400, $0x38;
	[tilespmem:$0x1BF00] =	vst v63  }
0xcb: {  	_ =	swait.ge [sflag:s12], $0x9400  }
0xcc: {  	[sflag:s12] =	ssyncset.done $0x0  }
0xcd: {  	[sflag:s12] =	ssyncadd.s32 $0xFFFF6C00  }
0xce: {  	[tilespmem:s6], [sflag:$0x3] =	stream.linear.gather [hbm4b:s13+s2], $0x9500, $0x38;
	[tilespmem:$0x1BF00] =	vst v63  }
0xcf: {  	_ =	swait.ge [sflag:s7], $0x9400  }
0xd0: {  	[sflag:s7] =	ssyncset.done $0x0  }
0xd1: {  	[sflag:s7] =	ssyncadd.s32 $0xFFFF6C00  }
0xd2: {  	[hbm4b:s14+s2] =	stream.linear.scatter [tilespmem:s2], [sflag:$0x4], $0x9400, $0x38;
	[tilespmem:$0x1BF00] =	vst v63  }
0xd3: {  	_ =	swait.ge [sflag:s8], $0x9400  }
0xd4: {  	[sflag:s8] =	ssyncset.done $0x0  }
0xd5: {  	[sflag:s8] =	ssyncadd.s32 $0xFFFF6C00  }
0xd6: {  	[tilespmem:s2], [sflag:$0x1] =	stream.linear.gather [hbm4b:s15+s2], $0x9500, $0x38;
	[tilespmem:$0x1BF00] =	vst v63  }
0xd7: {  	_ =	swait.ge [sflag:s9], $0x9400  }
0xd8: {  	[sflag:s9] =	ssyncset.done $0x0  }
0xd9: {  	[sflag:s9] =	ssyncadd.s32 $0xFFFF6C00  }
0xda: {  	[hbm4b:s16+s2] =	stream.linear.scatter [tilespmem:s5], [sflag:$0x5], $0x9400, $0x38;
	[tilespmem:$0x1BF00] =	vst v63  }
0xdb: {  	_ =	swait.ge [sflag:s10], $0x9400  }
0xdc: {  	[sflag:s10] =	ssyncset.done $0x0  }
0xdd: {  	[sflag:s10] =	ssyncadd.s32 $0xFFFF6C00  }
0xde: {  	[tilespmem:s5], [sflag:$0x2] =	stream.linear.gather [hbm4b:s17+s2], $0x9400, $0x38;
	[tilespmem:$0x1BF00] =	vst v63  }
0xdf: {  	_ =	swait.ge [sflag:s11], $0x9500  }
0xe0: {  	[sflag:s11] =	ssyncset.done $0x0  }
0xe1: {  	[sflag:s11] =	ssyncadd.s32 $0xFFFF6B00  }
0xe2: {  	[hbm4b:s18+s2] =	stream.linear.scatter [tilespmem:s6], [sflag:$0x6], $0x9500, $0x38;
	[tilespmem:$0x1BF00] =	vst v63  }
0xe3: {  	_ =	swait.ge [sflag:s12], $0x9500  }
0xe4: {  	[sflag:s12] =	ssyncset.done $0x0  }
0xe5: {  	[sflag:s12] =	ssyncadd.s32 $0xFFFF6B00  }
0xe6: {  	[tilespmem:s6], [sflag:$0x3] =	stream.linear.gather [hbm4b:s19+s2], $0x9400, $0x38;
	[tilespmem:$0x1BF00] =	vst v63  }
0xe7: {  	_ =	swait.ge [sflag:s7], $0x9500  }
0xe8: {  	[sflag:s7] =	ssyncset.done $0x0  }
0xe9: {  	[sflag:s7] =	ssyncadd.s32 $0xFFFF6B00  }
0xea: {  	[hbm4b:s20+s2] =	stream.linear.scatter [tilespmem:s2], [sflag:$0x4], $0x9500, $0x38;
	[tilespmem:$0x1BF00] =	vst v63  }
0xeb: {  	_ =	swait.ge [sflag:s8], $0x9500  }
0xec: {  	[sflag:s8] =	ssyncset.done $0x0  }
0xed: {  	[sflag:s8] =	ssyncadd.s32 $0xFFFF6B00  }
0xee: {  	[tilespmem:s2], [sflag:$0x1] =	stream.linear.gather [hbm4b:s21+s2], $0x9400, $0x38;
	[tilespmem:$0x1BF00] =	vst v63  }
0xef: {  	_ =	swait.ge [sflag:s9], $0x9400  }
0xf0: {  	[sflag:s9] =	ssyncset.done $0x0  }
0xf1: {  	[sflag:s9] =	ssyncadd.s32 $0xFFFF6C00  }
0xf2: {  	[hbm4b:s22+s2] =	stream.linear.scatter [tilespmem:s5], [sflag:$0x5], $0x9400, $0x38;
	[tilespmem:$0x1BF00] =	vst v63  }
0xf3: {  	_ =	swait.ge [sflag:s10], $0x9400  }
0xf4: {  	[sflag:s10] =	ssyncset.done $0x0  }
0xf5: {  	[sflag:s10] =	ssyncadd.s32 $0xFFFF6C00  }
0xf6: {  	[tilespmem:s5], [sflag:$0x2] =	stream.linear.gather [hbm4b:s23+s2], $0x9400, $0x38;
	[tilespmem:$0x1BF00] =	vst v63  }
0xf7: {  	_ =	swait.ge [sflag:s11], $0x9400  }
0xf8: {  	[sflag:s11] =	ssyncset.done $0x0  }
0xf9: {  	[sflag:s11] =	ssyncadd.s32 $0xFFFF6C00  }
0xfa: {  	[hbm4b:s24+s2] =	stream.linear.scatter [tilespmem:s6], [sflag:$0x6], $0x9400, $0x38;
	[tilespmem:$0x1BF00] =	vst v63  }
0xfb: {  	_ =	swait.ge [sflag:s12], $0x9400  }
0xfc: {  	[sflag:s12] =	ssyncset.done $0x0  }
0xfd: {  	[sflag:s12] =	ssyncadd.s32 $0xFFFF6C00  }
0xfe: {  	[tilespmem:s6], [sflag:$0x3] =	stream.linear.gather [hbm4b:s25+s2], $0x9400, $0x38;
	[tilespmem:$0x1BF00] =	vst v63  }
0xff: {  	_ =	swait.ge [sflag:s7], $0x9400  }
0x100: {  	[sflag:s7] =	ssyncset.done $0x0  }
0x101: {  	[sflag:s7] =	ssyncadd.s32 $0xFFFF6C00  }
0x102: {  	[hbm4b:s26+s2] =	stream.linear.scatter [tilespmem:s2], [sflag:$0x4], $0x9400, $0x38;
	[tilespmem:$0x1BF00] =	vst v63  }
0x103: {  	_ =	swait.ge [sflag:s8], $0x9400  }
0x104: {  	[sflag:s8] =	ssyncset.done $0x0  }
0x105: {  	[sflag:s8] =	ssyncadd.s32 $0xFFFF6C00  }
0x106: {  	[tilespmem:s2], [sflag:$0x1] =	stream.linear.gather [hbm4b:s28+s2], $0x9400, $0x38;
	[tilespmem:$0x1BF00] =	vst v63  }
0x107: {  	_ =	swait.ge [sflag:s9], $0x9400  }
0x108: {  	[sflag:s9] =	ssyncset.done $0x0  }
0x109: {  	[sflag:s9] =	ssyncadd.s32 $0xFFFF6C00  }
0x10a: {  	[hbm4b:s29+s2] =	stream.linear.scatter [tilespmem:s5], [sflag:$0x5], $0x9400, $0x38;
	[tilespmem:$0x1BF00] =	vst v63  }
0x10b: {  	_ =	swait.ge [sflag:s11], $0x9400  }
0x10c: {  	[sflag:s11] =	ssyncset.done $0x0  }
0x10d: {  	[sflag:s11] =	ssyncadd.s32 $0xFFFF6C00  }
0x10e: {  	[hbm4b:s30+s2] =	stream.linear.scatter [tilespmem:s6], [sflag:$0x6], $0x9400, $0x38;
	[tilespmem:$0x1BF00] =	vst v63  }
0x10f: {  	_ =	swait.ge [sflag:s7], $0x9400  }
0x110: {  	[sflag:s7] =	ssyncset.done $0x0  }
0x111: {  	[sflag:s7] =	ssyncadd.s32 $0xFFFF6C00  }
0x112: {  	[hbm4b:s31+s2] =	stream.linear.scatter [tilespmem:s2], [sflag:$0x4], $0x9400, $0x38;
	[tilespmem:$0x1BF00] =	vst v63  }
0x113: {  	_ =	swait.ge [sflag:s10], $0x9400  }
0x114: {  	[sflag:s10] =	ssyncset.done $0x0  }
0x115: {  	p0 =	sne.s32 s1, $0x1;
	[sflag:s10] =	ssyncadd.s32 $0xFFFF6C00  }
.Ltmp1:
0x116: {  	_ =	swait.ge [sflag:s12], $0x9400;
	(pc) =	sbr.rel @p0 .LBB2_2-.Ltmp1, $4  }
0x117: {  	[sflag:s12] =	ssyncset.done $0x0  }
0x118: {  	[sflag:s12] =	ssyncadd.s32 $0xFFFF6C00  }
0x119: {  	_ =	swait.ge [sflag:s8], $0x9400  }
0x11a: {  	s1 =	sadd.s32 $0xFFFFFFFF, s1;
	[sflag:s8] =	ssyncset.done $0x0  }
.LBB2_3:
0x11b: {  	[sflag:s8] =	ssyncadd.s32 $0xFFFF6C00  }
0x11c: {  	_ =	sfence.sel $0x180000  }
0x11d: {  	[bflag:$0x0] =	sbarrier.arrive $0xFFFF  }
0x11e: {  	_ =	strace $0x90000047  }
0x11f: {  	s0 =	stileid.u32;
	[bflag:$0x2] =	sbarrier.arrive $0xFFFF  }
0x120: {  	p0 =	sne.s32 s0, $0x0;
	s0 =	rddreg [dreg:$0x2]  }
0x121: {  	s0 =	sadd.s32 @!p0 $0x100000, s0  }
0x122: {  	[sflag:s0] =	ssyncadd.tile.s32 @!p0 $0x1;
	_ =	shalt  }
.Lfunc_end2:
_tile_overlayer_lowered:
.L_overlay_start_2:
0x123: {  	(tag) =	ssettag $0x2  }
0x124: {  	s0 =	rddreg [dreg:$0x0];
	s2 =	stileid.u32  }
0x125: {  	s1 =	rddreg [dreg:$0x1];
	p0 =	sne.s32 s2, $0x0  }
0x126: {  	s3 =	rddreg [dreg:$0x2];
	[bflag:$0x3] =	sbarrier.arrive $0xFFFF;
	s2 =	simm.s32 @!p0 $0x1C07  }
0x127: {  	[timem:s3], [sflag:s2] =	dma.local @!p0 [hbm:s0], s1  }
0x128: {  	s0 =	simm.s32 @!p0 $0x7  }
0x129: {  	_ =	swait.ge @!p0 [sflag:s0], s1  }
0x12a: {  	s1 =	ssub.s32 @!p0 $0x0, s1;
	[sflag:s0] =	ssyncset.done @!p0 $0x0  }
0x12b: {  	[sflag:s0] =	ssyncadd.s32 @!p0 s1  }
0x12c: {  	[bflag:$0x3] =	sbarrier.arrive $0xFFFF  }
0x12d: {  	_ =	shalt  }

</sc_bundles>
